<compile_context>
chip_gen: v7x
topology: tpu7x:2x2x1
jax: 0.10.2.dev20260603
libtpu: 0.0.44.dev20260713+nightly
codegen_flags: <defaults>
</compile_context>

<pallas_src>
import functools

import jax
import jax.numpy as jnp
from jax import lax
from jax.experimental import pallas as pl
from jax.experimental.pallas import tpu as pltpu
from jax.experimental.pallas import tpu_sc as plsc

_N = 10000
_E = 320000
_D = 128
_H = 128
_NC = 2
_NS = 16
_NW = _NC * _NS
_EPT = _E // _NW
_K = 80
_NCH = _EPT // _K
_NP = 10240
_RPT = _NP // _NS
_NPAD = 10112
_NRT = _NPAD // _NS
_BN = 1000

_mesh = plsc.VectorSubcoreMesh(
    core_axis_name="c", subcore_axis_name="s", num_cores=_NC, num_subcores=_NS
)


@functools.partial(
    pl.kernel,
    out_type=jax.ShapeDtypeStruct((_NC, _NP, _D), jnp.float32),
    mesh=_mesh,
    scratch_types=(
        [pltpu.VMEM((_K,), jnp.int32)] * 4
        + [
            pltpu.VMEM((_K, _D), jnp.float32),
            pltpu.VMEM((8, _D), jnp.float32),
            pltpu.VMEM_SHARED((_NP, _D), jnp.float32),
        ]
        + [pltpu.SemaphoreType.DMA] * 6
    ),
)
def _deg_kernel(
    dst_hbm, deg_out, didx0, didx1, didx2, didx3, onesb, zb, accum,
    isem0, isem1, isem2, isem3, ssem, zsem,
):
    c = lax.axis_index("c")
    s = lax.axis_index("s")
    w = c * _NS + s
    zero16 = jnp.zeros((16,), jnp.float32)
    one16 = jnp.ones((16,), jnp.float32)

    def fo(r, carry):
        def foc(q, inner):
            onesb[r, pl.ds(q * 16, 16)] = one16
            return inner

        lax.fori_loop(0, _D // 16, foc, 0)
        return carry

    lax.fori_loop(0, _K, fo, 0)

    def fz(r, carry):
        def fzc(q, inner):
            zb[r, pl.ds(q * 16, 16)] = zero16
            return inner

        lax.fori_loop(0, _D // 16, fzc, 0)
        return carry

    lax.fori_loop(0, 8, fz, 0)

    def zs(q, carry):
        pltpu.async_copy(zb, accum.at[pl.ds(s * _RPT + q * 8, 8)], zsem)
        return carry

    lax.fori_loop(0, _RPT // 8, zs, 0)

    def zw(q, carry):
        pltpu.make_async_copy(zb, accum.at[pl.ds(s * _RPT, 8)], zsem).wait()
        return carry

    lax.fori_loop(0, _RPT // 8, zw, 0)
    plsc.subcore_barrier()

    dbufs = ((didx0, isem0), (didx1, isem1), (didx2, isem2), (didx3, isem3))

    def load_d(j, b):
        pltpu.async_copy(
            dst_hbm.at[pl.ds(w * _EPT + j * _K, _K)], dbufs[b][0], dbufs[b][1]
        )

    def step(j, b, drain, prefetch):
        db, sem = dbufs[b]
        pltpu.make_async_copy(dst_hbm.at[pl.ds(0, _K)], db, sem).wait()
        pltpu.async_copy(onesb, accum.at[db], ssem, add=True)
        if drain:
            pltpu.make_async_copy(onesb, accum.at[db], ssem).wait()
        if prefetch:
            load_d(j + 2, (b + 2) % 4)

    load_d(0, 0)
    load_d(1, 1)
    step(0, 0, False, True)
    step(1, 1, False, True)

    def body(g, carry):
        for t in range(4):
            j = 4 * g + 2 + t
            step(j, (2 + t) % 4, True, True)
        return carry

    lax.fori_loop(0, (_NCH - 5) // 4, body, 0)
    step(_NCH - 3, 2, True, True)
    step(_NCH - 2, 3, True, False)
    step(_NCH - 1, 0, True, False)
    pltpu.make_async_copy(onesb, accum.at[didx0], ssem).wait()
    pltpu.make_async_copy(onesb, accum.at[didx0], ssem).wait()
    plsc.subcore_barrier()
    pltpu.sync_copy(
        accum.at[pl.ds(s * _RPT, _RPT)], deg_out.at[c, pl.ds(s * _RPT, _RPT)]
    )


@functools.partial(
    pl.kernel,
    out_type=jax.ShapeDtypeStruct((_NC, _NPAD, _D), jnp.float32),
    mesh=_mesh,
    scratch_types=(
        [pltpu.VMEM((_K,), jnp.int32)] * 8
        + [
            pltpu.VMEM((_K, _D), jnp.float32),
            pltpu.VMEM((_K, _D), jnp.float32),
            pltpu.VMEM((8, _D), jnp.float32),
            pltpu.VMEM_SHARED((_NPAD, _D), jnp.float32),
        ]
        + [pltpu.SemaphoreType.DMA] * 7
    ),
)
def _agg_kernel(
    hs_hbm, src_hbm, dst_hbm, out_hbm,
    sidx0, didx0, sidx1, didx1, sidx2, didx2, sidx3, didx3,
    rows0, rows1, zb, accum,
    isem0, isem1, isem2, isem3, gsem0, gsem1, zsem,
):
    c = lax.axis_index("c")
    s = lax.axis_index("s")
    w = c * _NS + s
    zero16 = jnp.zeros((16,), jnp.float32)

    def fz(r, carry):
        def fzc(q, inner):
            zb[r, pl.ds(q * 16, 16)] = zero16
            return inner

        lax.fori_loop(0, _D // 16, fzc, 0)
        return carry

    lax.fori_loop(0, 8, fz, 0)

    def zs(q, carry):
        pltpu.async_copy(zb, accum.at[pl.ds(s * _NRT + q * 8, 8)], zsem)
        return carry

    lax.fori_loop(0, _NRT // 8, zs, 0)

    def zw(q, carry):
        pltpu.make_async_copy(zb, accum.at[pl.ds(s * _NRT, 8)], zsem).wait()
        return carry

    lax.fori_loop(0, _NRT // 8, zw, 0)
    plsc.subcore_barrier()

    def load_idx(j, sb, db, sem):
        pltpu.async_copy(src_hbm.at[w, j], sb, sem)
        pltpu.async_copy(dst_hbm.at[w, j], db, sem)

    def wait_idx(sb, db, sem):
        pltpu.make_async_copy(src_hbm.at[w, 0], sb, sem).wait()
        pltpu.make_async_copy(dst_hbm.at[w, 0], db, sem).wait()

    ibufs = (
        (sidx0, didx0, isem0),
        (sidx1, didx1, isem1),
        (sidx2, didx2, isem2),
        (sidx3, didx3, isem3),
    )
    gbufs = ((rows0, gsem0), (rows1, gsem1))

    for b in range(4):
        load_idx(b, *ibufs[b])
    wait_idx(*ibufs[0])
    pltpu.async_copy(hs_hbm.at[sidx0], rows0, gsem0)

    def body(g, carry):
        for t in range(4):
            j = 4 * g + 1 + t
            sb, db, sem = ibufs[(1 + t) % 4]
            grow, gsem = gbufs[(1 + t) % 2]
            prow, psem = gbufs[t % 2]
            pdb = ibufs[t % 4][1]
            wait_idx(sb, db, sem)
            pltpu.async_copy(hs_hbm.at[sb], grow, gsem)
            pltpu.make_async_copy(hs_hbm.at[sb], prow, psem).wait()
            pltpu.sync_copy(prow, accum.at[pdb], add=True)

            @pl.when(j + 3 <= _NCH - 1)
            def _():
                load_idx(j + 3, *ibufs[t % 4])

        return carry

    lax.fori_loop(0, (_NCH - 1) // 4, body, 0)
    pltpu.make_async_copy(hs_hbm.at[sidx0], rows0, gsem0).wait()
    pltpu.sync_copy(rows0, accum.at[didx0], add=True)
    plsc.subcore_barrier()
    pltpu.sync_copy(
        accum.at[pl.ds(s * _NRT, _NRT)], out_hbm.at[c, pl.ds(s * _NRT, _NRT)]
    )


def _mm_body(x_ref, w_ref, o_ref):
    o_ref[...] = jnp.dot(x_ref[...], w_ref[...], preferred_element_type=jnp.float32)


def _tc_mm(x, wT):
    return pl.pallas_call(
        _mm_body,
        grid=(_N // _BN,),
        in_specs=[
            pl.BlockSpec((_BN, _D), lambda i: (i, 0)),
            pl.BlockSpec((_D, _H), lambda i: (0, 0)),
        ],
        out_specs=pl.BlockSpec((_BN, _H), lambda i: (i, 0)),
        out_shape=jax.ShapeDtypeStruct((_N, _H), jnp.float32),
    )(x, wT)


def _scale_body(t_ref, d_ref, o_ref):
    norm = lax.rsqrt(jnp.maximum(d_ref[0] + d_ref[1], 1.0))
    o_ref[...] = t_ref[...] * norm


def _tc_scale(t1, degp):
    return pl.pallas_call(
        _scale_body,
        grid=(_N // _BN,),
        in_specs=[
            pl.BlockSpec((_BN, _H), lambda i: (i, 0)),
            pl.BlockSpec((2, _BN, 1), lambda i: (0, i, 0)),
        ],
        out_specs=pl.BlockSpec((_BN, _H), lambda i: (i, 0)),
        out_shape=jax.ShapeDtypeStruct((_N, _H), jnp.float32),
    )(t1, degp)


def _post1_body(a_ref, d_ref, b_ref, o_ref):
    a = a_ref[0] + a_ref[1]
    norm = lax.rsqrt(jnp.maximum(d_ref[0] + d_ref[1], 1.0))
    h = jnp.maximum(norm * a + b_ref[...], 0.0)
    o_ref[...] = norm * h


def _tc_post1(agg, degp, b1r):
    return pl.pallas_call(
        _post1_body,
        grid=(_N // _BN,),
        in_specs=[
            pl.BlockSpec((2, _BN, _D), lambda i: (0, i, 0)),
            pl.BlockSpec((2, _BN, 1), lambda i: (0, i, 0)),
            pl.BlockSpec((1, _H), lambda i: (0, 0)),
        ],
        out_specs=pl.BlockSpec((_BN, _H), lambda i: (i, 0)),
        out_shape=jax.ShapeDtypeStruct((_N, _H), jnp.float32),
    )(agg, degp, b1r)


def _post2_body(a_ref, d_ref, w2_ref, b2_ref, wc_ref, bc_ref, o_ref, acc_ref):
    i = pl.program_id(0)
    a = a_ref[0] + a_ref[1]
    norm = lax.rsqrt(jnp.maximum(d_ref[0] + d_ref[1], 1.0))
    z = jnp.dot(norm * a, w2_ref[...], preferred_element_type=jnp.float32)
    h = jnp.maximum(z + b2_ref[...], 0.0)
    ssum = jnp.sum(h, axis=0, keepdims=True)

    @pl.when(i == 0)
    def _():
        acc_ref[...] = ssum

    @pl.when(i > 0)
    def _():
        acc_ref[...] = acc_ref[...] + ssum

    @pl.when(i == _N // _BN - 1)
    def _():
        hg = acc_ref[...] * (1.0 / _N)
        o_ref[...] = (
            jnp.dot(hg, wc_ref[...], preferred_element_type=jnp.float32)
            + bc_ref[...]
        )


def _tc_post2(agg, degp, w2T, b2r, wcT, bcr):
    return pl.pallas_call(
        _post2_body,
        grid=(_N // _BN,),
        in_specs=[
            pl.BlockSpec((2, _BN, _D), lambda i: (0, i, 0)),
            pl.BlockSpec((2, _BN, 1), lambda i: (0, i, 0)),
            pl.BlockSpec((_H, 256), lambda i: (0, 0)),
            pl.BlockSpec((1, 256), lambda i: (0, 0)),
            pl.BlockSpec((256, 10), lambda i: (0, 0)),
            pl.BlockSpec((1, 10), lambda i: (0, 0)),
        ],
        out_specs=pl.BlockSpec((1, 10), lambda i: (0, 0)),
        out_shape=jax.ShapeDtypeStruct((1, 10), jnp.float32),
        scratch_shapes=[pltpu.VMEM((1, 256), jnp.float32)],
    )(agg, degp, w2T, b2r, wcT, bcr)


def kernel(x, edge_index, W1, b1, W2, b2, Wc, bc):
    src3 = edge_index[0].reshape(_NW, _NCH, _K)
    dst3 = edge_index[1].reshape(_NW, _NCH, _K)
    degw = _deg_kernel(edge_index[1])
    degp = degw[:, :_N, :1]
    t1 = _tc_mm(x, W1.T)
    hs = _tc_scale(t1, degp)
    a1 = _agg_kernel(hs, src3, dst3)
    h1s = _tc_post1(a1, degp, b1.reshape(1, _H))
    a2 = _agg_kernel(h1s, src3, dst3)
    y = _tc_post2(
        a2, degp, W2.T, b2.reshape(1, 256), Wc.T, bc.reshape(1, 10)
    )
    return y

# --- scband reference (transcript-rebuilt; emitter-appended) ---
"""Pipeline reference for scband-classifier-4389456576810 (READ-ONLY COPY).

The authoritative reference and input builder live on the scoring server;
editing this copy changes nothing except your own understanding.
"""

import jax, jax.numpy as jnp
import numpy as np

N = 10000
E = 320000
D = 128
H = 128
C = 10


def setup_inputs(seed: int = 0) -> dict:
    key = jax.random.key(seed)
    ks = jax.random.split(key, 8)
    x = jax.random.normal(ks[0], (N, D), dtype=jnp.float32)
    edge_index = jax.random.randint(ks[1], (2, E), 0, N, dtype=jnp.int32)
    W1 = jax.random.normal(ks[2], (H, D), dtype=jnp.float32) * (1.0 / np.sqrt(D))
    b1 = jnp.zeros((H,), dtype=jnp.float32)
    W2 = jax.random.normal(ks[3], (256, H), dtype=jnp.float32) * (1.0 / np.sqrt(H))
    b2 = jnp.zeros((256,), dtype=jnp.float32)
    Wc = jax.random.normal(ks[4], (C, 256), dtype=jnp.float32) * (1.0 / np.sqrt(256))
    bc = jnp.zeros((C,), dtype=jnp.float32)
    return {"x": x, "edge_index": edge_index, "W1": W1, "b1": b1, "W2": W2, "b2": b2, "Wc": Wc, "bc": bc}


def _sgconv(x, src, dst, W, b):
    # DGL SGConv with k=1: symmetric normalization using in-degrees
    n = x.shape[0]
    deg = jnp.zeros((n,), dtype=x.dtype).at[dst].add(1.0)
    deg = jnp.clip(deg, 1.0, None)
    norm = deg ** -0.5
    h = x * norm[:, None]
    agg = jnp.zeros_like(h).at[dst].add(h[src])
    h = agg * norm[:, None]
    return h @ W.T + b


def reference(x, edge_index, W1, b1, W2, b2, Wc, bc):
    src = edge_index[0]
    dst = edge_index[1]
    h = jax.nn.relu(_sgconv(x, src, dst, W1, b1))
    h = jax.nn.relu(_sgconv(h, src, dst, W2, b2))
    # AvgPooling over a single graph -> [1, 256]
    hg = jnp.mean(h, axis=0, keepdims=True)
    y = hg @ Wc.T + bc
    return y

if __name__ == "__main__":
    import jax
    _d = setup_inputs()
    print(jax.jit(kernel)(*tuple(_d.values())))

</pallas_src>

<mosaic_0001>
#map = affine_map<(d0, d1) -> (0, 0)>
#map1 = affine_map<(d0, d1) -> (0, 0, 0)>
module attributes {stable_mosaic.version = 14 : i64} {
  func.func @_agg_kernel(%arg0: i32, %arg1: i32, %arg2: memref<10000x128xf32, #tpu.memory_space<hbm>>, %arg3: memref<32x125x80xi32, #tpu.memory_space<hbm>>, %arg4: memref<32x125x80xi32, #tpu.memory_space<hbm>>, %arg5: memref<2x10112x128xf32, #tpu.memory_space<hbm>>, %arg6: memref<80xi32, #tpu.memory_space<vmem>>, %arg7: memref<80xi32, #tpu.memory_space<vmem>>, %arg8: memref<80xi32, #tpu.memory_space<vmem>>, %arg9: memref<80xi32, #tpu.memory_space<vmem>>, %arg10: memref<80xi32, #tpu.memory_space<vmem>>, %arg11: memref<80xi32, #tpu.memory_space<vmem>>, %arg12: memref<80xi32, #tpu.memory_space<vmem>>, %arg13: memref<80xi32, #tpu.memory_space<vmem>>, %arg14: memref<80x128xf32, #tpu.memory_space<vmem>>, %arg15: memref<80x128xf32, #tpu.memory_space<vmem>>, %arg16: memref<8x128xf32, #tpu.memory_space<vmem>>, %arg17: memref<10112x128xf32, #tpu.memory_space<vmem_shared>>, %arg18: memref<!tpu.dma_semaphore, #tpu.memory_space<semaphore_mem>>, %arg19: memref<!tpu.dma_semaphore, #tpu.memory_space<semaphore_mem>>, %arg20: memref<!tpu.dma_semaphore, #tpu.memory_space<semaphore_mem>>, %arg21: memref<!tpu.dma_semaphore, #tpu.memory_space<semaphore_mem>>, %arg22: memref<!tpu.dma_semaphore, #tpu.memory_space<semaphore_mem>>, %arg23: memref<!tpu.dma_semaphore, #tpu.memory_space<semaphore_mem>>, %arg24: memref<!tpu.dma_semaphore, #tpu.memory_space<semaphore_mem>>) attributes {dimension_semantics = [#tpu.dimension_semantics<core_parallel>, #tpu.dimension_semantics<subcore_parallel>], iteration_bounds = array<i64: 2, 16>, scalar_prefetch = 0 : i64, scratch_operands = 19 : i64, tpu.core_type = #tpu.core_type<sc_vector_subcore>, window_params = [{transform_indices = #map}, {transform_indices = #map1}, {transform_indices = #map1}, {transform_indices = #map1}]} {
    %mul3A = arith.constant 16 : i32
    %mul3A_0 = arith.muli %arg0, %mul3A : i32
    %add3A = arith.addi %mul3A_0, %arg1 : i32
    %broadcast_in_dim3A = arith.constant 0.000000e+00 : f32
    %broadcast_in_dim3A_1 = vector.broadcast %broadcast_in_dim3A : f32 to vector<16xf32>
    %scan3A = arith.constant 0 : i32
    %scan3A_2 = arith.constant 0 : i32
    %scan3A_3 = arith.constant 8 : i32
    %scan3A_4 = arith.addi %scan3A_2, %scan3A_3 : i32
    %scan3A_5 = arith.constant 1 : i32
    scf.for %scan3A_104 = %scan3A_2 to %scan3A_4 step %scan3A_5  : i32 {
      %scan3A_105 = arith.constant 0 : i32
      %scan3A_106 = arith.constant 0 : i32
      %scan3A_107 = arith.constant 8 : i32
      %scan3A_108 = arith.addi %scan3A_106, %scan3A_107 : i32
      %scan3A_109 = arith.constant 1 : i32
      scf.for %scan3A_111 = %scan3A_106 to %scan3A_108 step %scan3A_109  : i32 {
        %mul3A_112 = arith.constant 16 : i32
        %mul3A_113 = arith.muli %scan3A_111, %mul3A_112 : i32
        %swap3A = arith.index_cast %scan3A_104 : i32 to index
        %swap3A_114 = arith.index_cast %mul3A_113 : i32 to index
        %swap3A_115 = tpu.vector_load %arg16[%swap3A, %swap3A_114] {strides = array<i32>} : memref<8x128xf32, #tpu.memory_space<vmem>>, vector<1x16xf32>,
        %swap3A_116 = vector.shape_cast %swap3A_115 : vector<1x16xf32> to vector<16xf32>
        %swap3A_117 = vector.shape_cast %broadcast_in_dim3A_1 : vector<16xf32> to vector<1x16xf32>
        tpu.vector_store %arg16[%swap3A, %swap3A_114], %swap3A_117 {strides = array<i32>} : memref<8x128xf32, #tpu.memory_space<vmem>>, vector<1x16xf32>,
      }
      %scan3A_110 = arith.constant 8 : i32
    }
    %scan3A_6 = arith.constant 8 : i32
    %scan3A_7 = arith.constant 0 : i32
    %scan3A_8 = arith.constant 0 : i32
    %scan3A_9 = arith.constant 79 : i32
    %scan3A_10 = arith.addi %scan3A_8, %scan3A_9 : i32
    %scan3A_11 = arith.constant 1 : i32
    scf.for %scan3A_104 = %scan3A_8 to %scan3A_10 step %scan3A_11  : i32 {
      %mul3A_105 = arith.constant 632 : i32
      %mul3A_106 = arith.muli %arg1, %mul3A_105 : i32
      %mul3A_107 = arith.constant 8 : i32
      %mul3A_108 = arith.muli %scan3A_104, %mul3A_107 : i32
      %add3A_109 = arith.addi %mul3A_106, %mul3A_108 : i32
      %dma_start3A_110 = arith.constant 0 : i32
      %dma_start3A_111 = tpu.memref_slice %arg17[%add3A_109, %dma_start3A_110] : memref<10112x128xf32, #tpu.memory_space<vmem_shared>> -> memref<8x128xf32, #tpu.memory_space<vmem_shared>>
      %dma_start3A_112 = arith.constant 0 : i32
      %dma_start3A_113 = tpu.memref_slice %arg17[%add3A_109, %dma_start3A_112] : memref<10112x128xf32, #tpu.memory_space<vmem_shared>> -> memref<8x128xf32, #tpu.memory_space<vmem_shared>>
      tpu.enqueue_dma source(%arg16 : memref<8x128xf32, #tpu.memory_space<vmem>>) target(%dma_start3A_113 : memref<8x128xf32, #tpu.memory_space<vmem_shared>>) target_semaphore(%arg24 : memref<!tpu.dma_semaphore, #tpu.memory_space<semaphore_mem>>)
    }
    %scan3A_12 = arith.constant 79 : i32
    %scan3A_13 = arith.constant 0 : i32
    %scan3A_14 = arith.constant 0 : i32
    %scan3A_15 = arith.constant 79 : i32
    %scan3A_16 = arith.addi %scan3A_14, %scan3A_15 : i32
    %scan3A_17 = arith.constant 1 : i32
    scf.for %scan3A_104 = %scan3A_14 to %scan3A_16 step %scan3A_17  : i32 {
      %mul3A_105 = arith.constant 632 : i32
      %mul3A_106 = arith.muli %arg1, %mul3A_105 : i32
      %dma_wait3A_107 = arith.constant 0 : i32
      %dma_wait3A_108 = tpu.memref_slice %arg17[%mul3A_106, %dma_wait3A_107] : memref<10112x128xf32, #tpu.memory_space<vmem_shared>> -> memref<8x128xf32, #tpu.memory_space<vmem_shared>>
      %dma_wait3A_109 = arith.constant 0 : i32
      %dma_wait3A_110 = tpu.memref_slice %arg17[%mul3A_106, %dma_wait3A_109] : memref<10112x128xf32, #tpu.memory_space<vmem_shared>> -> memref<8x128xf32, #tpu.memory_space<vmem_shared>>
      tpu.wait_dma2 semaphore(%arg24 : memref<!tpu.dma_semaphore, #tpu.memory_space<semaphore_mem>>) src(%arg16 : memref<8x128xf32, #tpu.memory_space<vmem>>) dst(%dma_wait3A_110 : memref<8x128xf32, #tpu.memory_space<vmem_shared>>)
    }
    %scan3A_18 = arith.constant 79 : i32
    %barrier3A = arith.constant 0 : index
    tpu.barrier barrier_id(%barrier3A)
    %dma_start3A = arith.constant 0 : i32
    %dma_start3A_19 = arith.constant 0 : i32
    %dma_start3A_20 = tpu.memref_slice %arg3[%add3A, %dma_start3A, %dma_start3A_19] : memref<32x125x80xi32, #tpu.memory_space<hbm>> -> memref<1x1x80xi32, #tpu.memory_space<hbm>>
    %dma_start3A_21 = tpu.memref_squeeze %dma_start3A_20 : memref<1x1x80xi32, #tpu.memory_space<hbm>> -> memref<80xi32, #tpu.memory_space<hbm>>
    %dma_start3A_22 = arith.constant 0 : i32
    %dma_start3A_23 = tpu.memref_slice %arg3[%add3A, %dma_start3A, %dma_start3A_22] : memref<32x125x80xi32, #tpu.memory_space<hbm>> -> memref<1x1x80xi32, #tpu.memory_space<hbm>>
    %dma_start3A_24 = tpu.memref_squeeze %dma_start3A_23 : memref<1x1x80xi32, #tpu.memory_space<hbm>> -> memref<80xi32, #tpu.memory_space<hbm>>
    tpu.enqueue_dma source(%dma_start3A_24 : memref<80xi32, #tpu.memory_space<hbm>>) target(%arg6 : memref<80xi32, #tpu.memory_space<vmem>>) target_semaphore(%arg18 : memref<!tpu.dma_semaphore, #tpu.memory_space<semaphore_mem>>)
    %dma_start3A_25 = arith.constant 0 : i32
    %dma_start3A_26 = arith.constant 0 : i32
    %dma_start3A_27 = tpu.memref_slice %arg4[%add3A, %dma_start3A_25, %dma_start3A_26] : memref<32x125x80xi32, #tpu.memory_space<hbm>> -> memref<1x1x80xi32, #tpu.memory_space<hbm>>
    %dma_start3A_28 = tpu.memref_squeeze %dma_start3A_27 : memref<1x1x80xi32, #tpu.memory_space<hbm>> -> memref<80xi32, #tpu.memory_space<hbm>>
    %dma_start3A_29 = arith.constant 0 : i32
    %dma_start3A_30 = tpu.memref_slice %arg4[%add3A, %dma_start3A_25, %dma_start3A_29] : memref<32x125x80xi32, #tpu.memory_space<hbm>> -> memref<1x1x80xi32, #tpu.memory_space<hbm>>
    %dma_start3A_31 = tpu.memref_squeeze %dma_start3A_30 : memref<1x1x80xi32, #tpu.memory_space<hbm>> -> memref<80xi32, #tpu.memory_space<hbm>>
    tpu.enqueue_dma source(%dma_start3A_31 : memref<80xi32, #tpu.memory_space<hbm>>) target(%arg7 : memref<80xi32, #tpu.memory_space<vmem>>) target_semaphore(%arg18 : memref<!tpu.dma_semaphore, #tpu.memory_space<semaphore_mem>>)
    %dma_start3A_32 = arith.constant 1 : i32
    %dma_start3A_33 = arith.constant 0 : i32
    %dma_start3A_34 = tpu.memref_slice %arg3[%add3A, %dma_start3A_32, %dma_start3A_33] : memref<32x125x80xi32, #tpu.memory_space<hbm>> -> memref<1x1x80xi32, #tpu.memory_space<hbm>>
    %dma_start3A_35 = tpu.memref_squeeze %dma_start3A_34 : memref<1x1x80xi32, #tpu.memory_space<hbm>> -> memref<80xi32, #tpu.memory_space<hbm>>
    %dma_start3A_36 = arith.constant 0 : i32
    %dma_start3A_37 = tpu.memref_slice %arg3[%add3A, %dma_start3A_32, %dma_start3A_36] : memref<32x125x80xi32, #tpu.memory_space<hbm>> -> memref<1x1x80xi32, #tpu.memory_space<hbm>>
    %dma_start3A_38 = tpu.memref_squeeze %dma_start3A_37 : memref<1x1x80xi32, #tpu.memory_space<hbm>> -> memref<80xi32, #tpu.memory_space<hbm>>
    tpu.enqueue_dma source(%dma_start3A_38 : memref<80xi32, #tpu.memory_space<hbm>>) target(%arg8 : memref<80xi32, #tpu.memory_space<vmem>>) target_semaphore(%arg19 : memref<!tpu.dma_semaphore, #tpu.memory_space<semaphore_mem>>)
    %dma_start3A_39 = arith.constant 1 : i32
    %dma_start3A_40 = arith.constant 0 : i32
    %dma_start3A_41 = tpu.memref_slice %arg4[%add3A, %dma_start3A_39, %dma_start3A_40] : memref<32x125x80xi32, #tpu.memory_space<hbm>> -> memref<1x1x80xi32, #tpu.memory_space<hbm>>
    %dma_start3A_42 = tpu.memref_squeeze %dma_start3A_41 : memref<1x1x80xi32, #tpu.memory_space<hbm>> -> memref<80xi32, #tpu.memory_space<hbm>>
    %dma_start3A_43 = arith.constant 0 : i32
    %dma_start3A_44 = tpu.memref_slice %arg4[%add3A, %dma_start3A_39, %dma_start3A_43] : memref<32x125x80xi32, #tpu.memory_space<hbm>> -> memref<1x1x80xi32, #tpu.memory_space<hbm>>
    %dma_start3A_45 = tpu.memref_squeeze %dma_start3A_44 : memref<1x1x80xi32, #tpu.memory_space<hbm>> -> memref<80xi32, #tpu.memory_space<hbm>>
    tpu.enqueue_dma source(%dma_start3A_45 : memref<80xi32, #tpu.memory_space<hbm>>) target(%arg9 : memref<80xi32, #tpu.memory_space<vmem>>) target_semaphore(%arg19 : memref<!tpu.dma_semaphore, #tpu.memory_space<semaphore_mem>>)
    %dma_start3A_46 = arith.constant 2 : i32
    %dma_start3A_47 = arith.constant 0 : i32
    %dma_start3A_48 = tpu.memref_slice %arg3[%add3A, %dma_start3A_46, %dma_start3A_47] : memref<32x125x80xi32, #tpu.memory_space<hbm>> -> memref<1x1x80xi32, #tpu.memory_space<hbm>>
    %dma_start3A_49 = tpu.memref_squeeze %dma_start3A_48 : memref<1x1x80xi32, #tpu.memory_space<hbm>> -> memref<80xi32, #tpu.memory_space<hbm>>
    %dma_start3A_50 = arith.constant 0 : i32
    %dma_start3A_51 = tpu.memref_slice %arg3[%add3A, %dma_start3A_46, %dma_start3A_50] : memref<32x125x80xi32, #tpu.memory_space<hbm>> -> memref<1x1x80xi32, #tpu.memory_space<hbm>>
    %dma_start3A_52 = tpu.memref_squeeze %dma_start3A_51 : memref<1x1x80xi32, #tpu.memory_space<hbm>> -> memref<80xi32, #tpu.memory_space<hbm>>
    tpu.enqueue_dma source(%dma_start3A_52 : memref<80xi32, #tpu.memory_space<hbm>>) target(%arg10 : memref<80xi32, #tpu.memory_space<vmem>>) target_semaphore(%arg20 : memref<!tpu.dma_semaphore, #tpu.memory_space<semaphore_mem>>)
    %dma_start3A_53 = arith.constant 2 : i32
    %dma_start3A_54 = arith.constant 0 : i32
    %dma_start3A_55 = tpu.memref_slice %arg4[%add3A, %dma_start3A_53, %dma_start3A_54] : memref<32x125x80xi32, #tpu.memory_space<hbm>> -> memref<1x1x80xi32, #tpu.memory_space<hbm>>
    %dma_start3A_56 = tpu.memref_squeeze %dma_start3A_55 : memref<1x1x80xi32, #tpu.memory_space<hbm>> -> memref<80xi32, #tpu.memory_space<hbm>>
    %dma_start3A_57 = arith.constant 0 : i32
    %dma_start3A_58 = tpu.memref_slice %arg4[%add3A, %dma_start3A_53, %dma_start3A_57] : memref<32x125x80xi32, #tpu.memory_space<hbm>> -> memref<1x1x80xi32, #tpu.memory_space<hbm>>
    %dma_start3A_59 = tpu.memref_squeeze %dma_start3A_58 : memref<1x1x80xi32, #tpu.memory_space<hbm>> -> memref<80xi32, #tpu.memory_space<hbm>>
    tpu.enqueue_dma source(%dma_start3A_59 : memref<80xi32, #tpu.memory_space<hbm>>) target(%arg11 : memref<80xi32, #tpu.memory_space<vmem>>) target_semaphore(%arg20 : memref<!tpu.dma_semaphore, #tpu.memory_space<semaphore_mem>>)
    %dma_start3A_60 = arith.constant 3 : i32
    %dma_start3A_61 = arith.constant 0 : i32
    %dma_start3A_62 = tpu.memref_slice %arg3[%add3A, %dma_start3A_60, %dma_start3A_61] : memref<32x125x80xi32, #tpu.memory_space<hbm>> -> memref<1x1x80xi32, #tpu.memory_space<hbm>>
    %dma_start3A_63 = tpu.memref_squeeze %dma_start3A_62 : memref<1x1x80xi32, #tpu.memory_space<hbm>> -> memref<80xi32, #tpu.memory_space<hbm>>
    %dma_start3A_64 = arith.constant 0 : i32
    %dma_start3A_65 = tpu.memref_slice %arg3[%add3A, %dma_start3A_60, %dma_start3A_64] : memref<32x125x80xi32, #tpu.memory_space<hbm>> -> memref<1x1x80xi32, #tpu.memory_space<hbm>>
    %dma_start3A_66 = tpu.memref_squeeze %dma_start3A_65 : memref<1x1x80xi32, #tpu.memory_space<hbm>> -> memref<80xi32, #tpu.memory_space<hbm>>
    tpu.enqueue_dma source(%dma_start3A_66 : memref<80xi32, #tpu.memory_space<hbm>>) target(%arg12 : memref<80xi32, #tpu.memory_space<vmem>>) target_semaphore(%arg21 : memref<!tpu.dma_semaphore, #tpu.memory_space<semaphore_mem>>)
    %dma_start3A_67 = arith.constant 3 : i32
    %dma_start3A_68 = arith.constant 0 : i32
    %dma_start3A_69 = tpu.memref_slice %arg4[%add3A, %dma_start3A_67, %dma_start3A_68] : memref<32x125x80xi32, #tpu.memory_space<hbm>> -> memref<1x1x80xi32, #tpu.memory_space<hbm>>
    %dma_start3A_70 = tpu.memref_squeeze %dma_start3A_69 : memref<1x1x80xi32, #tpu.memory_space<hbm>> -> memref<80xi32, #tpu.memory_space<hbm>>
    %dma_start3A_71 = arith.constant 0 : i32
    %dma_start3A_72 = tpu.memref_slice %arg4[%add3A, %dma_start3A_67, %dma_start3A_71] : memref<32x125x80xi32, #tpu.memory_space<hbm>> -> memref<1x1x80xi32, #tpu.memory_space<hbm>>
    %dma_start3A_73 = tpu.memref_squeeze %dma_start3A_72 : memref<1x1x80xi32, #tpu.memory_space<hbm>> -> memref<80xi32, #tpu.memory_space<hbm>>
    tpu.enqueue_dma source(%dma_start3A_73 : memref<80xi32, #tpu.memory_space<hbm>>) target(%arg13 : memref<80xi32, #tpu.memory_space<vmem>>) target_semaphore(%arg21 : memref<!tpu.dma_semaphore, #tpu.memory_space<semaphore_mem>>)
    %dma_wait3A = arith.constant 0 : i32
    %dma_wait3A_74 = arith.constant 0 : i32
    %dma_wait3A_75 = tpu.memref_slice %arg3[%add3A, %dma_wait3A, %dma_wait3A_74] : memref<32x125x80xi32, #tpu.memory_space<hbm>> -> memref<1x1x80xi32, #tpu.memory_space<hbm>>
    %dma_wait3A_76 = tpu.memref_squeeze %dma_wait3A_75 : memref<1x1x80xi32, #tpu.memory_space<hbm>> -> memref<80xi32, #tpu.memory_space<hbm>>
    %dma_wait3A_77 = arith.constant 0 : i32
    %dma_wait3A_78 = tpu.memref_slice %arg3[%add3A, %dma_wait3A, %dma_wait3A_77] : memref<32x125x80xi32, #tpu.memory_space<hbm>> -> memref<1x1x80xi32, #tpu.memory_space<hbm>>
    %dma_wait3A_79 = tpu.memref_squeeze %dma_wait3A_78 : memref<1x1x80xi32, #tpu.memory_space<hbm>> -> memref<80xi32, #tpu.memory_space<hbm>>
    tpu.wait_dma2 semaphore(%arg18 : memref<!tpu.dma_semaphore, #tpu.memory_space<semaphore_mem>>) src(%dma_wait3A_79 : memref<80xi32, #tpu.memory_space<hbm>>) dst(%arg6 : memref<80xi32, #tpu.memory_space<vmem>>)
    %dma_wait3A_80 = arith.constant 0 : i32
    %dma_wait3A_81 = arith.constant 0 : i32
    %dma_wait3A_82 = tpu.memref_slice %arg4[%add3A, %dma_wait3A_80, %dma_wait3A_81] : memref<32x125x80xi32, #tpu.memory_space<hbm>> -> memref<1x1x80xi32, #tpu.memory_space<hbm>>
    %dma_wait3A_83 = tpu.memref_squeeze %dma_wait3A_82 : memref<1x1x80xi32, #tpu.memory_space<hbm>> -> memref<80xi32, #tpu.memory_space<hbm>>
    %dma_wait3A_84 = arith.constant 0 : i32
    %dma_wait3A_85 = tpu.memref_slice %arg4[%add3A, %dma_wait3A_80, %dma_wait3A_84] : memref<32x125x80xi32, #tpu.memory_space<hbm>> -> memref<1x1x80xi32, #tpu.memory_space<hbm>>
    %dma_wait3A_86 = tpu.memref_squeeze %dma_wait3A_85 : memref<1x1x80xi32, #tpu.memory_space<hbm>> -> memref<80xi32, #tpu.memory_space<hbm>>
    tpu.wait_dma2 semaphore(%arg18 : memref<!tpu.dma_semaphore, #tpu.memory_space<semaphore_mem>>) src(%dma_wait3A_86 : memref<80xi32, #tpu.memory_space<hbm>>) dst(%arg7 : memref<80xi32, #tpu.memory_space<vmem>>)
    %dma_start3A_87 = arith.constant 0 : i32
    %dma_start3A_88 = arith.constant 0 : i32
    %dma_start3A_89 = tpu.memref_slice %arg2[%dma_start3A_87, %dma_start3A_88] : memref<10000x128xf32, #tpu.memory_space<hbm>> -> memref<10000x128xf32, #tpu.memory_space<hbm>>
    tpu.enqueue_indirect_dma source(%dma_start3A_89 : memref<10000x128xf32, #tpu.memory_space<hbm>>) target(%arg14 : memref<80x128xf32, #tpu.memory_space<vmem>>) offsets(%arg6 : memref<80xi32, #tpu.memory_space<vmem>>) semaphore(%arg22 : memref<!tpu.dma_semaphore, #tpu.memory_space<semaphore_mem>>)
    %scan3A_90 = arith.constant 0 : i32
    %scan3A_91 = arith.constant 0 : i32
    %scan3A_92 = arith.constant 31 : i32
    %scan3A_93 = arith.addi %scan3A_91, %scan3A_92 : i32
    %scan3A_94 = arith.constant 1 : i32
    scf.for %scan3A_104 = %scan3A_91 to %scan3A_93 step %scan3A_94  : i32 {
      %mul3A_105 = arith.constant 4 : i32
      %mul3A_106 = arith.muli %mul3A_105, %scan3A_104 : i32
      %add3A_107 = arith.constant 1 : i32
      %add3A_108 = arith.addi %mul3A_106, %add3A_107 : i32
      %add3A_109 = arith.constant 0 : i32
      %add3A_110 = arith.addi %add3A_108, %add3A_109 : i32
      %dma_wait3A_111 = arith.constant 0 : i32
      %dma_wait3A_112 = arith.constant 0 : i32
      %dma_wait3A_113 = tpu.memref_slice %arg3[%add3A, %dma_wait3A_111, %dma_wait3A_112] : memref<32x125x80xi32, #tpu.memory_space<hbm>> -> memref<1x1x80xi32, #tpu.memory_space<hbm>>
      %dma_wait3A_114 = tpu.memref_squeeze %dma_wait3A_113 : memref<1x1x80xi32, #tpu.memory_space<hbm>> -> memref<80xi32, #tpu.memory_space<hbm>>
      %dma_wait3A_115 = arith.constant 0 : i32
      %dma_wait3A_116 = tpu.memref_slice %arg3[%add3A, %dma_wait3A_111, %dma_wait3A_115] : memref<32x125x80xi32, #tpu.memory_space<hbm>> -> memref<1x1x80xi32, #tpu.memory_space<hbm>>
      %dma_wait3A_117 = tpu.memref_squeeze %dma_wait3A_116 : memref<1x1x80xi32, #tpu.memory_space<hbm>> -> memref<80xi32, #tpu.memory_space<hbm>>
      tpu.wait_dma2 semaphore(%arg19 : memref<!tpu.dma_semaphore, #tpu.memory_space<semaphore_mem>>) src(%dma_wait3A_117 : memref<80xi32, #tpu.memory_space<hbm>>) dst(%arg8 : memref<80xi32, #tpu.memory_space<vmem>>)
      %dma_wait3A_118 = arith.constant 0 : i32
      %dma_wait3A_119 = arith.constant 0 : i32
      %dma_wait3A_120 = tpu.memref_slice %arg4[%add3A, %dma_wait3A_118, %dma_wait3A_119] : memref<32x125x80xi32, #tpu.memory_space<hbm>> -> memref<1x1x80xi32, #tpu.memory_space<hbm>>
      %dma_wait3A_121 = tpu.memref_squeeze %dma_wait3A_120 : memref<1x1x80xi32, #tpu.memory_space<hbm>> -> memref<80xi32, #tpu.memory_space<hbm>>
      %dma_wait3A_122 = arith.constant 0 : i32
      %dma_wait3A_123 = tpu.memref_slice %arg4[%add3A, %dma_wait3A_118, %dma_wait3A_122] : memref<32x125x80xi32, #tpu.memory_space<hbm>> -> memref<1x1x80xi32, #tpu.memory_space<hbm>>
      %dma_wait3A_124 = tpu.memref_squeeze %dma_wait3A_123 : memref<1x1x80xi32, #tpu.memory_space<hbm>> -> memref<80xi32, #tpu.memory_space<hbm>>
      tpu.wait_dma2 semaphore(%arg19 : memref<!tpu.dma_semaphore, #tpu.memory_space<semaphore_mem>>) src(%dma_wait3A_124 : memref<80xi32, #tpu.memory_space<hbm>>) dst(%arg9 : memref<80xi32, #tpu.memory_space<vmem>>)
      %dma_start3A_125 = arith.constant 0 : i32
      %dma_start3A_126 = arith.constant 0 : i32
      %dma_start3A_127 = tpu.memref_slice %arg2[%dma_start3A_125, %dma_start3A_126] : memref<10000x128xf32, #tpu.memory_space<hbm>> -> memref<10000x128xf32, #tpu.memory_space<hbm>>
      tpu.enqueue_indirect_dma source(%dma_start3A_127 : memref<10000x128xf32, #tpu.memory_space<hbm>>) target(%arg15 : memref<80x128xf32, #tpu.memory_space<vmem>>) offsets(%arg8 : memref<80xi32, #tpu.memory_space<vmem>>) semaphore(%arg23 : memref<!tpu.dma_semaphore, #tpu.memory_space<semaphore_mem>>)
      %dma_wait3A_128 = arith.constant 0 : i32
      %dma_wait3A_129 = arith.constant 0 : i32
      %dma_wait3A_130 = tpu.memref_slice %arg2[%dma_wait3A_128, %dma_wait3A_129] : memref<10000x128xf32, #tpu.memory_space<hbm>> -> memref<10000x128xf32, #tpu.memory_space<hbm>>
      tpu.wait_indirect_dma semaphore(%arg22 : memref<!tpu.dma_semaphore, #tpu.memory_space<semaphore_mem>>) src(%dma_wait3A_130 : memref<10000x128xf32, #tpu.memory_space<hbm>>) dst(%arg14 : memref<80x128xf32, #tpu.memory_space<vmem>>)
      "tpu.region"() ({
        %run_scoped3A = tpu.sem_alloc : memref<!tpu.dma_semaphore, #tpu.memory_space<semaphore_mem>>
        %dma_start3A_234 = arith.constant 0 : i32
        %dma_start3A_235 = arith.constant 0 : i32
        %dma_start3A_236 = tpu.memref_slice %arg17[%dma_start3A_234, %dma_start3A_235] : memref<10112x128xf32, #tpu.memory_space<vmem_shared>> -> memref<10112x128xf32, #tpu.memory_space<vmem_shared>>
        tpu.enqueue_indirect_dma source(%arg14 : memref<80x128xf32, #tpu.memory_space<vmem>>) target(%dma_start3A_236 : memref<10112x128xf32, #tpu.memory_space<vmem_shared>>) offsets(%arg7 : memref<80xi32, #tpu.memory_space<vmem>>) semaphore(%run_scoped3A : memref<!tpu.dma_semaphore, #tpu.memory_space<semaphore_mem>>) {add = true}
        %dma_wait3A_237 = arith.constant 0 : i32
        %dma_wait3A_238 = arith.constant 0 : i32
        %dma_wait3A_239 = tpu.memref_slice %arg17[%dma_wait3A_237, %dma_wait3A_238] : memref<10112x128xf32, #tpu.memory_space<vmem_shared>> -> memref<10112x128xf32, #tpu.memory_space<vmem_shared>>
        tpu.wait_indirect_dma semaphore(%run_scoped3A : memref<!tpu.dma_semaphore, #tpu.memory_space<semaphore_mem>>) src(%arg14 : memref<80x128xf32, #tpu.memory_space<vmem>>) dst(%dma_wait3A_239 : memref<10112x128xf32, #tpu.memory_space<vmem_shared>>)
        tpu.yield
      }) : () -> ()
      %add3A_131 = arith.constant 3 : i32
      %add3A_132 = arith.addi %add3A_110, %add3A_131 : i32
      %le3A = arith.constant 124 : i32
      %le3A_133 = arith.cmpi sle, %add3A_132, %le3A : i32
      %convert_element_type3A = arith.extui %le3A_133 : i1 to i32
      %cond3A = arith.constant 0 : i32
      %cond3A_134 = arith.cmpi ne, %convert_element_type3A, %cond3A : i32
      scf.if %cond3A_134 {
        %add3A_234 = arith.constant 3 : i32
        %add3A_235 = arith.addi %add3A_110, %add3A_234 : i32
        %dma_start3A_236 = arith.constant 0 : i32
        %dma_start3A_237 = tpu.memref_slice %arg3[%add3A, %add3A_235, %dma_start3A_236] : memref<32x125x80xi32, #tpu.memory_space<hbm>> -> memref<1x1x80xi32, #tpu.memory_space<hbm>>
        %dma_start3A_238 = tpu.memref_squeeze %dma_start3A_237 : memref<1x1x80xi32, #tpu.memory_space<hbm>> -> memref<80xi32, #tpu.memory_space<hbm>>
        %dma_start3A_239 = arith.constant 0 : i32
        %dma_start3A_240 = tpu.memref_slice %arg3[%add3A, %add3A_235, %dma_start3A_239] : memref<32x125x80xi32, #tpu.memory_space<hbm>> -> memref<1x1x80xi32, #tpu.memory_space<hbm>>
        %dma_start3A_241 = tpu.memref_squeeze %dma_start3A_240 : memref<1x1x80xi32, #tpu.memory_space<hbm>> -> memref<80xi32, #tpu.memory_space<hbm>>
        tpu.enqueue_dma source(%dma_start3A_241 : memref<80xi32, #tpu.memory_space<hbm>>) target(%arg6 : memref<80xi32, #tpu.memory_space<vmem>>) target_semaphore(%arg18 : memref<!tpu.dma_semaphore, #tpu.memory_space<semaphore_mem>>)
        %dma_start3A_242 = arith.constant 0 : i32
        %dma_start3A_243 = tpu.memref_slice %arg4[%add3A, %add3A_235, %dma_start3A_242] : memref<32x125x80xi32, #tpu.memory_space<hbm>> -> memref<1x1x80xi32, #tpu.memory_space<hbm>>
        %dma_start3A_244 = tpu.memref_squeeze %dma_start3A_243 : memref<1x1x80xi32, #tpu.memory_space<hbm>> -> memref<80xi32, #tpu.memory_space<hbm>>
        %dma_start3A_245 = arith.constant 0 : i32
        %dma_start3A_246 = tpu.memref_slice %arg4[%add3A, %add3A_235, %dma_start3A_245] : memref<32x125x80xi32, #tpu.memory_space<hbm>> -> memref<1x1x80xi32, #tpu.memory_space<hbm>>
        %dma_start3A_247 = tpu.memref_squeeze %dma_start3A_246 : memref<1x1x80xi32, #tpu.memory_space<hbm>> -> memref<80xi32, #tpu.memory_space<hbm>>
        tpu.enqueue_dma source(%dma_start3A_247 : memref<80xi32, #tpu.memory_space<hbm>>) target(%arg7 : memref<80xi32, #tpu.memory_space<vmem>>) target_semaphore(%arg18 : memref<!tpu.dma_semaphore, #tpu.memory_space<semaphore_mem>>)
      } else {
      }
      %mul3A_135 = arith.constant 4 : i32
      %mul3A_136 = arith.muli %mul3A_135, %scan3A_104 : i32
      %add3A_137 = arith.constant 1 : i32
      %add3A_138 = arith.addi %mul3A_136, %add3A_137 : i32
      %add3A_139 = arith.constant 1 : i32
      %add3A_140 = arith.addi %add3A_138, %add3A_139 : i32
      %dma_wait3A_141 = arith.constant 0 : i32
      %dma_wait3A_142 = arith.constant 0 : i32
      %dma_wait3A_143 = tpu.memref_slice %arg3[%add3A, %dma_wait3A_141, %dma_wait3A_142] : memref<32x125x80xi32, #tpu.memory_space<hbm>> -> memref<1x1x80xi32, #tpu.memory_space<hbm>>
      %dma_wait3A_144 = tpu.memref_squeeze %dma_wait3A_143 : memref<1x1x80xi32, #tpu.memory_space<hbm>> -> memref<80xi32, #tpu.memory_space<hbm>>
      %dma_wait3A_145 = arith.constant 0 : i32
      %dma_wait3A_146 = tpu.memref_slice %arg3[%add3A, %dma_wait3A_141, %dma_wait3A_145] : memref<32x125x80xi32, #tpu.memory_space<hbm>> -> memref<1x1x80xi32, #tpu.memory_space<hbm>>
      %dma_wait3A_147 = tpu.memref_squeeze %dma_wait3A_146 : memref<1x1x80xi32, #tpu.memory_space<hbm>> -> memref<80xi32, #tpu.memory_space<hbm>>
      tpu.wait_dma2 semaphore(%arg20 : memref<!tpu.dma_semaphore, #tpu.memory_space<semaphore_mem>>) src(%dma_wait3A_147 : memref<80xi32, #tpu.memory_space<hbm>>) dst(%arg10 : memref<80xi32, #tpu.memory_space<vmem>>)
      %dma_wait3A_148 = arith.constant 0 : i32
      %dma_wait3A_149 = arith.constant 0 : i32
      %dma_wait3A_150 = tpu.memref_slice %arg4[%add3A, %dma_wait3A_148, %dma_wait3A_149] : memref<32x125x80xi32, #tpu.memory_space<hbm>> -> memref<1x1x80xi32, #tpu.memory_space<hbm>>
      %dma_wait3A_151 = tpu.memref_squeeze %dma_wait3A_150 : memref<1x1x80xi32, #tpu.memory_space<hbm>> -> memref<80xi32, #tpu.memory_space<hbm>>
      %dma_wait3A_152 = arith.constant 0 : i32
      %dma_wait3A_153 = tpu.memref_slice %arg4[%add3A, %dma_wait3A_148, %dma_wait3A_152] : memref<32x125x80xi32, #tpu.memory_space<hbm>> -> memref<1x1x80xi32, #tpu.memory_space<hbm>>
      %dma_wait3A_154 = tpu.memref_squeeze %dma_wait3A_153 : memref<1x1x80xi32, #tpu.memory_space<hbm>> -> memref<80xi32, #tpu.memory_space<hbm>>
      tpu.wait_dma2 semaphore(%arg20 : memref<!tpu.dma_semaphore, #tpu.memory_space<semaphore_mem>>) src(%dma_wait3A_154 : memref<80xi32, #tpu.memory_space<hbm>>) dst(%arg11 : memref<80xi32, #tpu.memory_space<vmem>>)
      %dma_start3A_155 = arith.constant 0 : i32
      %dma_start3A_156 = arith.constant 0 : i32
      %dma_start3A_157 = tpu.memref_slice %arg2[%dma_start3A_155, %dma_start3A_156] : memref<10000x128xf32, #tpu.memory_space<hbm>> -> memref<10000x128xf32, #tpu.memory_space<hbm>>
      tpu.enqueue_indirect_dma source(%dma_start3A_157 : memref<10000x128xf32, #tpu.memory_space<hbm>>) target(%arg14 : memref<80x128xf32, #tpu.memory_space<vmem>>) offsets(%arg10 : memref<80xi32, #tpu.memory_space<vmem>>) semaphore(%arg22 : memref<!tpu.dma_semaphore, #tpu.memory_space<semaphore_mem>>)
      %dma_wait3A_158 = arith.constant 0 : i32
      %dma_wait3A_159 = arith.constant 0 : i32
      %dma_wait3A_160 = tpu.memref_slice %arg2[%dma_wait3A_158, %dma_wait3A_159] : memref<10000x128xf32, #tpu.memory_space<hbm>> -> memref<10000x128xf32, #tpu.memory_space<hbm>>
      tpu.wait_indirect_dma semaphore(%arg23 : memref<!tpu.dma_semaphore, #tpu.memory_space<semaphore_mem>>) src(%dma_wait3A_160 : memref<10000x128xf32, #tpu.memory_space<hbm>>) dst(%arg15 : memref<80x128xf32, #tpu.memory_space<vmem>>)
      "tpu.region"() ({
        %run_scoped3A = tpu.sem_alloc : memref<!tpu.dma_semaphore, #tpu.memory_space<semaphore_mem>>
        %dma_start3A_234 = arith.constant 0 : i32
        %dma_start3A_235 = arith.constant 0 : i32
        %dma_start3A_236 = tpu.memref_slice %arg17[%dma_start3A_234, %dma_start3A_235] : memref<10112x128xf32, #tpu.memory_space<vmem_shared>> -> memref<10112x128xf32, #tpu.memory_space<vmem_shared>>
        tpu.enqueue_indirect_dma source(%arg15 : memref<80x128xf32, #tpu.memory_space<vmem>>) target(%dma_start3A_236 : memref<10112x128xf32, #tpu.memory_space<vmem_shared>>) offsets(%arg9 : memref<80xi32, #tpu.memory_space<vmem>>) semaphore(%run_scoped3A : memref<!tpu.dma_semaphore, #tpu.memory_space<semaphore_mem>>) {add = true}
        %dma_wait3A_237 = arith.constant 0 : i32
        %dma_wait3A_238 = arith.constant 0 : i32
        %dma_wait3A_239 = tpu.memref_slice %arg17[%dma_wait3A_237, %dma_wait3A_238] : memref<10112x128xf32, #tpu.memory_space<vmem_shared>> -> memref<10112x128xf32, #tpu.memory_space<vmem_shared>>
        tpu.wait_indirect_dma semaphore(%run_scoped3A : memref<!tpu.dma_semaphore, #tpu.memory_space<semaphore_mem>>) src(%arg15 : memref<80x128xf32, #tpu.memory_space<vmem>>) dst(%dma_wait3A_239 : memref<10112x128xf32, #tpu.memory_space<vmem_shared>>)
        tpu.yield
      }) : () -> ()
      %add3A_161 = arith.constant 3 : i32
      %add3A_162 = arith.addi %add3A_140, %add3A_161 : i32
      %le3A_163 = arith.constant 124 : i32
      %le3A_164 = arith.cmpi sle, %add3A_162, %le3A_163 : i32
      %convert_element_type3A_165 = arith.extui %le3A_164 : i1 to i32
      %cond3A_166 = arith.constant 0 : i32
      %cond3A_167 = arith.cmpi ne, %convert_element_type3A_165, %cond3A_166 : i32
      scf.if %cond3A_167 {
        %add3A_234 = arith.constant 3 : i32
        %add3A_235 = arith.addi %add3A_140, %add3A_234 : i32
        %dma_start3A_236 = arith.constant 0 : i32
        %dma_start3A_237 = tpu.memref_slice %arg3[%add3A, %add3A_235, %dma_start3A_236] : memref<32x125x80xi32, #tpu.memory_space<hbm>> -> memref<1x1x80xi32, #tpu.memory_space<hbm>>
        %dma_start3A_238 = tpu.memref_squeeze %dma_start3A_237 : memref<1x1x80xi32, #tpu.memory_space<hbm>> -> memref<80xi32, #tpu.memory_space<hbm>>
        %dma_start3A_239 = arith.constant 0 : i32
        %dma_start3A_240 = tpu.memref_slice %arg3[%add3A, %add3A_235, %dma_start3A_239] : memref<32x125x80xi32, #tpu.memory_space<hbm>> -> memref<1x1x80xi32, #tpu.memory_space<hbm>>
        %dma_start3A_241 = tpu.memref_squeeze %dma_start3A_240 : memref<1x1x80xi32, #tpu.memory_space<hbm>> -> memref<80xi32, #tpu.memory_space<hbm>>
        tpu.enqueue_dma source(%dma_start3A_241 : memref<80xi32, #tpu.memory_space<hbm>>) target(%arg8 : memref<80xi32, #tpu.memory_space<vmem>>) target_semaphore(%arg19 : memref<!tpu.dma_semaphore, #tpu.memory_space<semaphore_mem>>)
        %dma_start3A_242 = arith.constant 0 : i32
        %dma_start3A_243 = tpu.memref_slice %arg4[%add3A, %add3A_235, %dma_start3A_242] : memref<32x125x80xi32, #tpu.memory_space<hbm>> -> memref<1x1x80xi32, #tpu.memory_space<hbm>>
        %dma_start3A_244 = tpu.memref_squeeze %dma_start3A_243 : memref<1x1x80xi32, #tpu.memory_space<hbm>> -> memref<80xi32, #tpu.memory_space<hbm>>
        %dma_start3A_245 = arith.constant 0 : i32
        %dma_start3A_246 = tpu.memref_slice %arg4[%add3A, %add3A_235, %dma_start3A_245] : memref<32x125x80xi32, #tpu.memory_space<hbm>> -> memref<1x1x80xi32, #tpu.memory_space<hbm>>
        %dma_start3A_247 = tpu.memref_squeeze %dma_start3A_246 : memref<1x1x80xi32, #tpu.memory_space<hbm>> -> memref<80xi32, #tpu.memory_space<hbm>>
        tpu.enqueue_dma source(%dma_start3A_247 : memref<80xi32, #tpu.memory_space<hbm>>) target(%arg9 : memref<80xi32, #tpu.memory_space<vmem>>) target_semaphore(%arg19 : memref<!tpu.dma_semaphore, #tpu.memory_space<semaphore_mem>>)
      } else {
      }
      %mul3A_168 = arith.constant 4 : i32
      %mul3A_169 = arith.muli %mul3A_168, %scan3A_104 : i32
      %add3A_170 = arith.constant 1 : i32
      %add3A_171 = arith.addi %mul3A_169, %add3A_170 : i32
      %add3A_172 = arith.constant 2 : i32
      %add3A_173 = arith.addi %add3A_171, %add3A_172 : i32
      %dma_wait3A_174 = arith.constant 0 : i32
      %dma_wait3A_175 = arith.constant 0 : i32
      %dma_wait3A_176 = tpu.memref_slice %arg3[%add3A, %dma_wait3A_174, %dma_wait3A_175] : memref<32x125x80xi32, #tpu.memory_space<hbm>> -> memref<1x1x80xi32, #tpu.memory_space<hbm>>
      %dma_wait3A_177 = tpu.memref_squeeze %dma_wait3A_176 : memref<1x1x80xi32, #tpu.memory_space<hbm>> -> memref<80xi32, #tpu.memory_space<hbm>>
      %dma_wait3A_178 = arith.constant 0 : i32
      %dma_wait3A_179 = tpu.memref_slice %arg3[%add3A, %dma_wait3A_174, %dma_wait3A_178] : memref<32x125x80xi32, #tpu.memory_space<hbm>> -> memref<1x1x80xi32, #tpu.memory_space<hbm>>
      %dma_wait3A_180 = tpu.memref_squeeze %dma_wait3A_179 : memref<1x1x80xi32, #tpu.memory_space<hbm>> -> memref<80xi32, #tpu.memory_space<hbm>>
      tpu.wait_dma2 semaphore(%arg21 : memref<!tpu.dma_semaphore, #tpu.memory_space<semaphore_mem>>) src(%dma_wait3A_180 : memref<80xi32, #tpu.memory_space<hbm>>) dst(%arg12 : memref<80xi32, #tpu.memory_space<vmem>>)
      %dma_wait3A_181 = arith.constant 0 : i32
      %dma_wait3A_182 = arith.constant 0 : i32
      %dma_wait3A_183 = tpu.memref_slice %arg4[%add3A, %dma_wait3A_181, %dma_wait3A_182] : memref<32x125x80xi32, #tpu.memory_space<hbm>> -> memref<1x1x80xi32, #tpu.memory_space<hbm>>
      %dma_wait3A_184 = tpu.memref_squeeze %dma_wait3A_183 : memref<1x1x80xi32, #tpu.memory_space<hbm>> -> memref<80xi32, #tpu.memory_space<hbm>>
      %dma_wait3A_185 = arith.constant 0 : i32
      %dma_wait3A_186 = tpu.memref_slice %arg4[%add3A, %dma_wait3A_181, %dma_wait3A_185] : memref<32x125x80xi32, #tpu.memory_space<hbm>> -> memref<1x1x80xi32, #tpu.memory_space<hbm>>
      %dma_wait3A_187 = tpu.memref_squeeze %dma_wait3A_186 : memref<1x1x80xi32, #tpu.memory_space<hbm>> -> memref<80xi32, #tpu.memory_space<hbm>>
      tpu.wait_dma2 semaphore(%arg21 : memref<!tpu.dma_semaphore, #tpu.memory_space<semaphore_mem>>) src(%dma_wait3A_187 : memref<80xi32, #tpu.memory_space<hbm>>) dst(%arg13 : memref<80xi32, #tpu.memory_space<vmem>>)
      %dma_start3A_188 = arith.constant 0 : i32
      %dma_start3A_189 = arith.constant 0 : i32
      %dma_start3A_190 = tpu.memref_slice %arg2[%dma_start3A_188, %dma_start3A_189] : memref<10000x128xf32, #tpu.memory_space<hbm>> -> memref<10000x128xf32, #tpu.memory_space<hbm>>
      tpu.enqueue_indirect_dma source(%dma_start3A_190 : memref<10000x128xf32, #tpu.memory_space<hbm>>) target(%arg15 : memref<80x128xf32, #tpu.memory_space<vmem>>) offsets(%arg12 : memref<80xi32, #tpu.memory_space<vmem>>) semaphore(%arg23 : memref<!tpu.dma_semaphore, #tpu.memory_space<semaphore_mem>>)
      %dma_wait3A_191 = arith.constant 0 : i32
      %dma_wait3A_192 = arith.constant 0 : i32
      %dma_wait3A_193 = tpu.memref_slice %arg2[%dma_wait3A_191, %dma_wait3A_192] : memref<10000x128xf32, #tpu.memory_space<hbm>> -> memref<10000x128xf32, #tpu.memory_space<hbm>>
      tpu.wait_indirect_dma semaphore(%arg22 : memref<!tpu.dma_semaphore, #tpu.memory_space<semaphore_mem>>) src(%dma_wait3A_193 : memref<10000x128xf32, #tpu.memory_space<hbm>>) dst(%arg14 : memref<80x128xf32, #tpu.memory_space<vmem>>)
      "tpu.region"() ({
        %run_scoped3A = tpu.sem_alloc : memref<!tpu.dma_semaphore, #tpu.memory_space<semaphore_mem>>
        %dma_start3A_234 = arith.constant 0 : i32
        %dma_start3A_235 = arith.constant 0 : i32
        %dma_start3A_236 = tpu.memref_slice %arg17[%dma_start3A_234, %dma_start3A_235] : memref<10112x128xf32, #tpu.memory_space<vmem_shared>> -> memref<10112x128xf32, #tpu.memory_space<vmem_shared>>
        tpu.enqueue_indirect_dma source(%arg14 : memref<80x128xf32, #tpu.memory_space<vmem>>) target(%dma_start3A_236 : memref<10112x128xf32, #tpu.memory_space<vmem_shared>>) offsets(%arg11 : memref<80xi32, #tpu.memory_space<vmem>>) semaphore(%run_scoped3A : memref<!tpu.dma_semaphore, #tpu.memory_space<semaphore_mem>>) {add = true}
        %dma_wait3A_237 = arith.constant 0 : i32
        %dma_wait3A_238 = arith.constant 0 : i32
        %dma_wait3A_239 = tpu.memref_slice %arg17[%dma_wait3A_237, %dma_wait3A_238] : memref<10112x128xf32, #tpu.memory_space<vmem_shared>> -> memref<10112x128xf32, #tpu.memory_space<vmem_shared>>
        tpu.wait_indirect_dma semaphore(%run_scoped3A : memref<!tpu.dma_semaphore, #tpu.memory_space<semaphore_mem>>) src(%arg14 : memref<80x128xf32, #tpu.memory_space<vmem>>) dst(%dma_wait3A_239 : memref<10112x128xf32, #tpu.memory_space<vmem_shared>>)
        tpu.yield
      }) : () -> ()
      %add3A_194 = arith.constant 3 : i32
      %add3A_195 = arith.addi %add3A_173, %add3A_194 : i32
      %le3A_196 = arith.constant 124 : i32
      %le3A_197 = arith.cmpi sle, %add3A_195, %le3A_196 : i32
      %convert_element_type3A_198 = arith.extui %le3A_197 : i1 to i32
      %cond3A_199 = arith.constant 0 : i32
      %cond3A_200 = arith.cmpi ne, %convert_element_type3A_198, %cond3A_199 : i32
      scf.if %cond3A_200 {
        %add3A_234 = arith.constant 3 : i32
        %add3A_235 = arith.addi %add3A_173, %add3A_234 : i32
        %dma_start3A_236 = arith.constant 0 : i32
        %dma_start3A_237 = tpu.memref_slice %arg3[%add3A, %add3A_235, %dma_start3A_236] : memref<32x125x80xi32, #tpu.memory_space<hbm>> -> memref<1x1x80xi32, #tpu.memory_space<hbm>>
        %dma_start3A_238 = tpu.memref_squeeze %dma_start3A_237 : memref<1x1x80xi32, #tpu.memory_space<hbm>> -> memref<80xi32, #tpu.memory_space<hbm>>
        %dma_start3A_239 = arith.constant 0 : i32
        %dma_start3A_240 = tpu.memref_slice %arg3[%add3A, %add3A_235, %dma_start3A_239] : memref<32x125x80xi32, #tpu.memory_space<hbm>> -> memref<1x1x80xi32, #tpu.memory_space<hbm>>
        %dma_start3A_241 = tpu.memref_squeeze %dma_start3A_240 : memref<1x1x80xi32, #tpu.memory_space<hbm>> -> memref<80xi32, #tpu.memory_space<hbm>>
        tpu.enqueue_dma source(%dma_start3A_241 : memref<80xi32, #tpu.memory_space<hbm>>) target(%arg10 : memref<80xi32, #tpu.memory_space<vmem>>) target_semaphore(%arg20 : memref<!tpu.dma_semaphore, #tpu.memory_space<semaphore_mem>>)
        %dma_start3A_242 = arith.constant 0 : i32
        %dma_start3A_243 = tpu.memref_slice %arg4[%add3A, %add3A_235, %dma_start3A_242] : memref<32x125x80xi32, #tpu.memory_space<hbm>> -> memref<1x1x80xi32, #tpu.memory_space<hbm>>
        %dma_start3A_244 = tpu.memref_squeeze %dma_start3A_243 : memref<1x1x80xi32, #tpu.memory_space<hbm>> -> memref<80xi32, #tpu.memory_space<hbm>>
        %dma_start3A_245 = arith.constant 0 : i32
        %dma_start3A_246 = tpu.memref_slice %arg4[%add3A, %add3A_235, %dma_start3A_245] : memref<32x125x80xi32, #tpu.memory_space<hbm>> -> memref<1x1x80xi32, #tpu.memory_space<hbm>>
        %dma_start3A_247 = tpu.memref_squeeze %dma_start3A_246 : memref<1x1x80xi32, #tpu.memory_space<hbm>> -> memref<80xi32, #tpu.memory_space<hbm>>
        tpu.enqueue_dma source(%dma_start3A_247 : memref<80xi32, #tpu.memory_space<hbm>>) target(%arg11 : memref<80xi32, #tpu.memory_space<vmem>>) target_semaphore(%arg20 : memref<!tpu.dma_semaphore, #tpu.memory_space<semaphore_mem>>)
      } else {
      }
      %mul3A_201 = arith.constant 4 : i32
      %mul3A_202 = arith.muli %mul3A_201, %scan3A_104 : i32
      %add3A_203 = arith.constant 1 : i32
      %add3A_204 = arith.addi %mul3A_202, %add3A_203 : i32
      %add3A_205 = arith.constant 3 : i32
      %add3A_206 = arith.addi %add3A_204, %add3A_205 : i32
      %dma_wait3A_207 = arith.constant 0 : i32
      %dma_wait3A_208 = arith.constant 0 : i32
      %dma_wait3A_209 = tpu.memref_slice %arg3[%add3A, %dma_wait3A_207, %dma_wait3A_208] : memref<32x125x80xi32, #tpu.memory_space<hbm>> -> memref<1x1x80xi32, #tpu.memory_space<hbm>>
      %dma_wait3A_210 = tpu.memref_squeeze %dma_wait3A_209 : memref<1x1x80xi32, #tpu.memory_space<hbm>> -> memref<80xi32, #tpu.memory_space<hbm>>
      %dma_wait3A_211 = arith.constant 0 : i32
      %dma_wait3A_212 = tpu.memref_slice %arg3[%add3A, %dma_wait3A_207, %dma_wait3A_211] : memref<32x125x80xi32, #tpu.memory_space<hbm>> -> memref<1x1x80xi32, #tpu.memory_space<hbm>>
      %dma_wait3A_213 = tpu.memref_squeeze %dma_wait3A_212 : memref<1x1x80xi32, #tpu.memory_space<hbm>> -> memref<80xi32, #tpu.memory_space<hbm>>
      tpu.wait_dma2 semaphore(%arg18 : memref<!tpu.dma_semaphore, #tpu.memory_space<semaphore_mem>>) src(%dma_wait3A_213 : memref<80xi32, #tpu.memory_space<hbm>>) dst(%arg6 : memref<80xi32, #tpu.memory_space<vmem>>)
      %dma_wait3A_214 = arith.constant 0 : i32
      %dma_wait3A_215 = arith.constant 0 : i32
      %dma_wait3A_216 = tpu.memref_slice %arg4[%add3A, %dma_wait3A_214, %dma_wait3A_215] : memref<32x125x80xi32, #tpu.memory_space<hbm>> -> memref<1x1x80xi32, #tpu.memory_space<hbm>>
      %dma_wait3A_217 = tpu.memref_squeeze %dma_wait3A_216 : memref<1x1x80xi32, #tpu.memory_space<hbm>> -> memref<80xi32, #tpu.memory_space<hbm>>
      %dma_wait3A_218 = arith.constant 0 : i32
      %dma_wait3A_219 = tpu.memref_slice %arg4[%add3A, %dma_wait3A_214, %dma_wait3A_218] : memref<32x125x80xi32, #tpu.memory_space<hbm>> -> memref<1x1x80xi32, #tpu.memory_space<hbm>>
      %dma_wait3A_220 = tpu.memref_squeeze %dma_wait3A_219 : memref<1x1x80xi32, #tpu.memory_space<hbm>> -> memref<80xi32, #tpu.memory_space<hbm>>
      tpu.wait_dma2 semaphore(%arg18 : memref<!tpu.dma_semaphore, #tpu.memory_space<semaphore_mem>>) src(%dma_wait3A_220 : memref<80xi32, #tpu.memory_space<hbm>>) dst(%arg7 : memref<80xi32, #tpu.memory_space<vmem>>)
      %dma_start3A_221 = arith.constant 0 : i32
      %dma_start3A_222 = arith.constant 0 : i32
      %dma_start3A_223 = tpu.memref_slice %arg2[%dma_start3A_221, %dma_start3A_222] : memref<10000x128xf32, #tpu.memory_space<hbm>> -> memref<10000x128xf32, #tpu.memory_space<hbm>>
      tpu.enqueue_indirect_dma source(%dma_start3A_223 : memref<10000x128xf32, #tpu.memory_space<hbm>>) target(%arg14 : memref<80x128xf32, #tpu.memory_space<vmem>>) offsets(%arg6 : memref<80xi32, #tpu.memory_space<vmem>>) semaphore(%arg22 : memref<!tpu.dma_semaphore, #tpu.memory_space<semaphore_mem>>)
      %dma_wait3A_224 = arith.constant 0 : i32
      %dma_wait3A_225 = arith.constant 0 : i32
      %dma_wait3A_226 = tpu.memref_slice %arg2[%dma_wait3A_224, %dma_wait3A_225] : memref<10000x128xf32, #tpu.memory_space<hbm>> -> memref<10000x128xf32, #tpu.memory_space<hbm>>
      tpu.wait_indirect_dma semaphore(%arg23 : memref<!tpu.dma_semaphore, #tpu.memory_space<semaphore_mem>>) src(%dma_wait3A_226 : memref<10000x128xf32, #tpu.memory_space<hbm>>) dst(%arg15 : memref<80x128xf32, #tpu.memory_space<vmem>>)
      "tpu.region"() ({
        %run_scoped3A = tpu.sem_alloc : memref<!tpu.dma_semaphore, #tpu.memory_space<semaphore_mem>>
        %dma_start3A_234 = arith.constant 0 : i32
        %dma_start3A_235 = arith.constant 0 : i32
        %dma_start3A_236 = tpu.memref_slice %arg17[%dma_start3A_234, %dma_start3A_235] : memref<10112x128xf32, #tpu.memory_space<vmem_shared>> -> memref<10112x128xf32, #tpu.memory_space<vmem_shared>>
        tpu.enqueue_indirect_dma source(%arg15 : memref<80x128xf32, #tpu.memory_space<vmem>>) target(%dma_start3A_236 : memref<10112x128xf32, #tpu.memory_space<vmem_shared>>) offsets(%arg13 : memref<80xi32, #tpu.memory_space<vmem>>) semaphore(%run_scoped3A : memref<!tpu.dma_semaphore, #tpu.memory_space<semaphore_mem>>) {add = true}
        %dma_wait3A_237 = arith.constant 0 : i32
        %dma_wait3A_238 = arith.constant 0 : i32
        %dma_wait3A_239 = tpu.memref_slice %arg17[%dma_wait3A_237, %dma_wait3A_238] : memref<10112x128xf32, #tpu.memory_space<vmem_shared>> -> memref<10112x128xf32, #tpu.memory_space<vmem_shared>>
        tpu.wait_indirect_dma semaphore(%run_scoped3A : memref<!tpu.dma_semaphore, #tpu.memory_space<semaphore_mem>>) src(%arg15 : memref<80x128xf32, #tpu.memory_space<vmem>>) dst(%dma_wait3A_239 : memref<10112x128xf32, #tpu.memory_space<vmem_shared>>)
        tpu.yield
      }) : () -> ()
      %add3A_227 = arith.constant 3 : i32
      %add3A_228 = arith.addi %add3A_206, %add3A_227 : i32
      %le3A_229 = arith.constant 124 : i32
      %le3A_230 = arith.cmpi sle, %add3A_228, %le3A_229 : i32
      %convert_element_type3A_231 = arith.extui %le3A_230 : i1 to i32
      %cond3A_232 = arith.constant 0 : i32
      %cond3A_233 = arith.cmpi ne, %convert_element_type3A_231, %cond3A_232 : i32
      scf.if %cond3A_233 {
        %add3A_234 = arith.constant 3 : i32
        %add3A_235 = arith.addi %add3A_206, %add3A_234 : i32
        %dma_start3A_236 = arith.constant 0 : i32
        %dma_start3A_237 = tpu.memref_slice %arg3[%add3A, %add3A_235, %dma_start3A_236] : memref<32x125x80xi32, #tpu.memory_space<hbm>> -> memref<1x1x80xi32, #tpu.memory_space<hbm>>
        %dma_start3A_238 = tpu.memref_squeeze %dma_start3A_237 : memref<1x1x80xi32, #tpu.memory_space<hbm>> -> memref<80xi32, #tpu.memory_space<hbm>>
        %dma_start3A_239 = arith.constant 0 : i32
        %dma_start3A_240 = tpu.memref_slice %arg3[%add3A, %add3A_235, %dma_start3A_239] : memref<32x125x80xi32, #tpu.memory_space<hbm>> -> memref<1x1x80xi32, #tpu.memory_space<hbm>>
        %dma_start3A_241 = tpu.memref_squeeze %dma_start3A_240 : memref<1x1x80xi32, #tpu.memory_space<hbm>> -> memref<80xi32, #tpu.memory_space<hbm>>
        tpu.enqueue_dma source(%dma_start3A_241 : memref<80xi32, #tpu.memory_space<hbm>>) target(%arg12 : memref<80xi32, #tpu.memory_space<vmem>>) target_semaphore(%arg21 : memref<!tpu.dma_semaphore, #tpu.memory_space<semaphore_mem>>)
        %dma_start3A_242 = arith.constant 0 : i32
        %dma_start3A_243 = tpu.memref_slice %arg4[%add3A, %add3A_235, %dma_start3A_242] : memref<32x125x80xi32, #tpu.memory_space<hbm>> -> memref<1x1x80xi32, #tpu.memory_space<hbm>>
        %dma_start3A_244 = tpu.memref_squeeze %dma_start3A_243 : memref<1x1x80xi32, #tpu.memory_space<hbm>> -> memref<80xi32, #tpu.memory_space<hbm>>
        %dma_start3A_245 = arith.constant 0 : i32
        %dma_start3A_246 = tpu.memref_slice %arg4[%add3A, %add3A_235, %dma_start3A_245] : memref<32x125x80xi32, #tpu.memory_space<hbm>> -> memref<1x1x80xi32, #tpu.memory_space<hbm>>
        %dma_start3A_247 = tpu.memref_squeeze %dma_start3A_246 : memref<1x1x80xi32, #tpu.memory_space<hbm>> -> memref<80xi32, #tpu.memory_space<hbm>>
        tpu.enqueue_dma source(%dma_start3A_247 : memref<80xi32, #tpu.memory_space<hbm>>) target(%arg13 : memref<80xi32, #tpu.memory_space<vmem>>) target_semaphore(%arg21 : memref<!tpu.dma_semaphore, #tpu.memory_space<semaphore_mem>>)
      } else {
      }
    }
    %scan3A_95 = arith.constant 31 : i32
    %dma_wait3A_96 = arith.constant 0 : i32
    %dma_wait3A_97 = arith.constant 0 : i32
    %dma_wait3A_98 = tpu.memref_slice %arg2[%dma_wait3A_96, %dma_wait3A_97] : memref<10000x128xf32, #tpu.memory_space<hbm>> -> memref<10000x128xf32, #tpu.memory_space<hbm>>
    tpu.wait_indirect_dma semaphore(%arg22 : memref<!tpu.dma_semaphore, #tpu.memory_space<semaphore_mem>>) src(%dma_wait3A_98 : memref<10000x128xf32, #tpu.memory_space<hbm>>) dst(%arg14 : memref<80x128xf32, #tpu.memory_space<vmem>>)
    "tpu.region"() ({
      %run_scoped3A = tpu.sem_alloc : memref<!tpu.dma_semaphore, #tpu.memory_space<semaphore_mem>>
      %dma_start3A_104 = arith.constant 0 : i32
      %dma_start3A_105 = arith.constant 0 : i32
      %dma_start3A_106 = tpu.memref_slice %arg17[%dma_start3A_104, %dma_start3A_105] : memref<10112x128xf32, #tpu.memory_space<vmem_shared>> -> memref<10112x128xf32, #tpu.memory_space<vmem_shared>>
      tpu.enqueue_indirect_dma source(%arg14 : memref<80x128xf32, #tpu.memory_space<vmem>>) target(%dma_start3A_106 : memref<10112x128xf32, #tpu.memory_space<vmem_shared>>) offsets(%arg7 : memref<80xi32, #tpu.memory_space<vmem>>) semaphore(%run_scoped3A : memref<!tpu.dma_semaphore, #tpu.memory_space<semaphore_mem>>) {add = true}
      %dma_wait3A_107 = arith.constant 0 : i32
      %dma_wait3A_108 = arith.constant 0 : i32
      %dma_wait3A_109 = tpu.memref_slice %arg17[%dma_wait3A_107, %dma_wait3A_108] : memref<10112x128xf32, #tpu.memory_space<vmem_shared>> -> memref<10112x128xf32, #tpu.memory_space<vmem_shared>>
      tpu.wait_indirect_dma semaphore(%run_scoped3A : memref<!tpu.dma_semaphore, #tpu.memory_space<semaphore_mem>>) src(%arg14 : memref<80x128xf32, #tpu.memory_space<vmem>>) dst(%dma_wait3A_109 : memref<10112x128xf32, #tpu.memory_space<vmem_shared>>)
      tpu.yield
    }) : () -> ()
    %barrier3A_99 = arith.constant 0 : index
    tpu.barrier barrier_id(%barrier3A_99)
    %mul3A_100 = arith.constant 632 : i32
    %mul3A_101 = arith.muli %arg1, %mul3A_100 : i32
    %mul3A_102 = arith.constant 632 : i32
    %mul3A_103 = arith.muli %arg1, %mul3A_102 : i32
    "tpu.region"() ({
      %run_scoped3A = tpu.sem_alloc : memref<!tpu.dma_semaphore, #tpu.memory_space<semaphore_mem>>
      %dma_start3A_104 = arith.constant 0 : i32
      %dma_start3A_105 = tpu.memref_slice %arg5[%arg0, %mul3A_103, %dma_start3A_104] : memref<2x10112x128xf32, #tpu.memory_space<hbm>> -> memref<1x632x128xf32, #tpu.memory_space<hbm>>
      %dma_start3A_106 = tpu.memref_squeeze %dma_start3A_105 : memref<1x632x128xf32, #tpu.memory_space<hbm>> -> memref<632x128xf32, #tpu.memory_space<hbm>>
      %dma_start3A_107 = arith.constant 0 : i32
      %dma_start3A_108 = tpu.memref_slice %arg17[%mul3A_101, %dma_start3A_107] : memref<10112x128xf32, #tpu.memory_space<vmem_shared>> -> memref<632x128xf32, #tpu.memory_space<vmem_shared>>
      tpu.enqueue_dma source(%dma_start3A_108 : memref<632x128xf32, #tpu.memory_space<vmem_shared>>) target(%dma_start3A_106 : memref<632x128xf32, #tpu.memory_space<hbm>>) target_semaphore(%run_scoped3A : memref<!tpu.dma_semaphore, #tpu.memory_space<semaphore_mem>>)
      %dma_wait3A_109 = arith.constant 0 : i32
      %dma_wait3A_110 = tpu.memref_slice %arg5[%arg0, %mul3A_103, %dma_wait3A_109] : memref<2x10112x128xf32, #tpu.memory_space<hbm>> -> memref<1x632x128xf32, #tpu.memory_space<hbm>>
      %dma_wait3A_111 = tpu.memref_squeeze %dma_wait3A_110 : memref<1x632x128xf32, #tpu.memory_space<hbm>> -> memref<632x128xf32, #tpu.memory_space<hbm>>
      %dma_wait3A_112 = arith.constant 0 : i32
      %dma_wait3A_113 = tpu.memref_slice %arg17[%mul3A_101, %dma_wait3A_112] : memref<10112x128xf32, #tpu.memory_space<vmem_shared>> -> memref<632x128xf32, #tpu.memory_space<vmem_shared>>
      tpu.wait_dma2 semaphore(%run_scoped3A : memref<!tpu.dma_semaphore, #tpu.memory_space<semaphore_mem>>) src(%dma_wait3A_113 : memref<632x128xf32, #tpu.memory_space<vmem_shared>>) dst(%dma_wait3A_111 : memref<632x128xf32, #tpu.memory_space<hbm>>)
      tpu.yield
    }) : () -> ()
    return
  }
}

#map = affine_map<(d0, d1) -> (0, 0)>
#map1 = affine_map<(d0, d1) -> (0, 0, 0)>
module attributes {stable_mosaic.version = 14 : i64} {
  func.func @_agg_kernel(%arg0: i32, %arg1: i32, %arg2: memref<10000x128xf32, #tpu.memory_space<hbm>>, %arg3: memref<32x125x80xi32, #tpu.memory_space<hbm>>, %arg4: memref<32x125x80xi32, #tpu.memory_space<hbm>>, %arg5: memref<2x10112x128xf32, #tpu.memory_space<hbm>>, %arg6: memref<80xi32, #tpu.memory_space<vmem>>, %arg7: memref<80xi32, #tpu.memory_space<vmem>>, %arg8: memref<80xi32, #tpu.memory_space<vmem>>, %arg9: memref<80xi32, #tpu.memory_space<vmem>>, %arg10: memref<80xi32, #tpu.memory_space<vmem>>, %arg11: memref<80xi32, #tpu.memory_space<vmem>>, %arg12: memref<80xi32, #tpu.memory_space<vmem>>, %arg13: memref<80xi32, #tpu.memory_space<vmem>>, %arg14: memref<80x128xf32, #tpu.memory_space<vmem>>, %arg15: memref<80x128xf32, #tpu.memory_space<vmem>>, %arg16: memref<8x128xf32, #tpu.memory_space<vmem>>, %arg17: memref<10112x128xf32, #tpu.memory_space<vmem_shared>>, %arg18: memref<!tpu.dma_semaphore, #tpu.memory_space<semaphore_mem>>, %arg19: memref<!tpu.dma_semaphore, #tpu.memory_space<semaphore_mem>>, %arg20: memref<!tpu.dma_semaphore, #tpu.memory_space<semaphore_mem>>, %arg21: memref<!tpu.dma_semaphore, #tpu.memory_space<semaphore_mem>>, %arg22: memref<!tpu.dma_semaphore, #tpu.memory_space<semaphore_mem>>, %arg23: memref<!tpu.dma_semaphore, #tpu.memory_space<semaphore_mem>>, %arg24: memref<!tpu.dma_semaphore, #tpu.memory_space<semaphore_mem>>) attributes {dimension_semantics = [#tpu.dimension_semantics<core_parallel>, #tpu.dimension_semantics<subcore_parallel>], iteration_bounds = array<i64: 2, 16>, scalar_prefetch = 0 : i64, scratch_operands = 19 : i64, tpu.core_type = #tpu.core_type<sc_vector_subcore>, window_params = [{transform_indices = #map}, {transform_indices = #map1}, {transform_indices = #map1}, {transform_indices = #map1}]} {
    %mul3A = arith.constant 16 : i32
    %mul3A_0 = arith.muli %arg0, %mul3A : i32
    %add3A = arith.addi %mul3A_0, %arg1 : i32
    %broadcast_in_dim3A = arith.constant 0.000000e+00 : f32
    %broadcast_in_dim3A_1 = vector.broadcast %broadcast_in_dim3A : f32 to vector<16xf32>
    %scan3A = arith.constant 0 : i32
    %scan3A_2 = arith.constant 0 : i32
    %scan3A_3 = arith.constant 8 : i32
    %scan3A_4 = arith.addi %scan3A_2, %scan3A_3 : i32
    %scan3A_5 = arith.constant 1 : i32
    scf.for %scan3A_104 = %scan3A_2 to %scan3A_4 step %scan3A_5  : i32 {
      %scan3A_105 = arith.constant 0 : i32
      %scan3A_106 = arith.constant 0 : i32
      %scan3A_107 = arith.constant 8 : i32
      %scan3A_108 = arith.addi %scan3A_106, %scan3A_107 : i32
      %scan3A_109 = arith.constant 1 : i32
      scf.for %scan3A_111 = %scan3A_106 to %scan3A_108 step %scan3A_109  : i32 {
        %mul3A_112 = arith.constant 16 : i32
        %mul3A_113 = arith.muli %scan3A_111, %mul3A_112 : i32
        %swap3A = arith.index_cast %scan3A_104 : i32 to index
        %swap3A_114 = arith.index_cast %mul3A_113 : i32 to index
        %swap3A_115 = tpu.vector_load %arg16[%swap3A, %swap3A_114] {strides = array<i32>} : memref<8x128xf32, #tpu.memory_space<vmem>>, vector<1x16xf32>,
        %swap3A_116 = vector.shape_cast %swap3A_115 : vector<1x16xf32> to vector<16xf32>
        %swap3A_117 = vector.shape_cast %broadcast_in_dim3A_1 : vector<16xf32> to vector<1x16xf32>
        tpu.vector_store %arg16[%swap3A, %swap3A_114], %swap3A_117 {strides = array<i32>} : memref<8x128xf32, #tpu.memory_space<vmem>>, vector<1x16xf32>,
      }
      %scan3A_110 = arith.constant 8 : i32
    }
    %scan3A_6 = arith.constant 8 : i32
    %scan3A_7 = arith.constant 0 : i32
    %scan3A_8 = arith.constant 0 : i32
    %scan3A_9 = arith.constant 79 : i32
    %scan3A_10 = arith.addi %scan3A_8, %scan3A_9 : i32
    %scan3A_11 = arith.constant 1 : i32
    scf.for %scan3A_104 = %scan3A_8 to %scan3A_10 step %scan3A_11  : i32 {
      %mul3A_105 = arith.constant 632 : i32
      %mul3A_106 = arith.muli %arg1, %mul3A_105 : i32
      %mul3A_107 = arith.constant 8 : i32
      %mul3A_108 = arith.muli %scan3A_104, %mul3A_107 : i32
      %add3A_109 = arith.addi %mul3A_106, %mul3A_108 : i32
      %dma_start3A_110 = arith.constant 0 : i32
      %dma_start3A_111 = tpu.memref_slice %arg17[%add3A_109, %dma_start3A_110] : memref<10112x128xf32, #tpu.memory_space<vmem_shared>> -> memref<8x128xf32, #tpu.memory_space<vmem_shared>>
      %dma_start3A_112 = arith.constant 0 : i32
      %dma_start3A_113 = tpu.memref_slice %arg17[%add3A_109, %dma_start3A_112] : memref<10112x128xf32, #tpu.memory_space<vmem_shared>> -> memref<8x128xf32, #tpu.memory_space<vmem_shared>>
      tpu.enqueue_dma source(%arg16 : memref<8x128xf32, #tpu.memory_space<vmem>>) target(%dma_start3A_113 : memref<8x128xf32, #tpu.memory_space<vmem_shared>>) target_semaphore(%arg24 : memref<!tpu.dma_semaphore, #tpu.memory_space<semaphore_mem>>)
    }
    %scan3A_12 = arith.constant 79 : i32
    %scan3A_13 = arith.constant 0 : i32
    %scan3A_14 = arith.constant 0 : i32
    %scan3A_15 = arith.constant 79 : i32
    %scan3A_16 = arith.addi %scan3A_14, %scan3A_15 : i32
    %scan3A_17 = arith.constant 1 : i32
    scf.for %scan3A_104 = %scan3A_14 to %scan3A_16 step %scan3A_17  : i32 {
      %mul3A_105 = arith.constant 632 : i32
      %mul3A_106 = arith.muli %arg1, %mul3A_105 : i32
      %dma_wait3A_107 = arith.constant 0 : i32
      %dma_wait3A_108 = tpu.memref_slice %arg17[%mul3A_106, %dma_wait3A_107] : memref<10112x128xf32, #tpu.memory_space<vmem_shared>> -> memref<8x128xf32, #tpu.memory_space<vmem_shared>>
      %dma_wait3A_109 = arith.constant 0 : i32
      %dma_wait3A_110 = tpu.memref_slice %arg17[%mul3A_106, %dma_wait3A_109] : memref<10112x128xf32, #tpu.memory_space<vmem_shared>> -> memref<8x128xf32, #tpu.memory_space<vmem_shared>>
      tpu.wait_dma2 semaphore(%arg24 : memref<!tpu.dma_semaphore, #tpu.memory_space<semaphore_mem>>) src(%arg16 : memref<8x128xf32, #tpu.memory_space<vmem>>) dst(%dma_wait3A_110 : memref<8x128xf32, #tpu.memory_space<vmem_shared>>)
    }
    %scan3A_18 = arith.constant 79 : i32
    %barrier3A = arith.constant 0 : index
    tpu.barrier barrier_id(%barrier3A)
    %dma_start3A = arith.constant 0 : i32
    %dma_start3A_19 = arith.constant 0 : i32
    %dma_start3A_20 = tpu.memref_slice %arg3[%add3A, %dma_start3A, %dma_start3A_19] : memref<32x125x80xi32, #tpu.memory_space<hbm>> -> memref<1x1x80xi32, #tpu.memory_space<hbm>>
    %dma_start3A_21 = tpu.memref_squeeze %dma_start3A_20 : memref<1x1x80xi32, #tpu.memory_space<hbm>> -> memref<80xi32, #tpu.memory_space<hbm>>
    %dma_start3A_22 = arith.constant 0 : i32
    %dma_start3A_23 = tpu.memref_slice %arg3[%add3A, %dma_start3A, %dma_start3A_22] : memref<32x125x80xi32, #tpu.memory_space<hbm>> -> memref<1x1x80xi32, #tpu.memory_space<hbm>>
    %dma_start3A_24 = tpu.memref_squeeze %dma_start3A_23 : memref<1x1x80xi32, #tpu.memory_space<hbm>> -> memref<80xi32, #tpu.memory_space<hbm>>
    tpu.enqueue_dma source(%dma_start3A_24 : memref<80xi32, #tpu.memory_space<hbm>>) target(%arg6 : memref<80xi32, #tpu.memory_space<vmem>>) target_semaphore(%arg18 : memref<!tpu.dma_semaphore, #tpu.memory_space<semaphore_mem>>)
    %dma_start3A_25 = arith.constant 0 : i32
    %dma_start3A_26 = arith.constant 0 : i32
    %dma_start3A_27 = tpu.memref_slice %arg4[%add3A, %dma_start3A_25, %dma_start3A_26] : memref<32x125x80xi32, #tpu.memory_space<hbm>> -> memref<1x1x80xi32, #tpu.memory_space<hbm>>
    %dma_start3A_28 = tpu.memref_squeeze %dma_start3A_27 : memref<1x1x80xi32, #tpu.memory_space<hbm>> -> memref<80xi32, #tpu.memory_space<hbm>>
    %dma_start3A_29 = arith.constant 0 : i32
    %dma_start3A_30 = tpu.memref_slice %arg4[%add3A, %dma_start3A_25, %dma_start3A_29] : memref<32x125x80xi32, #tpu.memory_space<hbm>> -> memref<1x1x80xi32, #tpu.memory_space<hbm>>
    %dma_start3A_31 = tpu.memref_squeeze %dma_start3A_30 : memref<1x1x80xi32, #tpu.memory_space<hbm>> -> memref<80xi32, #tpu.memory_space<hbm>>
    tpu.enqueue_dma source(%dma_start3A_31 : memref<80xi32, #tpu.memory_space<hbm>>) target(%arg7 : memref<80xi32, #tpu.memory_space<vmem>>) target_semaphore(%arg18 : memref<!tpu.dma_semaphore, #tpu.memory_space<semaphore_mem>>)
    %dma_start3A_32 = arith.constant 1 : i32
    %dma_start3A_33 = arith.constant 0 : i32
    %dma_start3A_34 = tpu.memref_slice %arg3[%add3A, %dma_start3A_32, %dma_start3A_33] : memref<32x125x80xi32, #tpu.memory_space<hbm>> -> memref<1x1x80xi32, #tpu.memory_space<hbm>>
    %dma_start3A_35 = tpu.memref_squeeze %dma_start3A_34 : memref<1x1x80xi32, #tpu.memory_space<hbm>> -> memref<80xi32, #tpu.memory_space<hbm>>
    %dma_start3A_36 = arith.constant 0 : i32
    %dma_start3A_37 = tpu.memref_slice %arg3[%add3A, %dma_start3A_32, %dma_start3A_36] : memref<32x125x80xi32, #tpu.memory_space<hbm>> -> memref<1x1x80xi32, #tpu.memory_space<hbm>>
    %dma_start3A_38 = tpu.memref_squeeze %dma_start3A_37 : memref<1x1x80xi32, #tpu.memory_space<hbm>> -> memref<80xi32, #tpu.memory_space<hbm>>
    tpu.enqueue_dma source(%dma_start3A_38 : memref<80xi32, #tpu.memory_space<hbm>>) target(%arg8 : memref<80xi32, #tpu.memory_space<vmem>>) target_semaphore(%arg19 : memref<!tpu.dma_semaphore, #tpu.memory_space<semaphore_mem>>)
    %dma_start3A_39 = arith.constant 1 : i32
    %dma_start3A_40 = arith.constant 0 : i32
    %dma_start3A_41 = tpu.memref_slice %arg4[%add3A, %dma_start3A_39, %dma_start3A_40] : memref<32x125x80xi32, #tpu.memory_space<hbm>> -> memref<1x1x80xi32, #tpu.memory_space<hbm>>
    %dma_start3A_42 = tpu.memref_squeeze %dma_start3A_41 : memref<1x1x80xi32, #tpu.memory_space<hbm>> -> memref<80xi32, #tpu.memory_space<hbm>>
    %dma_start3A_43 = arith.constant 0 : i32
    %dma_start3A_44 = tpu.memref_slice %arg4[%add3A, %dma_start3A_39, %dma_start3A_43] : memref<32x125x80xi32, #tpu.memory_space<hbm>> -> memref<1x1x80xi32, #tpu.memory_space<hbm>>
    %dma_start3A_45 = tpu.memref_squeeze %dma_start3A_44 : memref<1x1x80xi32, #tpu.memory_space<hbm>> -> memref<80xi32, #tpu.memory_space<hbm>>
    tpu.enqueue_dma source(%dma_start3A_45 : memref<80xi32, #tpu.memory_space<hbm>>) target(%arg9 : memref<80xi32, #tpu.memory_space<vmem>>) target_semaphore(%arg19 : memref<!tpu.dma_semaphore, #tpu.memory_space<semaphore_mem>>)
    %dma_start3A_46 = arith.constant 2 : i32
    %dma_start3A_47 = arith.constant 0 : i32
    %dma_start3A_48 = tpu.memref_slice %arg3[%add3A, %dma_start3A_46, %dma_start3A_47] : memref<32x125x80xi32, #tpu.memory_space<hbm>> -> memref<1x1x80xi32, #tpu.memory_space<hbm>>
    %dma_start3A_49 = tpu.memref_squeeze %dma_start3A_48 : memref<1x1x80xi32, #tpu.memory_space<hbm>> -> memref<80xi32, #tpu.memory_space<hbm>>
    %dma_start3A_50 = arith.constant 0 : i32
    %dma_start3A_51 = tpu.memref_slice %arg3[%add3A, %dma_start3A_46, %dma_start3A_50] : memref<32x125x80xi32, #tpu.memory_space<hbm>> -> memref<1x1x80xi32, #tpu.memory_space<hbm>>
    %dma_start3A_52 = tpu.memref_squeeze %dma_start3A_51 : memref<1x1x80xi32, #tpu.memory_space<hbm>> -> memref<80xi32, #tpu.memory_space<hbm>>
    tpu.enqueue_dma source(%dma_start3A_52 : memref<80xi32, #tpu.memory_space<hbm>>) target(%arg10 : memref<80xi32, #tpu.memory_space<vmem>>) target_semaphore(%arg20 : memref<!tpu.dma_semaphore, #tpu.memory_space<semaphore_mem>>)
    %dma_start3A_53 = arith.constant 2 : i32
    %dma_start3A_54 = arith.constant 0 : i32
    %dma_start3A_55 = tpu.memref_slice %arg4[%add3A, %dma_start3A_53, %dma_start3A_54] : memref<32x125x80xi32, #tpu.memory_space<hbm>> -> memref<1x1x80xi32, #tpu.memory_space<hbm>>
    %dma_start3A_56 = tpu.memref_squeeze %dma_start3A_55 : memref<1x1x80xi32, #tpu.memory_space<hbm>> -> memref<80xi32, #tpu.memory_space<hbm>>
    %dma_start3A_57 = arith.constant 0 : i32
    %dma_start3A_58 = tpu.memref_slice %arg4[%add3A, %dma_start3A_53, %dma_start3A_57] : memref<32x125x80xi32, #tpu.memory_space<hbm>> -> memref<1x1x80xi32, #tpu.memory_space<hbm>>
    %dma_start3A_59 = tpu.memref_squeeze %dma_start3A_58 : memref<1x1x80xi32, #tpu.memory_space<hbm>> -> memref<80xi32, #tpu.memory_space<hbm>>
    tpu.enqueue_dma source(%dma_start3A_59 : memref<80xi32, #tpu.memory_space<hbm>>) target(%arg11 : memref<80xi32, #tpu.memory_space<vmem>>) target_semaphore(%arg20 : memref<!tpu.dma_semaphore, #tpu.memory_space<semaphore_mem>>)
    %dma_start3A_60 = arith.constant 3 : i32
    %dma_start3A_61 = arith.constant 0 : i32
    %dma_start3A_62 = tpu.memref_slice %arg3[%add3A, %dma_start3A_60, %dma_start3A_61] : memref<32x125x80xi32, #tpu.memory_space<hbm>> -> memref<1x1x80xi32, #tpu.memory_space<hbm>>
    %dma_start3A_63 = tpu.memref_squeeze %dma_start3A_62 : memref<1x1x80xi32, #tpu.memory_space<hbm>> -> memref<80xi32, #tpu.memory_space<hbm>>
    %dma_start3A_64 = arith.constant 0 : i32
    %dma_start3A_65 = tpu.memref_slice %arg3[%add3A, %dma_start3A_60, %dma_start3A_64] : memref<32x125x80xi32, #tpu.memory_space<hbm>> -> memref<1x1x80xi32, #tpu.memory_space<hbm>>
    %dma_start3A_66 = tpu.memref_squeeze %dma_start3A_65 : memref<1x1x80xi32, #tpu.memory_space<hbm>> -> memref<80xi32, #tpu.memory_space<hbm>>
    tpu.enqueue_dma source(%dma_start3A_66 : memref<80xi32, #tpu.memory_space<hbm>>) target(%arg12 : memref<80xi32, #tpu.memory_space<vmem>>) target_semaphore(%arg21 : memref<!tpu.dma_semaphore, #tpu.memory_space<semaphore_mem>>)
    %dma_start3A_67 = arith.constant 3 : i32
    %dma_start3A_68 = arith.constant 0 : i32
    %dma_start3A_69 = tpu.memref_slice %arg4[%add3A, %dma_start3A_67, %dma_start3A_68] : memref<32x125x80xi32, #tpu.memory_space<hbm>> -> memref<1x1x80xi32, #tpu.memory_space<hbm>>
    %dma_start3A_70 = tpu.memref_squeeze %dma_start3A_69 : memref<1x1x80xi32, #tpu.memory_space<hbm>> -> memref<80xi32, #tpu.memory_space<hbm>>
    %dma_start3A_71 = arith.constant 0 : i32
    %dma_start3A_72 = tpu.memref_slice %arg4[%add3A, %dma_start3A_67, %dma_start3A_71] : memref<32x125x80xi32, #tpu.memory_space<hbm>> -> memref<1x1x80xi32, #tpu.memory_space<hbm>>
    %dma_start3A_73 = tpu.memref_squeeze %dma_start3A_72 : memref<1x1x80xi32, #tpu.memory_space<hbm>> -> memref<80xi32, #tpu.memory_space<hbm>>
    tpu.enqueue_dma source(%dma_start3A_73 : memref<80xi32, #tpu.memory_space<hbm>>) target(%arg13 : memref<80xi32, #tpu.memory_space<vmem>>) target_semaphore(%arg21 : memref<!tpu.dma_semaphore, #tpu.memory_space<semaphore_mem>>)
    %dma_wait3A = arith.constant 0 : i32
    %dma_wait3A_74 = arith.constant 0 : i32
    %dma_wait3A_75 = tpu.memref_slice %arg3[%add3A, %dma_wait3A, %dma_wait3A_74] : memref<32x125x80xi32, #tpu.memory_space<hbm>> -> memref<1x1x80xi32, #tpu.memory_space<hbm>>
    %dma_wait3A_76 = tpu.memref_squeeze %dma_wait3A_75 : memref<1x1x80xi32, #tpu.memory_space<hbm>> -> memref<80xi32, #tpu.memory_space<hbm>>
    %dma_wait3A_77 = arith.constant 0 : i32
    %dma_wait3A_78 = tpu.memref_slice %arg3[%add3A, %dma_wait3A, %dma_wait3A_77] : memref<32x125x80xi32, #tpu.memory_space<hbm>> -> memref<1x1x80xi32, #tpu.memory_space<hbm>>
    %dma_wait3A_79 = tpu.memref_squeeze %dma_wait3A_78 : memref<1x1x80xi32, #tpu.memory_space<hbm>> -> memref<80xi32, #tpu.memory_space<hbm>>
    tpu.wait_dma2 semaphore(%arg18 : memref<!tpu.dma_semaphore, #tpu.memory_space<semaphore_mem>>) src(%dma_wait3A_79 : memref<80xi32, #tpu.memory_space<hbm>>) dst(%arg6 : memref<80xi32, #tpu.memory_space<vmem>>)
    %dma_wait3A_80 = arith.constant 0 : i32
    %dma_wait3A_81 = arith.constant 0 : i32
    %dma_wait3A_82 = tpu.memref_slice %arg4[%add3A, %dma_wait3A_80, %dma_wait3A_81] : memref<32x125x80xi32, #tpu.memory_space<hbm>> -> memref<1x1x80xi32, #tpu.memory_space<hbm>>
    %dma_wait3A_83 = tpu.memref_squeeze %dma_wait3A_82 : memref<1x1x80xi32, #tpu.memory_space<hbm>> -> memref<80xi32, #tpu.memory_space<hbm>>
    %dma_wait3A_84 = arith.constant 0 : i32
    %dma_wait3A_85 = tpu.memref_slice %arg4[%add3A, %dma_wait3A_80, %dma_wait3A_84] : memref<32x125x80xi32, #tpu.memory_space<hbm>> -> memref<1x1x80xi32, #tpu.memory_space<hbm>>
    %dma_wait3A_86 = tpu.memref_squeeze %dma_wait3A_85 : memref<1x1x80xi32, #tpu.memory_space<hbm>> -> memref<80xi32, #tpu.memory_space<hbm>>
    tpu.wait_dma2 semaphore(%arg18 : memref<!tpu.dma_semaphore, #tpu.memory_space<semaphore_mem>>) src(%dma_wait3A_86 : memref<80xi32, #tpu.memory_space<hbm>>) dst(%arg7 : memref<80xi32, #tpu.memory_space<vmem>>)
    %dma_start3A_87 = arith.constant 0 : i32
    %dma_start3A_88 = arith.constant 0 : i32
    %dma_start3A_89 = tpu.memref_slice %arg2[%dma_start3A_87, %dma_start3A_88] : memref<10000x128xf32, #tpu.memory_space<hbm>> -> memref<10000x128xf32, #tpu.memory_space<hbm>>
    tpu.enqueue_indirect_dma source(%dma_start3A_89 : memref<10000x128xf32, #tpu.memory_space<hbm>>) target(%arg14 : memref<80x128xf32, #tpu.memory_space<vmem>>) offsets(%arg6 : memref<80xi32, #tpu.memory_space<vmem>>) semaphore(%arg22 : memref<!tpu.dma_semaphore, #tpu.memory_space<semaphore_mem>>)
    %scan3A_90 = arith.constant 0 : i32
    %scan3A_91 = arith.constant 0 : i32
    %scan3A_92 = arith.constant 31 : i32
    %scan3A_93 = arith.addi %scan3A_91, %scan3A_92 : i32
    %scan3A_94 = arith.constant 1 : i32
    scf.for %scan3A_104 = %scan3A_91 to %scan3A_93 step %scan3A_94  : i32 {
      %mul3A_105 = arith.constant 4 : i32
      %mul3A_106 = arith.muli %mul3A_105, %scan3A_104 : i32
      %add3A_107 = arith.constant 1 : i32
      %add3A_108 = arith.addi %mul3A_106, %add3A_107 : i32
      %add3A_109 = arith.constant 0 : i32
      %add3A_110 = arith.addi %add3A_108, %add3A_109 : i32
      %dma_wait3A_111 = arith.constant 0 : i32
      %dma_wait3A_112 = arith.constant 0 : i32
      %dma_wait3A_113 = tpu.memref_slice %arg3[%add3A, %dma_wait3A_111, %dma_wait3A_112] : memref<32x125x80xi32, #tpu.memory_space<hbm>> -> memref<1x1x80xi32, #tpu.memory_space<hbm>>
      %dma_wait3A_114 = tpu.memref_squeeze %dma_wait3A_113 : memref<1x1x80xi32, #tpu.memory_space<hbm>> -> memref<80xi32, #tpu.memory_space<hbm>>
      %dma_wait3A_115 = arith.constant 0 : i32
      %dma_wait3A_116 = tpu.memref_slice %arg3[%add3A, %dma_wait3A_111, %dma_wait3A_115] : memref<32x125x80xi32, #tpu.memory_space<hbm>> -> memref<1x1x80xi32, #tpu.memory_space<hbm>>
      %dma_wait3A_117 = tpu.memref_squeeze %dma_wait3A_116 : memref<1x1x80xi32, #tpu.memory_space<hbm>> -> memref<80xi32, #tpu.memory_space<hbm>>
      tpu.wait_dma2 semaphore(%arg19 : memref<!tpu.dma_semaphore, #tpu.memory_space<semaphore_mem>>) src(%dma_wait3A_117 : memref<80xi32, #tpu.memory_space<hbm>>) dst(%arg8 : memref<80xi32, #tpu.memory_space<vmem>>)
      %dma_wait3A_118 = arith.constant 0 : i32
      %dma_wait3A_119 = arith.constant 0 : i32
      %dma_wait3A_120 = tpu.memref_slice %arg4[%add3A, %dma_wait3A_118, %dma_wait3A_119] : memref<32x125x80xi32, #tpu.memory_space<hbm>> -> memref<1x1x80xi32, #tpu.memory_space<hbm>>
      %dma_wait3A_121 = tpu.memref_squeeze %dma_wait3A_120 : memref<1x1x80xi32, #tpu.memory_space<hbm>> -> memref<80xi32, #tpu.memory_space<hbm>>
      %dma_wait3A_122 = arith.constant 0 : i32
      %dma_wait3A_123 = tpu.memref_slice %arg4[%add3A, %dma_wait3A_118, %dma_wait3A_122] : memref<32x125x80xi32, #tpu.memory_space<hbm>> -> memref<1x1x80xi32, #tpu.memory_space<hbm>>
      %dma_wait3A_124 = tpu.memref_squeeze %dma_wait3A_123 : memref<1x1x80xi32, #tpu.memory_space<hbm>> -> memref<80xi32, #tpu.memory_space<hbm>>
      tpu.wait_dma2 semaphore(%arg19 : memref<!tpu.dma_semaphore, #tpu.memory_space<semaphore_mem>>) src(%dma_wait3A_124 : memref<80xi32, #tpu.memory_space<hbm>>) dst(%arg9 : memref<80xi32, #tpu.memory_space<vmem>>)
      %dma_start3A_125 = arith.constant 0 : i32
      %dma_start3A_126 = arith.constant 0 : i32
      %dma_start3A_127 = tpu.memref_slice %arg2[%dma_start3A_125, %dma_start3A_126] : memref<10000x128xf32, #tpu.memory_space<hbm>> -> memref<10000x128xf32, #tpu.memory_space<hbm>>
      tpu.enqueue_indirect_dma source(%dma_start3A_127 : memref<10000x128xf32, #tpu.memory_space<hbm>>) target(%arg15 : memref<80x128xf32, #tpu.memory_space<vmem>>) offsets(%arg8 : memref<80xi32, #tpu.memory_space<vmem>>) semaphore(%arg23 : memref<!tpu.dma_semaphore, #tpu.memory_space<semaphore_mem>>)
      %dma_wait3A_128 = arith.constant 0 : i32
      %dma_wait3A_129 = arith.constant 0 : i32
      %dma_wait3A_130 = tpu.memref_slice %arg2[%dma_wait3A_128, %dma_wait3A_129] : memref<10000x128xf32, #tpu.memory_space<hbm>> -> memref<10000x128xf32, #tpu.memory_space<hbm>>
      tpu.wait_indirect_dma semaphore(%arg22 : memref<!tpu.dma_semaphore, #tpu.memory_space<semaphore_mem>>) src(%dma_wait3A_130 : memref<10000x128xf32, #tpu.memory_space<hbm>>) dst(%arg14 : memref<80x128xf32, #tpu.memory_space<vmem>>)
      "tpu.region"() ({
        %run_scoped3A = tpu.sem_alloc : memref<!tpu.dma_semaphore, #tpu.memory_space<semaphore_mem>>
        %dma_start3A_234 = arith.constant 0 : i32
        %dma_start3A_235 = arith.constant 0 : i32
        %dma_start3A_236 = tpu.memref_slice %arg17[%dma_start3A_234, %dma_start3A_235] : memref<10112x128xf32, #tpu.memory_space<vmem_shared>> -> memref<10112x128xf32, #tpu.memory_space<vmem_shared>>
        tpu.enqueue_indirect_dma source(%arg14 : memref<80x128xf32, #tpu.memory_space<vmem>>) target(%dma_start3A_236 : memref<10112x128xf32, #tpu.memory_space<vmem_shared>>) offsets(%arg7 : memref<80xi32, #tpu.memory_space<vmem>>) semaphore(%run_scoped3A : memref<!tpu.dma_semaphore, #tpu.memory_space<semaphore_mem>>) {add = true}
        %dma_wait3A_237 = arith.constant 0 : i32
        %dma_wait3A_238 = arith.constant 0 : i32
        %dma_wait3A_239 = tpu.memref_slice %arg17[%dma_wait3A_237, %dma_wait3A_238] : memref<10112x128xf32, #tpu.memory_space<vmem_shared>> -> memref<10112x128xf32, #tpu.memory_space<vmem_shared>>
        tpu.wait_indirect_dma semaphore(%run_scoped3A : memref<!tpu.dma_semaphore, #tpu.memory_space<semaphore_mem>>) src(%arg14 : memref<80x128xf32, #tpu.memory_space<vmem>>) dst(%dma_wait3A_239 : memref<10112x128xf32, #tpu.memory_space<vmem_shared>>)
        tpu.yield
      }) : () -> ()
      %add3A_131 = arith.constant 3 : i32
      %add3A_132 = arith.addi %add3A_110, %add3A_131 : i32
      %le3A = arith.constant 124 : i32
      %le3A_133 = arith.cmpi sle, %add3A_132, %le3A : i32
      %convert_element_type3A = arith.extui %le3A_133 : i1 to i32
      %cond3A = arith.constant 0 : i32
      %cond3A_134 = arith.cmpi ne, %convert_element_type3A, %cond3A : i32
      scf.if %cond3A_134 {
        %add3A_234 = arith.constant 3 : i32
        %add3A_235 = arith.addi %add3A_110, %add3A_234 : i32
        %dma_start3A_236 = arith.constant 0 : i32
        %dma_start3A_237 = tpu.memref_slice %arg3[%add3A, %add3A_235, %dma_start3A_236] : memref<32x125x80xi32, #tpu.memory_space<hbm>> -> memref<1x1x80xi32, #tpu.memory_space<hbm>>
        %dma_start3A_238 = tpu.memref_squeeze %dma_start3A_237 : memref<1x1x80xi32, #tpu.memory_space<hbm>> -> memref<80xi32, #tpu.memory_space<hbm>>
        %dma_start3A_239 = arith.constant 0 : i32
        %dma_start3A_240 = tpu.memref_slice %arg3[%add3A, %add3A_235, %dma_start3A_239] : memref<32x125x80xi32, #tpu.memory_space<hbm>> -> memref<1x1x80xi32, #tpu.memory_space<hbm>>
        %dma_start3A_241 = tpu.memref_squeeze %dma_start3A_240 : memref<1x1x80xi32, #tpu.memory_space<hbm>> -> memref<80xi32, #tpu.memory_space<hbm>>
        tpu.enqueue_dma source(%dma_start3A_241 : memref<80xi32, #tpu.memory_space<hbm>>) target(%arg6 : memref<80xi32, #tpu.memory_space<vmem>>) target_semaphore(%arg18 : memref<!tpu.dma_semaphore, #tpu.memory_space<semaphore_mem>>)
        %dma_start3A_242 = arith.constant 0 : i32
        %dma_start3A_243 = tpu.memref_slice %arg4[%add3A, %add3A_235, %dma_start3A_242] : memref<32x125x80xi32, #tpu.memory_space<hbm>> -> memref<1x1x80xi32, #tpu.memory_space<hbm>>
        %dma_start3A_244 = tpu.memref_squeeze %dma_start3A_243 : memref<1x1x80xi32, #tpu.memory_space<hbm>> -> memref<80xi32, #tpu.memory_space<hbm>>
        %dma_start3A_245 = arith.constant 0 : i32
        %dma_start3A_246 = tpu.memref_slice %arg4[%add3A, %add3A_235, %dma_start3A_245] : memref<32x125x80xi32, #tpu.memory_space<hbm>> -> memref<1x1x80xi32, #tpu.memory_space<hbm>>
        %dma_start3A_247 = tpu.memref_squeeze %dma_start3A_246 : memref<1x1x80xi32, #tpu.memory_space<hbm>> -> memref<80xi32, #tpu.memory_space<hbm>>
        tpu.enqueue_dma source(%dma_start3A_247 : memref<80xi32, #tpu.memory_space<hbm>>) target(%arg7 : memref<80xi32, #tpu.memory_space<vmem>>) target_semaphore(%arg18 : memref<!tpu.dma_semaphore, #tpu.memory_space<semaphore_mem>>)
      } else {
      }
      %mul3A_135 = arith.constant 4 : i32
      %mul3A_136 = arith.muli %mul3A_135, %scan3A_104 : i32
      %add3A_137 = arith.constant 1 : i32
      %add3A_138 = arith.addi %mul3A_136, %add3A_137 : i32
      %add3A_139 = arith.constant 1 : i32
      %add3A_140 = arith.addi %add3A_138, %add3A_139 : i32
      %dma_wait3A_141 = arith.constant 0 : i32
      %dma_wait3A_142 = arith.constant 0 : i32
      %dma_wait3A_143 = tpu.memref_slice %arg3[%add3A, %dma_wait3A_141, %dma_wait3A_142] : memref<32x125x80xi32, #tpu.memory_space<hbm>> -> memref<1x1x80xi32, #tpu.memory_space<hbm>>
      %dma_wait3A_144 = tpu.memref_squeeze %dma_wait3A_143 : memref<1x1x80xi32, #tpu.memory_space<hbm>> -> memref<80xi32, #tpu.memory_space<hbm>>
      %dma_wait3A_145 = arith.constant 0 : i32
      %dma_wait3A_146 = tpu.memref_slice %arg3[%add3A, %dma_wait3A_141, %dma_wait3A_145] : memref<32x125x80xi32, #tpu.memory_space<hbm>> -> memref<1x1x80xi32, #tpu.memory_space<hbm>>
      %dma_wait3A_147 = tpu.memref_squeeze %dma_wait3A_146 : memref<1x1x80xi32, #tpu.memory_space<hbm>> -> memref<80xi32, #tpu.memory_space<hbm>>
      tpu.wait_dma2 semaphore(%arg20 : memref<!tpu.dma_semaphore, #tpu.memory_space<semaphore_mem>>) src(%dma_wait3A_147 : memref<80xi32, #tpu.memory_space<hbm>>) dst(%arg10 : memref<80xi32, #tpu.memory_space<vmem>>)
      %dma_wait3A_148 = arith.constant 0 : i32
      %dma_wait3A_149 = arith.constant 0 : i32
      %dma_wait3A_150 = tpu.memref_slice %arg4[%add3A, %dma_wait3A_148, %dma_wait3A_149] : memref<32x125x80xi32, #tpu.memory_space<hbm>> -> memref<1x1x80xi32, #tpu.memory_space<hbm>>
      %dma_wait3A_151 = tpu.memref_squeeze %dma_wait3A_150 : memref<1x1x80xi32, #tpu.memory_space<hbm>> -> memref<80xi32, #tpu.memory_space<hbm>>
      %dma_wait3A_152 = arith.constant 0 : i32
      %dma_wait3A_153 = tpu.memref_slice %arg4[%add3A, %dma_wait3A_148, %dma_wait3A_152] : memref<32x125x80xi32, #tpu.memory_space<hbm>> -> memref<1x1x80xi32, #tpu.memory_space<hbm>>
      %dma_wait3A_154 = tpu.memref_squeeze %dma_wait3A_153 : memref<1x1x80xi32, #tpu.memory_space<hbm>> -> memref<80xi32, #tpu.memory_space<hbm>>
      tpu.wait_dma2 semaphore(%arg20 : memref<!tpu.dma_semaphore, #tpu.memory_space<semaphore_mem>>) src(%dma_wait3A_154 : memref<80xi32, #tpu.memory_space<hbm>>) dst(%arg11 : memref<80xi32, #tpu.memory_space<vmem>>)
      %dma_start3A_155 = arith.constant 0 : i32
      %dma_start3A_156 = arith.constant 0 : i32
      %dma_start3A_157 = tpu.memref_slice %arg2[%dma_start3A_155, %dma_start3A_156] : memref<10000x128xf32, #tpu.memory_space<hbm>> -> memref<10000x128xf32, #tpu.memory_space<hbm>>
      tpu.enqueue_indirect_dma source(%dma_start3A_157 : memref<10000x128xf32, #tpu.memory_space<hbm>>) target(%arg14 : memref<80x128xf32, #tpu.memory_space<vmem>>) offsets(%arg10 : memref<80xi32, #tpu.memory_space<vmem>>) semaphore(%arg22 : memref<!tpu.dma_semaphore, #tpu.memory_space<semaphore_mem>>)
      %dma_wait3A_158 = arith.constant 0 : i32
      %dma_wait3A_159 = arith.constant 0 : i32
      %dma_wait3A_160 = tpu.memref_slice %arg2[%dma_wait3A_158, %dma_wait3A_159] : memref<10000x128xf32, #tpu.memory_space<hbm>> -> memref<10000x128xf32, #tpu.memory_space<hbm>>
      tpu.wait_indirect_dma semaphore(%arg23 : memref<!tpu.dma_semaphore, #tpu.memory_space<semaphore_mem>>) src(%dma_wait3A_160 : memref<10000x128xf32, #tpu.memory_space<hbm>>) dst(%arg15 : memref<80x128xf32, #tpu.memory_space<vmem>>)
      "tpu.region"() ({
        %run_scoped3A = tpu.sem_alloc : memref<!tpu.dma_semaphore, #tpu.memory_space<semaphore_mem>>
        %dma_start3A_234 = arith.constant 0 : i32
        %dma_start3A_235 = arith.constant 0 : i32
        %dma_start3A_236 = tpu.memref_slice %arg17[%dma_start3A_234, %dma_start3A_235] : memref<10112x128xf32, #tpu.memory_space<vmem_shared>> -> memref<10112x128xf32, #tpu.memory_space<vmem_shared>>
        tpu.enqueue_indirect_dma source(%arg15 : memref<80x128xf32, #tpu.memory_space<vmem>>) target(%dma_start3A_236 : memref<10112x128xf32, #tpu.memory_space<vmem_shared>>) offsets(%arg9 : memref<80xi32, #tpu.memory_space<vmem>>) semaphore(%run_scoped3A : memref<!tpu.dma_semaphore, #tpu.memory_space<semaphore_mem>>) {add = true}
        %dma_wait3A_237 = arith.constant 0 : i32
        %dma_wait3A_238 = arith.constant 0 : i32
        %dma_wait3A_239 = tpu.memref_slice %arg17[%dma_wait3A_237, %dma_wait3A_238] : memref<10112x128xf32, #tpu.memory_space<vmem_shared>> -> memref<10112x128xf32, #tpu.memory_space<vmem_shared>>
        tpu.wait_indirect_dma semaphore(%run_scoped3A : memref<!tpu.dma_semaphore, #tpu.memory_space<semaphore_mem>>) src(%arg15 : memref<80x128xf32, #tpu.memory_space<vmem>>) dst(%dma_wait3A_239 : memref<10112x128xf32, #tpu.memory_space<vmem_shared>>)
        tpu.yield
      }) : () -> ()
      %add3A_161 = arith.constant 3 : i32
      %add3A_162 = arith.addi %add3A_140, %add3A_161 : i32
      %le3A_163 = arith.constant 124 : i32
      %le3A_164 = arith.cmpi sle, %add3A_162, %le3A_163 : i32
      %convert_element_type3A_165 = arith.extui %le3A_164 : i1 to i32
      %cond3A_166 = arith.constant 0 : i32
      %cond3A_167 = arith.cmpi ne, %convert_element_type3A_165, %cond3A_166 : i32
      scf.if %cond3A_167 {
        %add3A_234 = arith.constant 3 : i32
        %add3A_235 = arith.addi %add3A_140, %add3A_234 : i32
        %dma_start3A_236 = arith.constant 0 : i32
        %dma_start3A_237 = tpu.memref_slice %arg3[%add3A, %add3A_235, %dma_start3A_236] : memref<32x125x80xi32, #tpu.memory_space<hbm>> -> memref<1x1x80xi32, #tpu.memory_space<hbm>>
        %dma_start3A_238 = tpu.memref_squeeze %dma_start3A_237 : memref<1x1x80xi32, #tpu.memory_space<hbm>> -> memref<80xi32, #tpu.memory_space<hbm>>
        %dma_start3A_239 = arith.constant 0 : i32
        %dma_start3A_240 = tpu.memref_slice %arg3[%add3A, %add3A_235, %dma_start3A_239] : memref<32x125x80xi32, #tpu.memory_space<hbm>> -> memref<1x1x80xi32, #tpu.memory_space<hbm>>
        %dma_start3A_241 = tpu.memref_squeeze %dma_start3A_240 : memref<1x1x80xi32, #tpu.memory_space<hbm>> -> memref<80xi32, #tpu.memory_space<hbm>>
        tpu.enqueue_dma source(%dma_start3A_241 : memref<80xi32, #tpu.memory_space<hbm>>) target(%arg8 : memref<80xi32, #tpu.memory_space<vmem>>) target_semaphore(%arg19 : memref<!tpu.dma_semaphore, #tpu.memory_space<semaphore_mem>>)
        %dma_start3A_242 = arith.constant 0 : i32
        %dma_start3A_243 = tpu.memref_slice %arg4[%add3A, %add3A_235, %dma_start3A_242] : memref<32x125x80xi32, #tpu.memory_space<hbm>> -> memref<1x1x80xi32, #tpu.memory_space<hbm>>
        %dma_start3A_244 = tpu.memref_squeeze %dma_start3A_243 : memref<1x1x80xi32, #tpu.memory_space<hbm>> -> memref<80xi32, #tpu.memory_space<hbm>>
        %dma_start3A_245 = arith.constant 0 : i32
        %dma_start3A_246 = tpu.memref_slice %arg4[%add3A, %add3A_235, %dma_start3A_245] : memref<32x125x80xi32, #tpu.memory_space<hbm>> -> memref<1x1x80xi32, #tpu.memory_space<hbm>>
        %dma_start3A_247 = tpu.memref_squeeze %dma_start3A_246 : memref<1x1x80xi32, #tpu.memory_space<hbm>> -> memref<80xi32, #tpu.memory_space<hbm>>
        tpu.enqueue_dma source(%dma_start3A_247 : memref<80xi32, #tpu.memory_space<hbm>>) target(%arg9 : memref<80xi32, #tpu.memory_space<vmem>>) target_semaphore(%arg19 : memref<!tpu.dma_semaphore, #tpu.memory_space<semaphore_mem>>)
      } else {
      }
      %mul3A_168 = arith.constant 4 : i32
      %mul3A_169 = arith.muli %mul3A_168, %scan3A_104 : i32
      %add3A_170 = arith.constant 1 : i32
      %add3A_171 = arith.addi %mul3A_169, %add3A_170 : i32
      %add3A_172 = arith.constant 2 : i32
      %add3A_173 = arith.addi %add3A_171, %add3A_172 : i32
      %dma_wait3A_174 = arith.constant 0 : i32
      %dma_wait3A_175 = arith.constant 0 : i32
      %dma_wait3A_176 = tpu.memref_slice %arg3[%add3A, %dma_wait3A_174, %dma_wait3A_175] : memref<32x125x80xi32, #tpu.memory_space<hbm>> -> memref<1x1x80xi32, #tpu.memory_space<hbm>>
      %dma_wait3A_177 = tpu.memref_squeeze %dma_wait3A_176 : memref<1x1x80xi32, #tpu.memory_space<hbm>> -> memref<80xi32, #tpu.memory_space<hbm>>
      %dma_wait3A_178 = arith.constant 0 : i32
      %dma_wait3A_179 = tpu.memref_slice %arg3[%add3A, %dma_wait3A_174, %dma_wait3A_178] : memref<32x125x80xi32, #tpu.memory_space<hbm>> -> memref<1x1x80xi32, #tpu.memory_space<hbm>>
      %dma_wait3A_180 = tpu.memref_squeeze %dma_wait3A_179 : memref<1x1x80xi32, #tpu.memory_space<hbm>> -> memref<80xi32, #tpu.memory_space<hbm>>
      tpu.wait_dma2 semaphore(%arg21 : memref<!tpu.dma_semaphore, #tpu.memory_space<semaphore_mem>>) src(%dma_wait3A_180 : memref<80xi32, #tpu.memory_space<hbm>>) dst(%arg12 : memref<80xi32, #tpu.memory_space<vmem>>)
      %dma_wait3A_181 = arith.constant 0 : i32
      %dma_wait3A_182 = arith.constant 0 : i32
      %dma_wait3A_183 = tpu.memref_slice %arg4[%add3A, %dma_wait3A_181, %dma_wait3A_182] : memref<32x125x80xi32, #tpu.memory_space<hbm>> -> memref<1x1x80xi32, #tpu.memory_space<hbm>>
      %dma_wait3A_184 = tpu.memref_squeeze %dma_wait3A_183 : memref<1x1x80xi32, #tpu.memory_space<hbm>> -> memref<80xi32, #tpu.memory_space<hbm>>
      %dma_wait3A_185 = arith.constant 0 : i32
      %dma_wait3A_186 = tpu.memref_slice %arg4[%add3A, %dma_wait3A_181, %dma_wait3A_185] : memref<32x125x80xi32, #tpu.memory_space<hbm>> -> memref<1x1x80xi32, #tpu.memory_space<hbm>>
      %dma_wait3A_187 = tpu.memref_squeeze %dma_wait3A_186 : memref<1x1x80xi32, #tpu.memory_space<hbm>> -> memref<80xi32, #tpu.memory_space<hbm>>
      tpu.wait_dma2 semaphore(%arg21 : memref<!tpu.dma_semaphore, #tpu.memory_space<semaphore_mem>>) src(%dma_wait3A_187 : memref<80xi32, #tpu.memory_space<hbm>>) dst(%arg13 : memref<80xi32, #tpu.memory_space<vmem>>)
      %dma_start3A_188 = arith.constant 0 : i32
      %dma_start3A_189 = arith.constant 0 : i32
      %dma_start3A_190 = tpu.memref_slice %arg2[%dma_start3A_188, %dma_start3A_189] : memref<10000x128xf32, #tpu.memory_space<hbm>> -> memref<10000x128xf32, #tpu.memory_space<hbm>>
      tpu.enqueue_indirect_dma source(%dma_start3A_190 : memref<10000x128xf32, #tpu.memory_space<hbm>>) target(%arg15 : memref<80x128xf32, #tpu.memory_space<vmem>>) offsets(%arg12 : memref<80xi32, #tpu.memory_space<vmem>>) semaphore(%arg23 : memref<!tpu.dma_semaphore, #tpu.memory_space<semaphore_mem>>)
      %dma_wait3A_191 = arith.constant 0 : i32
      %dma_wait3A_192 = arith.constant 0 : i32
      %dma_wait3A_193 = tpu.memref_slice %arg2[%dma_wait3A_191, %dma_wait3A_192] : memref<10000x128xf32, #tpu.memory_space<hbm>> -> memref<10000x128xf32, #tpu.memory_space<hbm>>
      tpu.wait_indirect_dma semaphore(%arg22 : memref<!tpu.dma_semaphore, #tpu.memory_space<semaphore_mem>>) src(%dma_wait3A_193 : memref<10000x128xf32, #tpu.memory_space<hbm>>) dst(%arg14 : memref<80x128xf32, #tpu.memory_space<vmem>>)
      "tpu.region"() ({
        %run_scoped3A = tpu.sem_alloc : memref<!tpu.dma_semaphore, #tpu.memory_space<semaphore_mem>>
        %dma_start3A_234 = arith.constant 0 : i32
        %dma_start3A_235 = arith.constant 0 : i32
        %dma_start3A_236 = tpu.memref_slice %arg17[%dma_start3A_234, %dma_start3A_235] : memref<10112x128xf32, #tpu.memory_space<vmem_shared>> -> memref<10112x128xf32, #tpu.memory_space<vmem_shared>>
        tpu.enqueue_indirect_dma source(%arg14 : memref<80x128xf32, #tpu.memory_space<vmem>>) target(%dma_start3A_236 : memref<10112x128xf32, #tpu.memory_space<vmem_shared>>) offsets(%arg11 : memref<80xi32, #tpu.memory_space<vmem>>) semaphore(%run_scoped3A : memref<!tpu.dma_semaphore, #tpu.memory_space<semaphore_mem>>) {add = true}
        %dma_wait3A_237 = arith.constant 0 : i32
        %dma_wait3A_238 = arith.constant 0 : i32
        %dma_wait3A_239 = tpu.memref_slice %arg17[%dma_wait3A_237, %dma_wait3A_238] : memref<10112x128xf32, #tpu.memory_space<vmem_shared>> -> memref<10112x128xf32, #tpu.memory_space<vmem_shared>>
        tpu.wait_indirect_dma semaphore(%run_scoped3A : memref<!tpu.dma_semaphore, #tpu.memory_space<semaphore_mem>>) src(%arg14 : memref<80x128xf32, #tpu.memory_space<vmem>>) dst(%dma_wait3A_239 : memref<10112x128xf32, #tpu.memory_space<vmem_shared>>)
        tpu.yield
      }) : () -> ()
      %add3A_194 = arith.constant 3 : i32
      %add3A_195 = arith.addi %add3A_173, %add3A_194 : i32
      %le3A_196 = arith.constant 124 : i32
      %le3A_197 = arith.cmpi sle, %add3A_195, %le3A_196 : i32
      %convert_element_type3A_198 = arith.extui %le3A_197 : i1 to i32
      %cond3A_199 = arith.constant 0 : i32
      %cond3A_200 = arith.cmpi ne, %convert_element_type3A_198, %cond3A_199 : i32
      scf.if %cond3A_200 {
        %add3A_234 = arith.constant 3 : i32
        %add3A_235 = arith.addi %add3A_173, %add3A_234 : i32
        %dma_start3A_236 = arith.constant 0 : i32
        %dma_start3A_237 = tpu.memref_slice %arg3[%add3A, %add3A_235, %dma_start3A_236] : memref<32x125x80xi32, #tpu.memory_space<hbm>> -> memref<1x1x80xi32, #tpu.memory_space<hbm>>
        %dma_start3A_238 = tpu.memref_squeeze %dma_start3A_237 : memref<1x1x80xi32, #tpu.memory_space<hbm>> -> memref<80xi32, #tpu.memory_space<hbm>>
        %dma_start3A_239 = arith.constant 0 : i32
        %dma_start3A_240 = tpu.memref_slice %arg3[%add3A, %add3A_235, %dma_start3A_239] : memref<32x125x80xi32, #tpu.memory_space<hbm>> -> memref<1x1x80xi32, #tpu.memory_space<hbm>>
        %dma_start3A_241 = tpu.memref_squeeze %dma_start3A_240 : memref<1x1x80xi32, #tpu.memory_space<hbm>> -> memref<80xi32, #tpu.memory_space<hbm>>
        tpu.enqueue_dma source(%dma_start3A_241 : memref<80xi32, #tpu.memory_space<hbm>>) target(%arg10 : memref<80xi32, #tpu.memory_space<vmem>>) target_semaphore(%arg20 : memref<!tpu.dma_semaphore, #tpu.memory_space<semaphore_mem>>)
        %dma_start3A_242 = arith.constant 0 : i32
        %dma_start3A_243 = tpu.memref_slice %arg4[%add3A, %add3A_235, %dma_start3A_242] : memref<32x125x80xi32, #tpu.memory_space<hbm>> -> memref<1x1x80xi32, #tpu.memory_space<hbm>>
        %dma_start3A_244 = tpu.memref_squeeze %dma_start3A_243 : memref<1x1x80xi32, #tpu.memory_space<hbm>> -> memref<80xi32, #tpu.memory_space<hbm>>
        %dma_start3A_245 = arith.constant 0 : i32
        %dma_start3A_246 = tpu.memref_slice %arg4[%add3A, %add3A_235, %dma_start3A_245] : memref<32x125x80xi32, #tpu.memory_space<hbm>> -> memref<1x1x80xi32, #tpu.memory_space<hbm>>
        %dma_start3A_247 = tpu.memref_squeeze %dma_start3A_246 : memref<1x1x80xi32, #tpu.memory_space<hbm>> -> memref<80xi32, #tpu.memory_space<hbm>>
        tpu.enqueue_dma source(%dma_start3A_247 : memref<80xi32, #tpu.memory_space<hbm>>) target(%arg11 : memref<80xi32, #tpu.memory_space<vmem>>) target_semaphore(%arg20 : memref<!tpu.dma_semaphore, #tpu.memory_space<semaphore_mem>>)
      } else {
      }
      %mul3A_201 = arith.constant 4 : i32
      %mul3A_202 = arith.muli %mul3A_201, %scan3A_104 : i32
      %add3A_203 = arith.constant 1 : i32
      %add3A_204 = arith.addi %mul3A_202, %add3A_203 : i32
      %add3A_205 = arith.constant 3 : i32
      %add3A_206 = arith.addi %add3A_204, %add3A_205 : i32
      %dma_wait3A_207 = arith.constant 0 : i32
      %dma_wait3A_208 = arith.constant 0 : i32
      %dma_wait3A_209 = tpu.memref_slice %arg3[%add3A, %dma_wait3A_207, %dma_wait3A_208] : memref<32x125x80xi32, #tpu.memory_space<hbm>> -> memref<1x1x80xi32, #tpu.memory_space<hbm>>
      %dma_wait3A_210 = tpu.memref_squeeze %dma_wait3A_209 : memref<1x1x80xi32, #tpu.memory_space<hbm>> -> memref<80xi32, #tpu.memory_space<hbm>>
      %dma_wait3A_211 = arith.constant 0 : i32
      %dma_wait3A_212 = tpu.memref_slice %arg3[%add3A, %dma_wait3A_207, %dma_wait3A_211] : memref<32x125x80xi32, #tpu.memory_space<hbm>> -> memref<1x1x80xi32, #tpu.memory_space<hbm>>
      %dma_wait3A_213 = tpu.memref_squeeze %dma_wait3A_212 : memref<1x1x80xi32, #tpu.memory_space<hbm>> -> memref<80xi32, #tpu.memory_space<hbm>>
      tpu.wait_dma2 semaphore(%arg18 : memref<!tpu.dma_semaphore, #tpu.memory_space<semaphore_mem>>) src(%dma_wait3A_213 : memref<80xi32, #tpu.memory_space<hbm>>) dst(%arg6 : memref<80xi32, #tpu.memory_space<vmem>>)
      %dma_wait3A_214 = arith.constant 0 : i32
      %dma_wait3A_215 = arith.constant 0 : i32
      %dma_wait3A_216 = tpu.memref_slice %arg4[%add3A, %dma_wait3A_214, %dma_wait3A_215] : memref<32x125x80xi32, #tpu.memory_space<hbm>> -> memref<1x1x80xi32, #tpu.memory_space<hbm>>
      %dma_wait3A_217 = tpu.memref_squeeze %dma_wait3A_216 : memref<1x1x80xi32, #tpu.memory_space<hbm>> -> memref<80xi32, #tpu.memory_space<hbm>>
      %dma_wait3A_218 = arith.constant 0 : i32
      %dma_wait3A_219 = tpu.memref_slice %arg4[%add3A, %dma_wait3A_214, %dma_wait3A_218] : memref<32x125x80xi32, #tpu.memory_space<hbm>> -> memref<1x1x80xi32, #tpu.memory_space<hbm>>
      %dma_wait3A_220 = tpu.memref_squeeze %dma_wait3A_219 : memref<1x1x80xi32, #tpu.memory_space<hbm>> -> memref<80xi32, #tpu.memory_space<hbm>>
      tpu.wait_dma2 semaphore(%arg18 : memref<!tpu.dma_semaphore, #tpu.memory_space<semaphore_mem>>) src(%dma_wait3A_220 : memref<80xi32, #tpu.memory_space<hbm>>) dst(%arg7 : memref<80xi32, #tpu.memory_space<vmem>>)
      %dma_start3A_221 = arith.constant 0 : i32
      %dma_start3A_222 = arith.constant 0 : i32
      %dma_start3A_223 = tpu.memref_slice %arg2[%dma_start3A_221, %dma_start3A_222] : memref<10000x128xf32, #tpu.memory_space<hbm>> -> memref<10000x128xf32, #tpu.memory_space<hbm>>
      tpu.enqueue_indirect_dma source(%dma_start3A_223 : memref<10000x128xf32, #tpu.memory_space<hbm>>) target(%arg14 : memref<80x128xf32, #tpu.memory_space<vmem>>) offsets(%arg6 : memref<80xi32, #tpu.memory_space<vmem>>) semaphore(%arg22 : memref<!tpu.dma_semaphore, #tpu.memory_space<semaphore_mem>>)
      %dma_wait3A_224 = arith.constant 0 : i32
      %dma_wait3A_225 = arith.constant 0 : i32
      %dma_wait3A_226 = tpu.memref_slice %arg2[%dma_wait3A_224, %dma_wait3A_225] : memref<10000x128xf32, #tpu.memory_space<hbm>> -> memref<10000x128xf32, #tpu.memory_space<hbm>>
      tpu.wait_indirect_dma semaphore(%arg23 : memref<!tpu.dma_semaphore, #tpu.memory_space<semaphore_mem>>) src(%dma_wait3A_226 : memref<10000x128xf32, #tpu.memory_space<hbm>>) dst(%arg15 : memref<80x128xf32, #tpu.memory_space<vmem>>)
      "tpu.region"() ({
        %run_scoped3A = tpu.sem_alloc : memref<!tpu.dma_semaphore, #tpu.memory_space<semaphore_mem>>
        %dma_start3A_234 = arith.constant 0 : i32
        %dma_start3A_235 = arith.constant 0 : i32
        %dma_start3A_236 = tpu.memref_slice %arg17[%dma_start3A_234, %dma_start3A_235] : memref<10112x128xf32, #tpu.memory_space<vmem_shared>> -> memref<10112x128xf32, #tpu.memory_space<vmem_shared>>
        tpu.enqueue_indirect_dma source(%arg15 : memref<80x128xf32, #tpu.memory_space<vmem>>) target(%dma_start3A_236 : memref<10112x128xf32, #tpu.memory_space<vmem_shared>>) offsets(%arg13 : memref<80xi32, #tpu.memory_space<vmem>>) semaphore(%run_scoped3A : memref<!tpu.dma_semaphore, #tpu.memory_space<semaphore_mem>>) {add = true}
        %dma_wait3A_237 = arith.constant 0 : i32
        %dma_wait3A_238 = arith.constant 0 : i32
        %dma_wait3A_239 = tpu.memref_slice %arg17[%dma_wait3A_237, %dma_wait3A_238] : memref<10112x128xf32, #tpu.memory_space<vmem_shared>> -> memref<10112x128xf32, #tpu.memory_space<vmem_shared>>
        tpu.wait_indirect_dma semaphore(%run_scoped3A : memref<!tpu.dma_semaphore, #tpu.memory_space<semaphore_mem>>) src(%arg15 : memref<80x128xf32, #tpu.memory_space<vmem>>) dst(%dma_wait3A_239 : memref<10112x128xf32, #tpu.memory_space<vmem_shared>>)
        tpu.yield
      }) : () -> ()
      %add3A_227 = arith.constant 3 : i32
      %add3A_228 = arith.addi %add3A_206, %add3A_227 : i32
      %le3A_229 = arith.constant 124 : i32
      %le3A_230 = arith.cmpi sle, %add3A_228, %le3A_229 : i32
      %convert_element_type3A_231 = arith.extui %le3A_230 : i1 to i32
      %cond3A_232 = arith.constant 0 : i32
      %cond3A_233 = arith.cmpi ne, %convert_element_type3A_231, %cond3A_232 : i32
      scf.if %cond3A_233 {
        %add3A_234 = arith.constant 3 : i32
        %add3A_235 = arith.addi %add3A_206, %add3A_234 : i32
        %dma_start3A_236 = arith.constant 0 : i32
        %dma_start3A_237 = tpu.memref_slice %arg3[%add3A, %add3A_235, %dma_start3A_236] : memref<32x125x80xi32, #tpu.memory_space<hbm>> -> memref<1x1x80xi32, #tpu.memory_space<hbm>>
        %dma_start3A_238 = tpu.memref_squeeze %dma_start3A_237 : memref<1x1x80xi32, #tpu.memory_space<hbm>> -> memref<80xi32, #tpu.memory_space<hbm>>
        %dma_start3A_239 = arith.constant 0 : i32
        %dma_start3A_240 = tpu.memref_slice %arg3[%add3A, %add3A_235, %dma_start3A_239] : memref<32x125x80xi32, #tpu.memory_space<hbm>> -> memref<1x1x80xi32, #tpu.memory_space<hbm>>
        %dma_start3A_241 = tpu.memref_squeeze %dma_start3A_240 : memref<1x1x80xi32, #tpu.memory_space<hbm>> -> memref<80xi32, #tpu.memory_space<hbm>>
        tpu.enqueue_dma source(%dma_start3A_241 : memref<80xi32, #tpu.memory_space<hbm>>) target(%arg12 : memref<80xi32, #tpu.memory_space<vmem>>) target_semaphore(%arg21 : memref<!tpu.dma_semaphore, #tpu.memory_space<semaphore_mem>>)
        %dma_start3A_242 = arith.constant 0 : i32
        %dma_start3A_243 = tpu.memref_slice %arg4[%add3A, %add3A_235, %dma_start3A_242] : memref<32x125x80xi32, #tpu.memory_space<hbm>> -> memref<1x1x80xi32, #tpu.memory_space<hbm>>
        %dma_start3A_244 = tpu.memref_squeeze %dma_start3A_243 : memref<1x1x80xi32, #tpu.memory_space<hbm>> -> memref<80xi32, #tpu.memory_space<hbm>>
        %dma_start3A_245 = arith.constant 0 : i32
        %dma_start3A_246 = tpu.memref_slice %arg4[%add3A, %add3A_235, %dma_start3A_245] : memref<32x125x80xi32, #tpu.memory_space<hbm>> -> memref<1x1x80xi32, #tpu.memory_space<hbm>>
        %dma_start3A_247 = tpu.memref_squeeze %dma_start3A_246 : memref<1x1x80xi32, #tpu.memory_space<hbm>> -> memref<80xi32, #tpu.memory_space<hbm>>
        tpu.enqueue_dma source(%dma_start3A_247 : memref<80xi32, #tpu.memory_space<hbm>>) target(%arg13 : memref<80xi32, #tpu.memory_space<vmem>>) target_semaphore(%arg21 : memref<!tpu.dma_semaphore, #tpu.memory_space<semaphore_mem>>)
      } else {
      }
    }
    %scan3A_95 = arith.constant 31 : i32
    %dma_wait3A_96 = arith.constant 0 : i32
    %dma_wait3A_97 = arith.constant 0 : i32
    %dma_wait3A_98 = tpu.memref_slice %arg2[%dma_wait3A_96, %dma_wait3A_97] : memref<10000x128xf32, #tpu.memory_space<hbm>> -> memref<10000x128xf32, #tpu.memory_space<hbm>>
    tpu.wait_indirect_dma semaphore(%arg22 : memref<!tpu.dma_semaphore, #tpu.memory_space<semaphore_mem>>) src(%dma_wait3A_98 : memref<10000x128xf32, #tpu.memory_space<hbm>>) dst(%arg14 : memref<80x128xf32, #tpu.memory_space<vmem>>)
    "tpu.region"() ({
      %run_scoped3A = tpu.sem_alloc : memref<!tpu.dma_semaphore, #tpu.memory_space<semaphore_mem>>
      %dma_start3A_104 = arith.constant 0 : i32
      %dma_start3A_105 = arith.constant 0 : i32
      %dma_start3A_106 = tpu.memref_slice %arg17[%dma_start3A_104, %dma_start3A_105] : memref<10112x128xf32, #tpu.memory_space<vmem_shared>> -> memref<10112x128xf32, #tpu.memory_space<vmem_shared>>
      tpu.enqueue_indirect_dma source(%arg14 : memref<80x128xf32, #tpu.memory_space<vmem>>) target(%dma_start3A_106 : memref<10112x128xf32, #tpu.memory_space<vmem_shared>>) offsets(%arg7 : memref<80xi32, #tpu.memory_space<vmem>>) semaphore(%run_scoped3A : memref<!tpu.dma_semaphore, #tpu.memory_space<semaphore_mem>>) {add = true}
      %dma_wait3A_107 = arith.constant 0 : i32
      %dma_wait3A_108 = arith.constant 0 : i32
      %dma_wait3A_109 = tpu.memref_slice %arg17[%dma_wait3A_107, %dma_wait3A_108] : memref<10112x128xf32, #tpu.memory_space<vmem_shared>> -> memref<10112x128xf32, #tpu.memory_space<vmem_shared>>
      tpu.wait_indirect_dma semaphore(%run_scoped3A : memref<!tpu.dma_semaphore, #tpu.memory_space<semaphore_mem>>) src(%arg14 : memref<80x128xf32, #tpu.memory_space<vmem>>) dst(%dma_wait3A_109 : memref<10112x128xf32, #tpu.memory_space<vmem_shared>>)
      tpu.yield
    }) : () -> ()
    %barrier3A_99 = arith.constant 0 : index
    tpu.barrier barrier_id(%barrier3A_99)
    %mul3A_100 = arith.constant 632 : i32
    %mul3A_101 = arith.muli %arg1, %mul3A_100 : i32
    %mul3A_102 = arith.constant 632 : i32
    %mul3A_103 = arith.muli %arg1, %mul3A_102 : i32
    "tpu.region"() ({
      %run_scoped3A = tpu.sem_alloc : memref<!tpu.dma_semaphore, #tpu.memory_space<semaphore_mem>>
      %dma_start3A_104 = arith.constant 0 : i32
      %dma_start3A_105 = tpu.memref_slice %arg5[%arg0, %mul3A_103, %dma_start3A_104] : memref<2x10112x128xf32, #tpu.memory_space<hbm>> -> memref<1x632x128xf32, #tpu.memory_space<hbm>>
      %dma_start3A_106 = tpu.memref_squeeze %dma_start3A_105 : memref<1x632x128xf32, #tpu.memory_space<hbm>> -> memref<632x128xf32, #tpu.memory_space<hbm>>
      %dma_start3A_107 = arith.constant 0 : i32
      %dma_start3A_108 = tpu.memref_slice %arg17[%mul3A_101, %dma_start3A_107] : memref<10112x128xf32, #tpu.memory_space<vmem_shared>> -> memref<632x128xf32, #tpu.memory_space<vmem_shared>>
      tpu.enqueue_dma source(%dma_start3A_108 : memref<632x128xf32, #tpu.memory_space<vmem_shared>>) target(%dma_start3A_106 : memref<632x128xf32, #tpu.memory_space<hbm>>) target_semaphore(%run_scoped3A : memref<!tpu.dma_semaphore, #tpu.memory_space<semaphore_mem>>)
      %dma_wait3A_109 = arith.constant 0 : i32
      %dma_wait3A_110 = tpu.memref_slice %arg5[%arg0, %mul3A_103, %dma_wait3A_109] : memref<2x10112x128xf32, #tpu.memory_space<hbm>> -> memref<1x632x128xf32, #tpu.memory_space<hbm>>
      %dma_wait3A_111 = tpu.memref_squeeze %dma_wait3A_110 : memref<1x632x128xf32, #tpu.memory_space<hbm>> -> memref<632x128xf32, #tpu.memory_space<hbm>>
      %dma_wait3A_112 = arith.constant 0 : i32
      %dma_wait3A_113 = tpu.memref_slice %arg17[%mul3A_101, %dma_wait3A_112] : memref<10112x128xf32, #tpu.memory_space<vmem_shared>> -> memref<632x128xf32, #tpu.memory_space<vmem_shared>>
      tpu.wait_dma2 semaphore(%run_scoped3A : memref<!tpu.dma_semaphore, #tpu.memory_space<semaphore_mem>>) src(%dma_wait3A_113 : memref<632x128xf32, #tpu.memory_space<vmem_shared>>) dst(%dma_wait3A_111 : memref<632x128xf32, #tpu.memory_space<hbm>>)
      tpu.yield
    }) : () -> ()
    return
  }
}

#map = affine_map<(d0, d1) -> (0)>
#map1 = affine_map<(d0, d1) -> (0, 0, 0)>
module attributes {stable_mosaic.version = 14 : i64} {
  func.func @_deg_kernel(%arg0: i32, %arg1: i32, %arg2: memref<320000xi32, #tpu.memory_space<hbm>>, %arg3: memref<2x10240x128xf32, #tpu.memory_space<hbm>>, %arg4: memref<80xi32, #tpu.memory_space<vmem>>, %arg5: memref<80xi32, #tpu.memory_space<vmem>>, %arg6: memref<80xi32, #tpu.memory_space<vmem>>, %arg7: memref<80xi32, #tpu.memory_space<vmem>>, %arg8: memref<80x128xf32, #tpu.memory_space<vmem>>, %arg9: memref<8x128xf32, #tpu.memory_space<vmem>>, %arg10: memref<10240x128xf32, #tpu.memory_space<vmem_shared>>, %arg11: memref<!tpu.dma_semaphore, #tpu.memory_space<semaphore_mem>>, %arg12: memref<!tpu.dma_semaphore, #tpu.memory_space<semaphore_mem>>, %arg13: memref<!tpu.dma_semaphore, #tpu.memory_space<semaphore_mem>>, %arg14: memref<!tpu.dma_semaphore, #tpu.memory_space<semaphore_mem>>, %arg15: memref<!tpu.dma_semaphore, #tpu.memory_space<semaphore_mem>>, %arg16: memref<!tpu.dma_semaphore, #tpu.memory_space<semaphore_mem>>) attributes {dimension_semantics = [#tpu.dimension_semantics<core_parallel>, #tpu.dimension_semantics<subcore_parallel>], iteration_bounds = array<i64: 2, 16>, scalar_prefetch = 0 : i64, scratch_operands = 13 : i64, tpu.core_type = #tpu.core_type<sc_vector_subcore>, window_params = [{transform_indices = #map}, {transform_indices = #map1}]} {
    %mul3A = arith.constant 16 : i32
    %mul3A_0 = arith.muli %arg0, %mul3A : i32
    %add3A = arith.addi %mul3A_0, %arg1 : i32
    %broadcast_in_dim3A = arith.constant 0.000000e+00 : f32
    %broadcast_in_dim3A_1 = vector.broadcast %broadcast_in_dim3A : f32 to vector<16xf32>
    %broadcast_in_dim3A_2 = arith.constant 1.000000e+00 : f32
    %broadcast_in_dim3A_3 = vector.broadcast %broadcast_in_dim3A_2 : f32 to vector<16xf32>
    %scan3A = arith.constant 0 : i32
    %scan3A_4 = arith.constant 0 : i32
    %scan3A_5 = arith.constant 80 : i32
    %scan3A_6 = arith.addi %scan3A_4, %scan3A_5 : i32
    %scan3A_7 = arith.constant 1 : i32
    scf.for %scan3A_116 = %scan3A_4 to %scan3A_6 step %scan3A_7  : i32 {
      %scan3A_117 = arith.constant 0 : i32
      %scan3A_118 = arith.constant 0 : i32
      %scan3A_119 = arith.constant 8 : i32
      %scan3A_120 = arith.addi %scan3A_118, %scan3A_119 : i32
      %scan3A_121 = arith.constant 1 : i32
      scf.for %scan3A_123 = %scan3A_118 to %scan3A_120 step %scan3A_121  : i32 {
        %mul3A_124 = arith.constant 16 : i32
        %mul3A_125 = arith.muli %scan3A_123, %mul3A_124 : i32
        %swap3A = arith.index_cast %scan3A_116 : i32 to index
        %swap3A_126 = arith.index_cast %mul3A_125 : i32 to index
        %swap3A_127 = tpu.vector_load %arg8[%swap3A, %swap3A_126] {strides = array<i32>} : memref<80x128xf32, #tpu.memory_space<vmem>>, vector<1x16xf32>,
        %swap3A_128 = vector.shape_cast %swap3A_127 : vector<1x16xf32> to vector<16xf32>
        %swap3A_129 = vector.shape_cast %broadcast_in_dim3A_3 : vector<16xf32> to vector<1x16xf32>
        tpu.vector_store %arg8[%swap3A, %swap3A_126], %swap3A_129 {strides = array<i32>} : memref<80x128xf32, #tpu.memory_space<vmem>>, vector<1x16xf32>,
      }
      %scan3A_122 = arith.constant 8 : i32
    }
    %scan3A_8 = arith.constant 80 : i32
    %scan3A_9 = arith.constant 0 : i32
    %scan3A_10 = arith.constant 0 : i32
    %scan3A_11 = arith.constant 8 : i32
    %scan3A_12 = arith.addi %scan3A_10, %scan3A_11 : i32
    %scan3A_13 = arith.constant 1 : i32
    scf.for %scan3A_116 = %scan3A_10 to %scan3A_12 step %scan3A_13  : i32 {
      %scan3A_117 = arith.constant 0 : i32
      %scan3A_118 = arith.constant 0 : i32
      %scan3A_119 = arith.constant 8 : i32
      %scan3A_120 = arith.addi %scan3A_118, %scan3A_119 : i32
      %scan3A_121 = arith.constant 1 : i32
      scf.for %scan3A_123 = %scan3A_118 to %scan3A_120 step %scan3A_121  : i32 {
        %mul3A_124 = arith.constant 16 : i32
        %mul3A_125 = arith.muli %scan3A_123, %mul3A_124 : i32
        %swap3A = arith.index_cast %scan3A_116 : i32 to index
        %swap3A_126 = arith.index_cast %mul3A_125 : i32 to index
        %swap3A_127 = tpu.vector_load %arg9[%swap3A, %swap3A_126] {strides = array<i32>} : memref<8x128xf32, #tpu.memory_space<vmem>>, vector<1x16xf32>,
        %swap3A_128 = vector.shape_cast %swap3A_127 : vector<1x16xf32> to vector<16xf32>
        %swap3A_129 = vector.shape_cast %broadcast_in_dim3A_1 : vector<16xf32> to vector<1x16xf32>
        tpu.vector_store %arg9[%swap3A, %swap3A_126], %swap3A_129 {strides = array<i32>} : memref<8x128xf32, #tpu.memory_space<vmem>>, vector<1x16xf32>,
      }
      %scan3A_122 = arith.constant 8 : i32
    }
    %scan3A_14 = arith.constant 8 : i32
    %scan3A_15 = arith.constant 0 : i32
    %scan3A_16 = arith.constant 0 : i32
    %scan3A_17 = arith.constant 80 : i32
    %scan3A_18 = arith.addi %scan3A_16, %scan3A_17 : i32
    %scan3A_19 = arith.constant 1 : i32
    scf.for %scan3A_116 = %scan3A_16 to %scan3A_18 step %scan3A_19  : i32 {
      %mul3A_117 = arith.constant 640 : i32
      %mul3A_118 = arith.muli %arg1, %mul3A_117 : i32
      %mul3A_119 = arith.constant 8 : i32
      %mul3A_120 = arith.muli %scan3A_116, %mul3A_119 : i32
      %add3A_121 = arith.addi %mul3A_118, %mul3A_120 : i32
      %dma_start3A_122 = arith.constant 0 : i32
      %dma_start3A_123 = tpu.memref_slice %arg10[%add3A_121, %dma_start3A_122] : memref<10240x128xf32, #tpu.memory_space<vmem_shared>> -> memref<8x128xf32, #tpu.memory_space<vmem_shared>>
      %dma_start3A_124 = arith.constant 0 : i32
      %dma_start3A_125 = tpu.memref_slice %arg10[%add3A_121, %dma_start3A_124] : memref<10240x128xf32, #tpu.memory_space<vmem_shared>> -> memref<8x128xf32, #tpu.memory_space<vmem_shared>>
      tpu.enqueue_dma source(%arg9 : memref<8x128xf32, #tpu.memory_space<vmem>>) target(%dma_start3A_125 : memref<8x128xf32, #tpu.memory_space<vmem_shared>>) target_semaphore(%arg16 : memref<!tpu.dma_semaphore, #tpu.memory_space<semaphore_mem>>)
    }
    %scan3A_20 = arith.constant 80 : i32
    %scan3A_21 = arith.constant 0 : i32
    %scan3A_22 = arith.constant 0 : i32
    %scan3A_23 = arith.constant 80 : i32
    %scan3A_24 = arith.addi %scan3A_22, %scan3A_23 : i32
    %scan3A_25 = arith.constant 1 : i32
    scf.for %scan3A_116 = %scan3A_22 to %scan3A_24 step %scan3A_25  : i32 {
      %mul3A_117 = arith.constant 640 : i32
      %mul3A_118 = arith.muli %arg1, %mul3A_117 : i32
      %dma_wait3A_119 = arith.constant 0 : i32
      %dma_wait3A_120 = tpu.memref_slice %arg10[%mul3A_118, %dma_wait3A_119] : memref<10240x128xf32, #tpu.memory_space<vmem_shared>> -> memref<8x128xf32, #tpu.memory_space<vmem_shared>>
      %dma_wait3A_121 = arith.constant 0 : i32
      %dma_wait3A_122 = tpu.memref_slice %arg10[%mul3A_118, %dma_wait3A_121] : memref<10240x128xf32, #tpu.memory_space<vmem_shared>> -> memref<8x128xf32, #tpu.memory_space<vmem_shared>>
      tpu.wait_dma2 semaphore(%arg16 : memref<!tpu.dma_semaphore, #tpu.memory_space<semaphore_mem>>) src(%arg9 : memref<8x128xf32, #tpu.memory_space<vmem>>) dst(%dma_wait3A_122 : memref<8x128xf32, #tpu.memory_space<vmem_shared>>)
    }
    %scan3A_26 = arith.constant 80 : i32
    %barrier3A = arith.constant 0 : index
    tpu.barrier barrier_id(%barrier3A)
    %mul3A_27 = arith.constant 10000 : i32
    %mul3A_28 = arith.muli %add3A, %mul3A_27 : i32
    %add3A_29 = arith.constant 0 : i32
    %add3A_30 = arith.addi %mul3A_28, %add3A_29 : i32
    %dma_start3A = tpu.memref_slice %arg2[%add3A_30] : memref<320000xi32, #tpu.memory_space<hbm>> -> memref<80xi32, #tpu.memory_space<hbm>>
    %dma_start3A_31 = tpu.memref_slice %arg2[%add3A_30] : memref<320000xi32, #tpu.memory_space<hbm>> -> memref<80xi32, #tpu.memory_space<hbm>>
    tpu.enqueue_dma source(%dma_start3A_31 : memref<80xi32, #tpu.memory_space<hbm>>) target(%arg4 : memref<80xi32, #tpu.memory_space<vmem>>) target_semaphore(%arg11 : memref<!tpu.dma_semaphore, #tpu.memory_space<semaphore_mem>>)
    %mul3A_32 = arith.constant 10000 : i32
    %mul3A_33 = arith.muli %add3A, %mul3A_32 : i32
    %add3A_34 = arith.constant 80 : i32
    %add3A_35 = arith.addi %mul3A_33, %add3A_34 : i32
    %dma_start3A_36 = tpu.memref_slice %arg2[%add3A_35] : memref<320000xi32, #tpu.memory_space<hbm>> -> memref<80xi32, #tpu.memory_space<hbm>>
    %dma_start3A_37 = tpu.memref_slice %arg2[%add3A_35] : memref<320000xi32, #tpu.memory_space<hbm>> -> memref<80xi32, #tpu.memory_space<hbm>>
    tpu.enqueue_dma source(%dma_start3A_37 : memref<80xi32, #tpu.memory_space<hbm>>) target(%arg5 : memref<80xi32, #tpu.memory_space<vmem>>) target_semaphore(%arg12 : memref<!tpu.dma_semaphore, #tpu.memory_space<semaphore_mem>>)
    %dma_wait3A = arith.constant 0 : i32
    %dma_wait3A_38 = tpu.memref_slice %arg2[%dma_wait3A] : memref<320000xi32, #tpu.memory_space<hbm>> -> memref<80xi32, #tpu.memory_space<hbm>>
    %dma_wait3A_39 = arith.constant 0 : i32
    %dma_wait3A_40 = tpu.memref_slice %arg2[%dma_wait3A_39] : memref<320000xi32, #tpu.memory_space<hbm>> -> memref<80xi32, #tpu.memory_space<hbm>>
    tpu.wait_dma2 semaphore(%arg11 : memref<!tpu.dma_semaphore, #tpu.memory_space<semaphore_mem>>) src(%dma_wait3A_40 : memref<80xi32, #tpu.memory_space<hbm>>) dst(%arg4 : memref<80xi32, #tpu.memory_space<vmem>>)
    %dma_start3A_41 = arith.constant 0 : i32
    %dma_start3A_42 = arith.constant 0 : i32
    %dma_start3A_43 = tpu.memref_slice %arg10[%dma_start3A_41, %dma_start3A_42] : memref<10240x128xf32, #tpu.memory_space<vmem_shared>> -> memref<10240x128xf32, #tpu.memory_space<vmem_shared>>
    tpu.enqueue_indirect_dma source(%arg8 : memref<80x128xf32, #tpu.memory_space<vmem>>) target(%dma_start3A_43 : memref<10240x128xf32, #tpu.memory_space<vmem_shared>>) offsets(%arg4 : memref<80xi32, #tpu.memory_space<vmem>>) semaphore(%arg15 : memref<!tpu.dma_semaphore, #tpu.memory_space<semaphore_mem>>) {add = true}
    %mul3A_44 = arith.constant 10000 : i32
    %mul3A_45 = arith.muli %add3A, %mul3A_44 : i32
    %add3A_46 = arith.constant 160 : i32
    %add3A_47 = arith.addi %mul3A_45, %add3A_46 : i32
    %dma_start3A_48 = tpu.memref_slice %arg2[%add3A_47] : memref<320000xi32, #tpu.memory_space<hbm>> -> memref<80xi32, #tpu.memory_space<hbm>>
    %dma_start3A_49 = tpu.memref_slice %arg2[%add3A_47] : memref<320000xi32, #tpu.memory_space<hbm>> -> memref<80xi32, #tpu.memory_space<hbm>>
    tpu.enqueue_dma source(%dma_start3A_49 : memref<80xi32, #tpu.memory_space<hbm>>) target(%arg6 : memref<80xi32, #tpu.memory_space<vmem>>) target_semaphore(%arg13 : memref<!tpu.dma_semaphore, #tpu.memory_space<semaphore_mem>>)
    %dma_wait3A_50 = arith.constant 0 : i32
    %dma_wait3A_51 = tpu.memref_slice %arg2[%dma_wait3A_50] : memref<320000xi32, #tpu.memory_space<hbm>> -> memref<80xi32, #tpu.memory_space<hbm>>
    %dma_wait3A_52 = arith.constant 0 : i32
    %dma_wait3A_53 = tpu.memref_slice %arg2[%dma_wait3A_52] : memref<320000xi32, #tpu.memory_space<hbm>> -> memref<80xi32, #tpu.memory_space<hbm>>
    tpu.wait_dma2 semaphore(%arg12 : memref<!tpu.dma_semaphore, #tpu.memory_space<semaphore_mem>>) src(%dma_wait3A_53 : memref<80xi32, #tpu.memory_space<hbm>>) dst(%arg5 : memref<80xi32, #tpu.memory_space<vmem>>)
    %dma_start3A_54 = arith.constant 0 : i32
    %dma_start3A_55 = arith.constant 0 : i32
    %dma_start3A_56 = tpu.memref_slice %arg10[%dma_start3A_54, %dma_start3A_55] : memref<10240x128xf32, #tpu.memory_space<vmem_shared>> -> memref<10240x128xf32, #tpu.memory_space<vmem_shared>>
    tpu.enqueue_indirect_dma source(%arg8 : memref<80x128xf32, #tpu.memory_space<vmem>>) target(%dma_start3A_56 : memref<10240x128xf32, #tpu.memory_space<vmem_shared>>) offsets(%arg5 : memref<80xi32, #tpu.memory_space<vmem>>) semaphore(%arg15 : memref<!tpu.dma_semaphore, #tpu.memory_space<semaphore_mem>>) {add = true}
    %mul3A_57 = arith.constant 10000 : i32
    %mul3A_58 = arith.muli %add3A, %mul3A_57 : i32
    %add3A_59 = arith.constant 240 : i32
    %add3A_60 = arith.addi %mul3A_58, %add3A_59 : i32
    %dma_start3A_61 = tpu.memref_slice %arg2[%add3A_60] : memref<320000xi32, #tpu.memory_space<hbm>> -> memref<80xi32, #tpu.memory_space<hbm>>
    %dma_start3A_62 = tpu.memref_slice %arg2[%add3A_60] : memref<320000xi32, #tpu.memory_space<hbm>> -> memref<80xi32, #tpu.memory_space<hbm>>
    tpu.enqueue_dma source(%dma_start3A_62 : memref<80xi32, #tpu.memory_space<hbm>>) target(%arg7 : memref<80xi32, #tpu.memory_space<vmem>>) target_semaphore(%arg14 : memref<!tpu.dma_semaphore, #tpu.memory_space<semaphore_mem>>)
    %scan3A_63 = arith.constant 0 : i32
    %scan3A_64 = arith.constant 0 : i32
    %scan3A_65 = arith.constant 30 : i32
    %scan3A_66 = arith.addi %scan3A_64, %scan3A_65 : i32
    %scan3A_67 = arith.constant 1 : i32
    scf.for %scan3A_116 = %scan3A_64 to %scan3A_66 step %scan3A_67  : i32 {
      %mul3A_117 = arith.constant 4 : i32
      %mul3A_118 = arith.muli %mul3A_117, %scan3A_116 : i32
      %add3A_119 = arith.constant 2 : i32
      %add3A_120 = arith.addi %mul3A_118, %add3A_119 : i32
      %add3A_121 = arith.constant 0 : i32
      %add3A_122 = arith.addi %add3A_120, %add3A_121 : i32
      %dma_wait3A_123 = arith.constant 0 : i32
      %dma_wait3A_124 = tpu.memref_slice %arg2[%dma_wait3A_123] : memref<320000xi32, #tpu.memory_space<hbm>> -> memref<80xi32, #tpu.memory_space<hbm>>
      %dma_wait3A_125 = arith.constant 0 : i32
      %dma_wait3A_126 = tpu.memref_slice %arg2[%dma_wait3A_125] : memref<320000xi32, #tpu.memory_space<hbm>> -> memref<80xi32, #tpu.memory_space<hbm>>
      tpu.wait_dma2 semaphore(%arg13 : memref<!tpu.dma_semaphore, #tpu.memory_space<semaphore_mem>>) src(%dma_wait3A_126 : memref<80xi32, #tpu.memory_space<hbm>>) dst(%arg6 : memref<80xi32, #tpu.memory_space<vmem>>)
      %dma_start3A_127 = arith.constant 0 : i32
      %dma_start3A_128 = arith.constant 0 : i32
      %dma_start3A_129 = tpu.memref_slice %arg10[%dma_start3A_127, %dma_start3A_128] : memref<10240x128xf32, #tpu.memory_space<vmem_shared>> -> memref<10240x128xf32, #tpu.memory_space<vmem_shared>>
      tpu.enqueue_indirect_dma source(%arg8 : memref<80x128xf32, #tpu.memory_space<vmem>>) target(%dma_start3A_129 : memref<10240x128xf32, #tpu.memory_space<vmem_shared>>) offsets(%arg6 : memref<80xi32, #tpu.memory_space<vmem>>) semaphore(%arg15 : memref<!tpu.dma_semaphore, #tpu.memory_space<semaphore_mem>>) {add = true}
      %dma_wait3A_130 = arith.constant 0 : i32
      %dma_wait3A_131 = arith.constant 0 : i32
      %dma_wait3A_132 = tpu.memref_slice %arg10[%dma_wait3A_130, %dma_wait3A_131] : memref<10240x128xf32, #tpu.memory_space<vmem_shared>> -> memref<10240x128xf32, #tpu.memory_space<vmem_shared>>
      tpu.wait_indirect_dma semaphore(%arg15 : memref<!tpu.dma_semaphore, #tpu.memory_space<semaphore_mem>>) src(%arg8 : memref<80x128xf32, #tpu.memory_space<vmem>>) dst(%dma_wait3A_132 : memref<10240x128xf32, #tpu.memory_space<vmem_shared>>)
      %add3A_133 = arith.constant 2 : i32
      %add3A_134 = arith.addi %add3A_122, %add3A_133 : i32
      %mul3A_135 = arith.constant 10000 : i32
      %mul3A_136 = arith.muli %add3A, %mul3A_135 : i32
      %mul3A_137 = arith.constant 80 : i32
      %mul3A_138 = arith.muli %add3A_134, %mul3A_137 : i32
      %add3A_139 = arith.addi %mul3A_136, %mul3A_138 : i32
      %dma_start3A_140 = tpu.memref_slice %arg2[%add3A_139] : memref<320000xi32, #tpu.memory_space<hbm>> -> memref<80xi32, #tpu.memory_space<hbm>>
      %dma_start3A_141 = tpu.memref_slice %arg2[%add3A_139] : memref<320000xi32, #tpu.memory_space<hbm>> -> memref<80xi32, #tpu.memory_space<hbm>>
      tpu.enqueue_dma source(%dma_start3A_141 : memref<80xi32, #tpu.memory_space<hbm>>) target(%arg4 : memref<80xi32, #tpu.memory_space<vmem>>) target_semaphore(%arg11 : memref<!tpu.dma_semaphore, #tpu.memory_space<semaphore_mem>>)
      %mul3A_142 = arith.constant 4 : i32
      %mul3A_143 = arith.muli %mul3A_142, %scan3A_116 : i32
      %add3A_144 = arith.constant 2 : i32
      %add3A_145 = arith.addi %mul3A_143, %add3A_144 : i32
      %add3A_146 = arith.constant 1 : i32
      %add3A_147 = arith.addi %add3A_145, %add3A_146 : i32
      %dma_wait3A_148 = arith.constant 0 : i32
      %dma_wait3A_149 = tpu.memref_slice %arg2[%dma_wait3A_148] : memref<320000xi32, #tpu.memory_space<hbm>> -> memref<80xi32, #tpu.memory_space<hbm>>
      %dma_wait3A_150 = arith.constant 0 : i32
      %dma_wait3A_151 = tpu.memref_slice %arg2[%dma_wait3A_150] : memref<320000xi32, #tpu.memory_space<hbm>> -> memref<80xi32, #tpu.memory_space<hbm>>
      tpu.wait_dma2 semaphore(%arg14 : memref<!tpu.dma_semaphore, #tpu.memory_space<semaphore_mem>>) src(%dma_wait3A_151 : memref<80xi32, #tpu.memory_space<hbm>>) dst(%arg7 : memref<80xi32, #tpu.memory_space<vmem>>)
      %dma_start3A_152 = arith.constant 0 : i32
      %dma_start3A_153 = arith.constant 0 : i32
      %dma_start3A_154 = tpu.memref_slice %arg10[%dma_start3A_152, %dma_start3A_153] : memref<10240x128xf32, #tpu.memory_space<vmem_shared>> -> memref<10240x128xf32, #tpu.memory_space<vmem_shared>>
      tpu.enqueue_indirect_dma source(%arg8 : memref<80x128xf32, #tpu.memory_space<vmem>>) target(%dma_start3A_154 : memref<10240x128xf32, #tpu.memory_space<vmem_shared>>) offsets(%arg7 : memref<80xi32, #tpu.memory_space<vmem>>) semaphore(%arg15 : memref<!tpu.dma_semaphore, #tpu.memory_space<semaphore_mem>>) {add = true}
      %dma_wait3A_155 = arith.constant 0 : i32
      %dma_wait3A_156 = arith.constant 0 : i32
      %dma_wait3A_157 = tpu.memref_slice %arg10[%dma_wait3A_155, %dma_wait3A_156] : memref<10240x128xf32, #tpu.memory_space<vmem_shared>> -> memref<10240x128xf32, #tpu.memory_space<vmem_shared>>
      tpu.wait_indirect_dma semaphore(%arg15 : memref<!tpu.dma_semaphore, #tpu.memory_space<semaphore_mem>>) src(%arg8 : memref<80x128xf32, #tpu.memory_space<vmem>>) dst(%dma_wait3A_157 : memref<10240x128xf32, #tpu.memory_space<vmem_shared>>)
      %add3A_158 = arith.constant 2 : i32
      %add3A_159 = arith.addi %add3A_147, %add3A_158 : i32
      %mul3A_160 = arith.constant 10000 : i32
      %mul3A_161 = arith.muli %add3A, %mul3A_160 : i32
      %mul3A_162 = arith.constant 80 : i32
      %mul3A_163 = arith.muli %add3A_159, %mul3A_162 : i32
      %add3A_164 = arith.addi %mul3A_161, %mul3A_163 : i32
      %dma_start3A_165 = tpu.memref_slice %arg2[%add3A_164] : memref<320000xi32, #tpu.memory_space<hbm>> -> memref<80xi32, #tpu.memory_space<hbm>>
      %dma_start3A_166 = tpu.memref_slice %arg2[%add3A_164] : memref<320000xi32, #tpu.memory_space<hbm>> -> memref<80xi32, #tpu.memory_space<hbm>>
      tpu.enqueue_dma source(%dma_start3A_166 : memref<80xi32, #tpu.memory_space<hbm>>) target(%arg5 : memref<80xi32, #tpu.memory_space<vmem>>) target_semaphore(%arg12 : memref<!tpu.dma_semaphore, #tpu.memory_space<semaphore_mem>>)
      %mul3A_167 = arith.constant 4 : i32
      %mul3A_168 = arith.muli %mul3A_167, %scan3A_116 : i32
      %add3A_169 = arith.constant 2 : i32
      %add3A_170 = arith.addi %mul3A_168, %add3A_169 : i32
      %add3A_171 = arith.constant 2 : i32
      %add3A_172 = arith.addi %add3A_170, %add3A_171 : i32
      %dma_wait3A_173 = arith.constant 0 : i32
      %dma_wait3A_174 = tpu.memref_slice %arg2[%dma_wait3A_173] : memref<320000xi32, #tpu.memory_space<hbm>> -> memref<80xi32, #tpu.memory_space<hbm>>
      %dma_wait3A_175 = arith.constant 0 : i32
      %dma_wait3A_176 = tpu.memref_slice %arg2[%dma_wait3A_175] : memref<320000xi32, #tpu.memory_space<hbm>> -> memref<80xi32, #tpu.memory_space<hbm>>
      tpu.wait_dma2 semaphore(%arg11 : memref<!tpu.dma_semaphore, #tpu.memory_space<semaphore_mem>>) src(%dma_wait3A_176 : memref<80xi32, #tpu.memory_space<hbm>>) dst(%arg4 : memref<80xi32, #tpu.memory_space<vmem>>)
      %dma_start3A_177 = arith.constant 0 : i32
      %dma_start3A_178 = arith.constant 0 : i32
      %dma_start3A_179 = tpu.memref_slice %arg10[%dma_start3A_177, %dma_start3A_178] : memref<10240x128xf32, #tpu.memory_space<vmem_shared>> -> memref<10240x128xf32, #tpu.memory_space<vmem_shared>>
      tpu.enqueue_indirect_dma source(%arg8 : memref<80x128xf32, #tpu.memory_space<vmem>>) target(%dma_start3A_179 : memref<10240x128xf32, #tpu.memory_space<vmem_shared>>) offsets(%arg4 : memref<80xi32, #tpu.memory_space<vmem>>) semaphore(%arg15 : memref<!tpu.dma_semaphore, #tpu.memory_space<semaphore_mem>>) {add = true}
      %dma_wait3A_180 = arith.constant 0 : i32
      %dma_wait3A_181 = arith.constant 0 : i32
      %dma_wait3A_182 = tpu.memref_slice %arg10[%dma_wait3A_180, %dma_wait3A_181] : memref<10240x128xf32, #tpu.memory_space<vmem_shared>> -> memref<10240x128xf32, #tpu.memory_space<vmem_shared>>
      tpu.wait_indirect_dma semaphore(%arg15 : memref<!tpu.dma_semaphore, #tpu.memory_space<semaphore_mem>>) src(%arg8 : memref<80x128xf32, #tpu.memory_space<vmem>>) dst(%dma_wait3A_182 : memref<10240x128xf32, #tpu.memory_space<vmem_shared>>)
      %add3A_183 = arith.constant 2 : i32
      %add3A_184 = arith.addi %add3A_172, %add3A_183 : i32
      %mul3A_185 = arith.constant 10000 : i32
      %mul3A_186 = arith.muli %add3A, %mul3A_185 : i32
      %mul3A_187 = arith.constant 80 : i32
      %mul3A_188 = arith.muli %add3A_184, %mul3A_187 : i32
      %add3A_189 = arith.addi %mul3A_186, %mul3A_188 : i32
      %dma_start3A_190 = tpu.memref_slice %arg2[%add3A_189] : memref<320000xi32, #tpu.memory_space<hbm>> -> memref<80xi32, #tpu.memory_space<hbm>>
      %dma_start3A_191 = tpu.memref_slice %arg2[%add3A_189] : memref<320000xi32, #tpu.memory_space<hbm>> -> memref<80xi32, #tpu.memory_space<hbm>>
      tpu.enqueue_dma source(%dma_start3A_191 : memref<80xi32, #tpu.memory_space<hbm>>) target(%arg6 : memref<80xi32, #tpu.memory_space<vmem>>) target_semaphore(%arg13 : memref<!tpu.dma_semaphore, #tpu.memory_space<semaphore_mem>>)
      %mul3A_192 = arith.constant 4 : i32
      %mul3A_193 = arith.muli %mul3A_192, %scan3A_116 : i32
      %add3A_194 = arith.constant 2 : i32
      %add3A_195 = arith.addi %mul3A_193, %add3A_194 : i32
      %add3A_196 = arith.constant 3 : i32
      %add3A_197 = arith.addi %add3A_195, %add3A_196 : i32
      %dma_wait3A_198 = arith.constant 0 : i32
      %dma_wait3A_199 = tpu.memref_slice %arg2[%dma_wait3A_198] : memref<320000xi32, #tpu.memory_space<hbm>> -> memref<80xi32, #tpu.memory_space<hbm>>
      %dma_wait3A_200 = arith.constant 0 : i32
      %dma_wait3A_201 = tpu.memref_slice %arg2[%dma_wait3A_200] : memref<320000xi32, #tpu.memory_space<hbm>> -> memref<80xi32, #tpu.memory_space<hbm>>
      tpu.wait_dma2 semaphore(%arg12 : memref<!tpu.dma_semaphore, #tpu.memory_space<semaphore_mem>>) src(%dma_wait3A_201 : memref<80xi32, #tpu.memory_space<hbm>>) dst(%arg5 : memref<80xi32, #tpu.memory_space<vmem>>)
      %dma_start3A_202 = arith.constant 0 : i32
      %dma_start3A_203 = arith.constant 0 : i32
      %dma_start3A_204 = tpu.memref_slice %arg10[%dma_start3A_202, %dma_start3A_203] : memref<10240x128xf32, #tpu.memory_space<vmem_shared>> -> memref<10240x128xf32, #tpu.memory_space<vmem_shared>>
      tpu.enqueue_indirect_dma source(%arg8 : memref<80x128xf32, #tpu.memory_space<vmem>>) target(%dma_start3A_204 : memref<10240x128xf32, #tpu.memory_space<vmem_shared>>) offsets(%arg5 : memref<80xi32, #tpu.memory_space<vmem>>) semaphore(%arg15 : memref<!tpu.dma_semaphore, #tpu.memory_space<semaphore_mem>>) {add = true}
      %dma_wait3A_205 = arith.constant 0 : i32
      %dma_wait3A_206 = arith.constant 0 : i32
      %dma_wait3A_207 = tpu.memref_slice %arg10[%dma_wait3A_205, %dma_wait3A_206] : memref<10240x128xf32, #tpu.memory_space<vmem_shared>> -> memref<10240x128xf32, #tpu.memory_space<vmem_shared>>
      tpu.wait_indirect_dma semaphore(%arg15 : memref<!tpu.dma_semaphore, #tpu.memory_space<semaphore_mem>>) src(%arg8 : memref<80x128xf32, #tpu.memory_space<vmem>>) dst(%dma_wait3A_207 : memref<10240x128xf32, #tpu.memory_space<vmem_shared>>)
      %add3A_208 = arith.constant 2 : i32
      %add3A_209 = arith.addi %add3A_197, %add3A_208 : i32
      %mul3A_210 = arith.constant 10000 : i32
      %mul3A_211 = arith.muli %add3A, %mul3A_210 : i32
      %mul3A_212 = arith.constant 80 : i32
      %mul3A_213 = arith.muli %add3A_209, %mul3A_212 : i32
      %add3A_214 = arith.addi %mul3A_211, %mul3A_213 : i32
      %dma_start3A_215 = tpu.memref_slice %arg2[%add3A_214] : memref<320000xi32, #tpu.memory_space<hbm>> -> memref<80xi32, #tpu.memory_space<hbm>>
      %dma_start3A_216 = tpu.memref_slice %arg2[%add3A_214] : memref<320000xi32, #tpu.memory_space<hbm>> -> memref<80xi32, #tpu.memory_space<hbm>>
      tpu.enqueue_dma source(%dma_start3A_216 : memref<80xi32, #tpu.memory_space<hbm>>) target(%arg7 : memref<80xi32, #tpu.memory_space<vmem>>) target_semaphore(%arg14 : memref<!tpu.dma_semaphore, #tpu.memory_space<semaphore_mem>>)
    }
    %scan3A_68 = arith.constant 30 : i32
    %dma_wait3A_69 = arith.constant 0 : i32
    %dma_wait3A_70 = tpu.memref_slice %arg2[%dma_wait3A_69] : memref<320000xi32, #tpu.memory_space<hbm>> -> memref<80xi32, #tpu.memory_space<hbm>>
    %dma_wait3A_71 = arith.constant 0 : i32
    %dma_wait3A_72 = tpu.memref_slice %arg2[%dma_wait3A_71] : memref<320000xi32, #tpu.memory_space<hbm>> -> memref<80xi32, #tpu.memory_space<hbm>>
    tpu.wait_dma2 semaphore(%arg13 : memref<!tpu.dma_semaphore, #tpu.memory_space<semaphore_mem>>) src(%dma_wait3A_72 : memref<80xi32, #tpu.memory_space<hbm>>) dst(%arg6 : memref<80xi32, #tpu.memory_space<vmem>>)
    %dma_start3A_73 = arith.constant 0 : i32
    %dma_start3A_74 = arith.constant 0 : i32
    %dma_start3A_75 = tpu.memref_slice %arg10[%dma_start3A_73, %dma_start3A_74] : memref<10240x128xf32, #tpu.memory_space<vmem_shared>> -> memref<10240x128xf32, #tpu.memory_space<vmem_shared>>
    tpu.enqueue_indirect_dma source(%arg8 : memref<80x128xf32, #tpu.memory_space<vmem>>) target(%dma_start3A_75 : memref<10240x128xf32, #tpu.memory_space<vmem_shared>>) offsets(%arg6 : memref<80xi32, #tpu.memory_space<vmem>>) semaphore(%arg15 : memref<!tpu.dma_semaphore, #tpu.memory_space<semaphore_mem>>) {add = true}
    %dma_wait3A_76 = arith.constant 0 : i32
    %dma_wait3A_77 = arith.constant 0 : i32
    %dma_wait3A_78 = tpu.memref_slice %arg10[%dma_wait3A_76, %dma_wait3A_77] : memref<10240x128xf32, #tpu.memory_space<vmem_shared>> -> memref<10240x128xf32, #tpu.memory_space<vmem_shared>>
    tpu.wait_indirect_dma semaphore(%arg15 : memref<!tpu.dma_semaphore, #tpu.memory_space<semaphore_mem>>) src(%arg8 : memref<80x128xf32, #tpu.memory_space<vmem>>) dst(%dma_wait3A_78 : memref<10240x128xf32, #tpu.memory_space<vmem_shared>>)
    %mul3A_79 = arith.constant 10000 : i32
    %mul3A_80 = arith.muli %add3A, %mul3A_79 : i32
    %add3A_81 = arith.constant 9920 : i32
    %add3A_82 = arith.addi %mul3A_80, %add3A_81 : i32
    %dma_start3A_83 = tpu.memref_slice %arg2[%add3A_82] : memref<320000xi32, #tpu.memory_space<hbm>> -> memref<80xi32, #tpu.memory_space<hbm>>
    %dma_start3A_84 = tpu.memref_slice %arg2[%add3A_82] : memref<320000xi32, #tpu.memory_space<hbm>> -> memref<80xi32, #tpu.memory_space<hbm>>
    tpu.enqueue_dma source(%dma_start3A_84 : memref<80xi32, #tpu.memory_space<hbm>>) target(%arg4 : memref<80xi32, #tpu.memory_space<vmem>>) target_semaphore(%arg11 : memref<!tpu.dma_semaphore, #tpu.memory_space<semaphore_mem>>)
    %dma_wait3A_85 = arith.constant 0 : i32
    %dma_wait3A_86 = tpu.memref_slice %arg2[%dma_wait3A_85] : memref<320000xi32, #tpu.memory_space<hbm>> -> memref<80xi32, #tpu.memory_space<hbm>>
    %dma_wait3A_87 = arith.constant 0 : i32
    %dma_wait3A_88 = tpu.memref_slice %arg2[%dma_wait3A_87] : memref<320000xi32, #tpu.memory_space<hbm>> -> memref<80xi32, #tpu.memory_space<hbm>>
    tpu.wait_dma2 semaphore(%arg14 : memref<!tpu.dma_semaphore, #tpu.memory_space<semaphore_mem>>) src(%dma_wait3A_88 : memref<80xi32, #tpu.memory_space<hbm>>) dst(%arg7 : memref<80xi32, #tpu.memory_space<vmem>>)
    %dma_start3A_89 = arith.constant 0 : i32
    %dma_start3A_90 = arith.constant 0 : i32
    %dma_start3A_91 = tpu.memref_slice %arg10[%dma_start3A_89, %dma_start3A_90] : memref<10240x128xf32, #tpu.memory_space<vmem_shared>> -> memref<10240x128xf32, #tpu.memory_space<vmem_shared>>
    tpu.enqueue_indirect_dma source(%arg8 : memref<80x128xf32, #tpu.memory_space<vmem>>) target(%dma_start3A_91 : memref<10240x128xf32, #tpu.memory_space<vmem_shared>>) offsets(%arg7 : memref<80xi32, #tpu.memory_space<vmem>>) semaphore(%arg15 : memref<!tpu.dma_semaphore, #tpu.memory_space<semaphore_mem>>) {add = true}
    %dma_wait3A_92 = arith.constant 0 : i32
    %dma_wait3A_93 = arith.constant 0 : i32
    %dma_wait3A_94 = tpu.memref_slice %arg10[%dma_wait3A_92, %dma_wait3A_93] : memref<10240x128xf32, #tpu.memory_space<vmem_shared>> -> memref<10240x128xf32, #tpu.memory_space<vmem_shared>>
    tpu.wait_indirect_dma semaphore(%arg15 : memref<!tpu.dma_semaphore, #tpu.memory_space<semaphore_mem>>) src(%arg8 : memref<80x128xf32, #tpu.memory_space<vmem>>) dst(%dma_wait3A_94 : memref<10240x128xf32, #tpu.memory_space<vmem_shared>>)
    %dma_wait3A_95 = arith.constant 0 : i32
    %dma_wait3A_96 = tpu.memref_slice %arg2[%dma_wait3A_95] : memref<320000xi32, #tpu.memory_space<hbm>> -> memref<80xi32, #tpu.memory_space<hbm>>
    %dma_wait3A_97 = arith.constant 0 : i32
    %dma_wait3A_98 = tpu.memref_slice %arg2[%dma_wait3A_97] : memref<320000xi32, #tpu.memory_space<hbm>> -> memref<80xi32, #tpu.memory_space<hbm>>
    tpu.wait_dma2 semaphore(%arg11 : memref<!tpu.dma_semaphore, #tpu.memory_space<semaphore_mem>>) src(%dma_wait3A_98 : memref<80xi32, #tpu.memory_space<hbm>>) dst(%arg4 : memref<80xi32, #tpu.memory_space<vmem>>)
    %dma_start3A_99 = arith.constant 0 : i32
    %dma_start3A_100 = arith.constant 0 : i32
    %dma_start3A_101 = tpu.memref_slice %arg10[%dma_start3A_99, %dma_start3A_100] : memref<10240x128xf32, #tpu.memory_space<vmem_shared>> -> memref<10240x128xf32, #tpu.memory_space<vmem_shared>>
    tpu.enqueue_indirect_dma source(%arg8 : memref<80x128xf32, #tpu.memory_space<vmem>>) target(%dma_start3A_101 : memref<10240x128xf32, #tpu.memory_space<vmem_shared>>) offsets(%arg4 : memref<80xi32, #tpu.memory_space<vmem>>) semaphore(%arg15 : memref<!tpu.dma_semaphore, #tpu.memory_space<semaphore_mem>>) {add = true}
    %dma_wait3A_102 = arith.constant 0 : i32
    %dma_wait3A_103 = arith.constant 0 : i32
    %dma_wait3A_104 = tpu.memref_slice %arg10[%dma_wait3A_102, %dma_wait3A_103] : memref<10240x128xf32, #tpu.memory_space<vmem_shared>> -> memref<10240x128xf32, #tpu.memory_space<vmem_shared>>
    tpu.wait_indirect_dma semaphore(%arg15 : memref<!tpu.dma_semaphore, #tpu.memory_space<semaphore_mem>>) src(%arg8 : memref<80x128xf32, #tpu.memory_space<vmem>>) dst(%dma_wait3A_104 : memref<10240x128xf32, #tpu.memory_space<vmem_shared>>)
    %dma_wait3A_105 = arith.constant 0 : i32
    %dma_wait3A_106 = arith.constant 0 : i32
    %dma_wait3A_107 = tpu.memref_slice %arg10[%dma_wait3A_105, %dma_wait3A_106] : memref<10240x128xf32, #tpu.memory_space<vmem_shared>> -> memref<10240x128xf32, #tpu.memory_space<vmem_shared>>
    tpu.wait_indirect_dma semaphore(%arg15 : memref<!tpu.dma_semaphore, #tpu.memory_space<semaphore_mem>>) src(%arg8 : memref<80x128xf32, #tpu.memory_space<vmem>>) dst(%dma_wait3A_107 : memref<10240x128xf32, #tpu.memory_space<vmem_shared>>)
    %dma_wait3A_108 = arith.constant 0 : i32
    %dma_wait3A_109 = arith.constant 0 : i32
    %dma_wait3A_110 = tpu.memref_slice %arg10[%dma_wait3A_108, %dma_wait3A_109] : memref<10240x128xf32, #tpu.memory_space<vmem_shared>> -> memref<10240x128xf32, #tpu.memory_space<vmem_shared>>
    tpu.wait_indirect_dma semaphore(%arg15 : memref<!tpu.dma_semaphore, #tpu.memory_space<semaphore_mem>>) src(%arg8 : memref<80x128xf32, #tpu.memory_space<vmem>>) dst(%dma_wait3A_110 : memref<10240x128xf32, #tpu.memory_space<vmem_shared>>)
    %barrier3A_111 = arith.constant 0 : index
    tpu.barrier barrier_id(%barrier3A_111)
    %mul3A_112 = arith.constant 640 : i32
    %mul3A_113 = arith.muli %arg1, %mul3A_112 : i32
    %mul3A_114 = arith.constant 640 : i32
    %mul3A_115 = arith.muli %arg1, %mul3A_114 : i32
    "tpu.region"() ({
      %run_scoped3A = tpu.sem_alloc : memref<!tpu.dma_semaphore, #tpu.memory_space<semaphore_mem>>
      %dma_start3A_116 = arith.constant 0 : i32
      %dma_start3A_117 = tpu.memref_slice %arg3[%arg0, %mul3A_115, %dma_start3A_116] : memref<2x10240x128xf32, #tpu.memory_space<hbm>> -> memref<1x640x128xf32, #tpu.memory_space<hbm>>
      %dma_start3A_118 = tpu.memref_squeeze %dma_start3A_117 : memref<1x640x128xf32, #tpu.memory_space<hbm>> -> memref<640x128xf32, #tpu.memory_space<hbm>>
      %dma_start3A_119 = arith.constant 0 : i32
      %dma_start3A_120 = tpu.memref_slice %arg10[%mul3A_113, %dma_start3A_119] : memref<10240x128xf32, #tpu.memory_space<vmem_shared>> -> memref<640x128xf32, #tpu.memory_space<vmem_shared>>
      tpu.enqueue_dma source(%dma_start3A_120 : memref<640x128xf32, #tpu.memory_space<vmem_shared>>) target(%dma_start3A_118 : memref<640x128xf32, #tpu.memory_space<hbm>>) target_semaphore(%run_scoped3A : memref<!tpu.dma_semaphore, #tpu.memory_space<semaphore_mem>>)
      %dma_wait3A_121 = arith.constant 0 : i32
      %dma_wait3A_122 = tpu.memref_slice %arg3[%arg0, %mul3A_115, %dma_wait3A_121] : memref<2x10240x128xf32, #tpu.memory_space<hbm>> -> memref<1x640x128xf32, #tpu.memory_space<hbm>>
      %dma_wait3A_123 = tpu.memref_squeeze %dma_wait3A_122 : memref<1x640x128xf32, #tpu.memory_space<hbm>> -> memref<640x128xf32, #tpu.memory_space<hbm>>
      %dma_wait3A_124 = arith.constant 0 : i32
      %dma_wait3A_125 = tpu.memref_slice %arg10[%mul3A_113, %dma_wait3A_124] : memref<10240x128xf32, #tpu.memory_space<vmem_shared>> -> memref<640x128xf32, #tpu.memory_space<vmem_shared>>
      tpu.wait_dma2 semaphore(%run_scoped3A : memref<!tpu.dma_semaphore, #tpu.memory_space<semaphore_mem>>) src(%dma_wait3A_125 : memref<640x128xf32, #tpu.memory_space<vmem_shared>>) dst(%dma_wait3A_123 : memref<640x128xf32, #tpu.memory_space<hbm>>)
      tpu.yield
    }) : () -> ()
    return
  }
}

module attributes {stable_mosaic.version = 14 : i64} {
  func.func @_mm_body(%arg0: i32, %arg1: memref<1000x128xf32, #tpu.memory_space<vmem>>, %arg2: memref<128x128xf32, #tpu.memory_space<vmem>>, %arg3: memref<1000x128xf32, #tpu.memory_space<vmem>>) attributes {dimension_semantics = [#tpu.dimension_semantics<arbitrary>], iteration_bounds = array<i64: 10>, scalar_prefetch = 0 : i64, scratch_operands = 0 : i64, tpu.core_type = #tpu.core_type<tc>, window_params = [{transform_indices = @transform_0, window_bounds = array<i64: 1000, 128>}, {pipeline_mode = #tpu.pipeline_mode<synchronous>, transform_indices = @transform_1, window_bounds = array<i64: 128, 128>}, {transform_indices = @transform_2, window_bounds = array<i64: 1000, 128>}]} {
    %get3A = arith.constant 0 : index
    %get3A_0 = arith.constant 0 : index
    %get3A_1 = vector.load %arg1[%get3A, %get3A_0] : memref<1000x128xf32, #tpu.memory_space<vmem>>, vector<1000x128xf32>
    %get3A_2 = arith.constant 0 : index
    %get3A_3 = arith.constant 0 : index
    %get3A_4 = vector.load %arg2[%get3A_2, %get3A_3] : memref<128x128xf32, #tpu.memory_space<vmem>>, vector<128x128xf32>
    %dot_general3A = arith.constant dense<0.000000e+00> : vector<1000x128xf32>
    %dot_general3A_5 = tpu.matmul %get3A_1, %get3A_4, %dot_general3A {dimension_numbers = #tpu.dot_dimension_numbers<[1], [0], [0], [1], [0, 0, 1, 1], [], []>, transpose_lhs_hint = false} : vector<1000x128xf32>, vector<128x128xf32>, vector<1000x128xf32> -> vector<1000x128xf32>
    %swap3A = arith.constant 0 : index
    %swap3A_6 = arith.constant 0 : index
    %swap3A_7 = vector.load %arg3[%swap3A, %swap3A_6] : memref<1000x128xf32, #tpu.memory_space<vmem>>, vector<1000x128xf32>
    tpu.vector_store %arg3[%swap3A, %swap3A_6], %dot_general3A_5 {strides = array<i32>} : memref<1000x128xf32, #tpu.memory_space<vmem>>, vector<1000x128xf32>,
    return
  }
  func.func @transform_0(%arg0: i32) -> (i32, i32) {
    %c0_i32 = arith.constant 0 : i32
    %c0_i32_0 = arith.constant 0 : i32
    return %arg0, %c0_i32 : i32, i32
  }
  func.func @transform_1(%arg0: i32) -> (i32, i32) {
    %c0_i32 = arith.constant 0 : i32
    %c0_i32_0 = arith.constant 0 : i32
    %c0_i32_1 = arith.constant 0 : i32
    return %c0_i32, %c0_i32_0 : i32, i32
  }
  func.func @transform_2(%arg0: i32) -> (i32, i32) {
    %c0_i32 = arith.constant 0 : i32
    %c0_i32_0 = arith.constant 0 : i32
    return %arg0, %c0_i32 : i32, i32
  }
}

module attributes {stable_mosaic.version = 14 : i64} {
  func.func @_scale_body(%arg0: i32, %arg1: memref<1000x128xf32, #tpu.memory_space<vmem>>, %arg2: memref<2x1000x1xf32, #tpu.memory_space<vmem>>, %arg3: memref<1000x128xf32, #tpu.memory_space<vmem>>) attributes {dimension_semantics = [#tpu.dimension_semantics<arbitrary>], iteration_bounds = array<i64: 10>, scalar_prefetch = 0 : i64, scratch_operands = 0 : i64, tpu.core_type = #tpu.core_type<tc>, window_params = [{transform_indices = @transform_0, window_bounds = array<i64: 1000, 128>}, {transform_indices = @transform_1, window_bounds = array<i64: 2, 1000, 1>}, {transform_indices = @transform_2, window_bounds = array<i64: 1000, 128>}]} {
    %get3A = arith.constant 0 : index
    %get3A_0 = arith.constant 0 : index
    %get3A_1 = arith.constant 0 : index
    %get3A_2 = vector.load %arg2[%get3A, %get3A_0, %get3A_1] : memref<2x1000x1xf32, #tpu.memory_space<vmem>>, vector<1x1000x1xf32>
    %get3A_3 = vector.shape_cast %get3A_2 : vector<1x1000x1xf32> to vector<1000x1xf32>
    %get3A_4 = arith.constant 1 : index
    %get3A_5 = arith.constant 0 : index
    %get3A_6 = arith.constant 0 : index
    %get3A_7 = vector.load %arg2[%get3A_4, %get3A_5, %get3A_6] : memref<2x1000x1xf32, #tpu.memory_space<vmem>>, vector<1x1000x1xf32>
    %get3A_8 = vector.shape_cast %get3A_7 : vector<1x1000x1xf32> to vector<1000x1xf32>
    %add3A = arith.addf %get3A_3, %get3A_8 : vector<1000x1xf32>
    %max3A = arith.constant 1.000000e+00 : f32
    %max3A_9 = vector.broadcast %max3A : f32 to vector<1000x1xf32>
    %max3A_10 = arith.maximumf %add3A, %max3A_9 : vector<1000x1xf32>
    %rsqrt3A = math.rsqrt %max3A_10 : vector<1000x1xf32>
    %get3A_11 = arith.constant 0 : index
    %get3A_12 = arith.constant 0 : index
    %get3A_13 = vector.load %arg1[%get3A_11, %get3A_12] : memref<1000x128xf32, #tpu.memory_space<vmem>>, vector<1000x128xf32>
    %mul3A = vector.broadcast %rsqrt3A : vector<1000x1xf32> to vector<1000x128xf32>
    %mul3A_14 = arith.mulf %get3A_13, %mul3A : vector<1000x128xf32>
    %swap3A = arith.constant 0 : index
    %swap3A_15 = arith.constant 0 : index
    %swap3A_16 = vector.load %arg3[%swap3A, %swap3A_15] : memref<1000x128xf32, #tpu.memory_space<vmem>>, vector<1000x128xf32>
    tpu.vector_store %arg3[%swap3A, %swap3A_15], %mul3A_14 {strides = array<i32>} : memref<1000x128xf32, #tpu.memory_space<vmem>>, vector<1000x128xf32>,
    return
  }
  func.func @transform_0(%arg0: i32) -> (i32, i32) {
    %c0_i32 = arith.constant 0 : i32
    %c0_i32_0 = arith.constant 0 : i32
    return %arg0, %c0_i32 : i32, i32
  }
  func.func @transform_1(%arg0: i32) -> (i32, i32, i32) {
    %c0_i32 = arith.constant 0 : i32
    %c0_i32_0 = arith.constant 0 : i32
    %c0_i32_1 = arith.constant 0 : i32
    return %c0_i32, %arg0, %c0_i32_0 : i32, i32, i32
  }
  func.func @transform_2(%arg0: i32) -> (i32, i32) {
    %c0_i32 = arith.constant 0 : i32
    %c0_i32_0 = arith.constant 0 : i32
    return %arg0, %c0_i32 : i32, i32
  }
}

module attributes {stable_mosaic.version = 14 : i64} {
  func.func @_post1_body(%arg0: i32, %arg1: memref<2x1000x128xf32, #tpu.memory_space<vmem>>, %arg2: memref<2x1000x1xf32, #tpu.memory_space<vmem>>, %arg3: memref<1x128xf32, #tpu.memory_space<vmem>>, %arg4: memref<1000x128xf32, #tpu.memory_space<vmem>>) attributes {dimension_semantics = [#tpu.dimension_semantics<arbitrary>], iteration_bounds = array<i64: 10>, scalar_prefetch = 0 : i64, scratch_operands = 0 : i64, tpu.core_type = #tpu.core_type<tc>, window_params = [{transform_indices = @transform_0, window_bounds = array<i64: 2, 1000, 128>}, {transform_indices = @transform_1, window_bounds = array<i64: 2, 1000, 1>}, {pipeline_mode = #tpu.pipeline_mode<synchronous>, transform_indices = @transform_2, window_bounds = array<i64: 1, 128>}, {transform_indices = @transform_3, window_bounds = array<i64: 1000, 128>}]} {
    %get3A = arith.constant 0 : index
    %get3A_0 = arith.constant 0 : index
    %get3A_1 = arith.constant 0 : index
    %get3A_2 = vector.load %arg1[%get3A, %get3A_0, %get3A_1] : memref<2x1000x128xf32, #tpu.memory_space<vmem>>, vector<1x1000x128xf32>
    %get3A_3 = vector.shape_cast %get3A_2 : vector<1x1000x128xf32> to vector<1000x128xf32>
    %get3A_4 = arith.constant 1 : index
    %get3A_5 = arith.constant 0 : index
    %get3A_6 = arith.constant 0 : index
    %get3A_7 = vector.load %arg1[%get3A_4, %get3A_5, %get3A_6] : memref<2x1000x128xf32, #tpu.memory_space<vmem>>, vector<1x1000x128xf32>
    %get3A_8 = vector.shape_cast %get3A_7 : vector<1x1000x128xf32> to vector<1000x128xf32>
    %add3A = arith.addf %get3A_3, %get3A_8 : vector<1000x128xf32>
    %get3A_9 = arith.constant 0 : index
    %get3A_10 = arith.constant 0 : index
    %get3A_11 = arith.constant 0 : index
    %get3A_12 = vector.load %arg2[%get3A_9, %get3A_10, %get3A_11] : memref<2x1000x1xf32, #tpu.memory_space<vmem>>, vector<1x1000x1xf32>
    %get3A_13 = vector.shape_cast %get3A_12 : vector<1x1000x1xf32> to vector<1000x1xf32>
    %get3A_14 = arith.constant 1 : index
    %get3A_15 = arith.constant 0 : index
    %get3A_16 = arith.constant 0 : index
    %get3A_17 = vector.load %arg2[%get3A_14, %get3A_15, %get3A_16] : memref<2x1000x1xf32, #tpu.memory_space<vmem>>, vector<1x1000x1xf32>
    %get3A_18 = vector.shape_cast %get3A_17 : vector<1x1000x1xf32> to vector<1000x1xf32>
    %add3A_19 = arith.addf %get3A_13, %get3A_18 : vector<1000x1xf32>
    %max3A = arith.constant 1.000000e+00 : f32
    %max3A_20 = vector.broadcast %max3A : f32 to vector<1000x1xf32>
    %max3A_21 = arith.maximumf %add3A_19, %max3A_20 : vector<1000x1xf32>
    %rsqrt3A = math.rsqrt %max3A_21 : vector<1000x1xf32>
    %mul3A = vector.broadcast %rsqrt3A : vector<1000x1xf32> to vector<1000x128xf32>
    %mul3A_22 = arith.mulf %mul3A, %add3A : vector<1000x128xf32>
    %get3A_23 = arith.constant 0 : index
    %get3A_24 = arith.constant 0 : index
    %get3A_25 = vector.load %arg3[%get3A_23, %get3A_24] : memref<1x128xf32, #tpu.memory_space<vmem>>, vector<1x128xf32>
    %add3A_26 = vector.broadcast %get3A_25 : vector<1x128xf32> to vector<1000x128xf32>
    %add3A_27 = arith.addf %mul3A_22, %add3A_26 : vector<1000x128xf32>
    %max3A_28 = arith.constant 0.000000e+00 : f32
    %max3A_29 = vector.broadcast %max3A_28 : f32 to vector<1000x128xf32>
    %max3A_30 = arith.maximumf %add3A_27, %max3A_29 : vector<1000x128xf32>
    %mul3A_31 = vector.broadcast %rsqrt3A : vector<1000x1xf32> to vector<1000x128xf32>
    %mul3A_32 = arith.mulf %mul3A_31, %max3A_30 : vector<1000x128xf32>
    %swap3A = arith.constant 0 : index
    %swap3A_33 = arith.constant 0 : index
    %swap3A_34 = vector.load %arg4[%swap3A, %swap3A_33] : memref<1000x128xf32, #tpu.memory_space<vmem>>, vector<1000x128xf32>
    tpu.vector_store %arg4[%swap3A, %swap3A_33], %mul3A_32 {strides = array<i32>} : memref<1000x128xf32, #tpu.memory_space<vmem>>, vector<1000x128xf32>,
    return
  }
  func.func @transform_0(%arg0: i32) -> (i32, i32, i32) {
    %c0_i32 = arith.constant 0 : i32
    %c0_i32_0 = arith.constant 0 : i32
    %c0_i32_1 = arith.constant 0 : i32
    return %c0_i32, %arg0, %c0_i32_0 : i32, i32, i32
  }
  func.func @transform_1(%arg0: i32) -> (i32, i32, i32) {
    %c0_i32 = arith.constant 0 : i32
    %c0_i32_0 = arith.constant 0 : i32
    %c0_i32_1 = arith.constant 0 : i32
    return %c0_i32, %arg0, %c0_i32_0 : i32, i32, i32
  }
  func.func @transform_2(%arg0: i32) -> (i32, i32) {
    %c0_i32 = arith.constant 0 : i32
    %c0_i32_0 = arith.constant 0 : i32
    %c0_i32_1 = arith.constant 0 : i32
    return %c0_i32, %c0_i32_0 : i32, i32
  }
  func.func @transform_3(%arg0: i32) -> (i32, i32) {
    %c0_i32 = arith.constant 0 : i32
    %c0_i32_0 = arith.constant 0 : i32
    return %arg0, %c0_i32 : i32, i32
  }
}

module attributes {stable_mosaic.version = 14 : i64} {
  func.func @_post2_body(%arg0: i32, %arg1: memref<2x1000x128xf32, #tpu.memory_space<vmem>>, %arg2: memref<2x1000x1xf32, #tpu.memory_space<vmem>>, %arg3: memref<128x256xf32, #tpu.memory_space<vmem>>, %arg4: memref<1x256xf32, #tpu.memory_space<vmem>>, %arg5: memref<256x10xf32, #tpu.memory_space<vmem>>, %arg6: memref<1x10xf32, #tpu.memory_space<vmem>>, %arg7: memref<1x10xf32, #tpu.memory_space<vmem>>, %arg8: memref<1x256xf32, #tpu.memory_space<vmem>>) attributes {dimension_semantics = [#tpu.dimension_semantics<arbitrary>], iteration_bounds = array<i64: 10>, scalar_prefetch = 0 : i64, scratch_operands = 1 : i64, tpu.core_type = #tpu.core_type<tc>, window_params = [{transform_indices = @transform_0, window_bounds = array<i64: 2, 1000, 128>}, {transform_indices = @transform_1, window_bounds = array<i64: 2, 1000, 1>}, {pipeline_mode = #tpu.pipeline_mode<synchronous>, transform_indices = @transform_2, window_bounds = array<i64: 128, 256>}, {pipeline_mode = #tpu.pipeline_mode<synchronous>, transform_indices = @transform_3, window_bounds = array<i64: 1, 256>}, {pipeline_mode = #tpu.pipeline_mode<synchronous>, transform_indices = @transform_4, window_bounds = array<i64: 256, 10>}, {pipeline_mode = #tpu.pipeline_mode<synchronous>, transform_indices = @transform_5, window_bounds = array<i64: 1, 10>}, {pipeline_mode = #tpu.pipeline_mode<synchronous>, transform_indices = @transform_6, window_bounds = array<i64: 1, 10>}]} {
    %get3A = arith.constant 0 : index
    %get3A_0 = arith.constant 0 : index
    %get3A_1 = arith.constant 0 : index
    %get3A_2 = vector.load %arg1[%get3A, %get3A_0, %get3A_1] : memref<2x1000x128xf32, #tpu.memory_space<vmem>>, vector<1x1000x128xf32>
    %get3A_3 = vector.shape_cast %get3A_2 : vector<1x1000x128xf32> to vector<1000x128xf32>
    %get3A_4 = arith.constant 1 : index
    %get3A_5 = arith.constant 0 : index
    %get3A_6 = arith.constant 0 : index
    %get3A_7 = vector.load %arg1[%get3A_4, %get3A_5, %get3A_6] : memref<2x1000x128xf32, #tpu.memory_space<vmem>>, vector<1x1000x128xf32>
    %get3A_8 = vector.shape_cast %get3A_7 : vector<1x1000x128xf32> to vector<1000x128xf32>
    %add3A = arith.addf %get3A_3, %get3A_8 : vector<1000x128xf32>
    %get3A_9 = arith.constant 0 : index
    %get3A_10 = arith.constant 0 : index
    %get3A_11 = arith.constant 0 : index
    %get3A_12 = vector.load %arg2[%get3A_9, %get3A_10, %get3A_11] : memref<2x1000x1xf32, #tpu.memory_space<vmem>>, vector<1x1000x1xf32>
    %get3A_13 = vector.shape_cast %get3A_12 : vector<1x1000x1xf32> to vector<1000x1xf32>
    %get3A_14 = arith.constant 1 : index
    %get3A_15 = arith.constant 0 : index
    %get3A_16 = arith.constant 0 : index
    %get3A_17 = vector.load %arg2[%get3A_14, %get3A_15, %get3A_16] : memref<2x1000x1xf32, #tpu.memory_space<vmem>>, vector<1x1000x1xf32>
    %get3A_18 = vector.shape_cast %get3A_17 : vector<1x1000x1xf32> to vector<1000x1xf32>
    %add3A_19 = arith.addf %get3A_13, %get3A_18 : vector<1000x1xf32>
    %max3A = arith.constant 1.000000e+00 : f32
    %max3A_20 = vector.broadcast %max3A : f32 to vector<1000x1xf32>
    %max3A_21 = arith.maximumf %add3A_19, %max3A_20 : vector<1000x1xf32>
    %rsqrt3A = math.rsqrt %max3A_21 : vector<1000x1xf32>
    %mul3A = vector.broadcast %rsqrt3A : vector<1000x1xf32> to vector<1000x128xf32>
    %mul3A_22 = arith.mulf %mul3A, %add3A : vector<1000x128xf32>
    %get3A_23 = arith.constant 0 : index
    %get3A_24 = arith.constant 0 : index
    %get3A_25 = vector.load %arg3[%get3A_23, %get3A_24] : memref<128x256xf32, #tpu.memory_space<vmem>>, vector<128x256xf32>
    %dot_general3A = arith.constant dense<0.000000e+00> : vector<1000x256xf32>
    %dot_general3A_26 = tpu.matmul %mul3A_22, %get3A_25, %dot_general3A {dimension_numbers = #tpu.dot_dimension_numbers<[1], [0], [0], [1], [0, 0, 1, 1], [], []>, transpose_lhs_hint = false} : vector<1000x128xf32>, vector<128x256xf32>, vector<1000x256xf32> -> vector<1000x256xf32>
    %get3A_27 = arith.constant 0 : index
    %get3A_28 = arith.constant 0 : index
    %get3A_29 = vector.load %arg4[%get3A_27, %get3A_28] : memref<1x256xf32, #tpu.memory_space<vmem>>, vector<1x256xf32>
    %add3A_30 = vector.broadcast %get3A_29 : vector<1x256xf32> to vector<1000x256xf32>
    %add3A_31 = arith.addf %dot_general3A_26, %add3A_30 : vector<1000x256xf32>
    %max3A_32 = arith.constant 0.000000e+00 : f32
    %max3A_33 = vector.broadcast %max3A_32 : f32 to vector<1000x256xf32>
    %max3A_34 = arith.maximumf %add3A_31, %max3A_33 : vector<1000x256xf32>
    %reduce_sum3A = arith.constant dense<0.000000e+00> : vector<256xf32>
    %reduce_sum3A_35 = vector.multi_reduction <add>, %max3A_34, %reduce_sum3A [0] : vector<1000x256xf32> to vector<256xf32>
    %broadcast_in_dim3A = vector.shape_cast %reduce_sum3A_35 : vector<256xf32> to vector<1x256xf32>
    %eq3A = arith.constant 0 : i32
    %eq3A_36 = arith.cmpi eq, %arg0, %eq3A : i32
    %convert_element_type3A = arith.extui %eq3A_36 : i1 to i32
    %cond3A = arith.constant 0 : i32
    %cond3A_37 = arith.cmpi ne, %convert_element_type3A, %cond3A : i32
    scf.if %cond3A_37 {
      %swap3A = arith.constant 0 : index
      %swap3A_47 = arith.constant 0 : index
      %swap3A_48 = vector.load %arg8[%swap3A, %swap3A_47] : memref<1x256xf32, #tpu.memory_space<vmem>>, vector<1x256xf32>
      tpu.vector_store %arg8[%swap3A, %swap3A_47], %broadcast_in_dim3A {strides = array<i32>} : memref<1x256xf32, #tpu.memory_space<vmem>>, vector<1x256xf32>,
    } else {
    }
    %gt3A = arith.constant 0 : i32
    %gt3A_38 = arith.cmpi sgt, %arg0, %gt3A : i32
    %convert_element_type3A_39 = arith.extui %gt3A_38 : i1 to i32
    %cond3A_40 = arith.constant 0 : i32
    %cond3A_41 = arith.cmpi ne, %convert_element_type3A_39, %cond3A_40 : i32
    scf.if %cond3A_41 {
      %get3A_47 = arith.constant 0 : index
      %get3A_48 = arith.constant 0 : index
      %get3A_49 = vector.load %arg8[%get3A_47, %get3A_48] : memref<1x256xf32, #tpu.memory_space<vmem>>, vector<1x256xf32>
      %add3A_50 = arith.addf %get3A_49, %broadcast_in_dim3A : vector<1x256xf32>
      %swap3A = arith.constant 0 : index
      %swap3A_51 = arith.constant 0 : index
      %swap3A_52 = vector.load %arg8[%swap3A, %swap3A_51] : memref<1x256xf32, #tpu.memory_space<vmem>>, vector<1x256xf32>
      tpu.vector_store %arg8[%swap3A, %swap3A_51], %add3A_50 {strides = array<i32>} : memref<1x256xf32, #tpu.memory_space<vmem>>, vector<1x256xf32>,
    } else {
    }
    %eq3A_42 = arith.constant 9 : i32
    %eq3A_43 = arith.cmpi eq, %arg0, %eq3A_42 : i32
    %convert_element_type3A_44 = arith.extui %eq3A_43 : i1 to i32
    %cond3A_45 = arith.constant 0 : i32
    %cond3A_46 = arith.cmpi ne, %convert_element_type3A_44, %cond3A_45 : i32
    scf.if %cond3A_46 {
      %get3A_47 = arith.constant 0 : index
      %get3A_48 = arith.constant 0 : index
      %get3A_49 = vector.load %arg8[%get3A_47, %get3A_48] : memref<1x256xf32, #tpu.memory_space<vmem>>, vector<1x256xf32>
      %mul3A_50 = arith.constant 9.99999974E-5 : f32
      %mul3A_51 = vector.broadcast %mul3A_50 : f32 to vector<1x256xf32>
      %mul3A_52 = arith.mulf %get3A_49, %mul3A_51 : vector<1x256xf32>
      %get3A_53 = arith.constant 0 : index
      %get3A_54 = arith.constant 0 : index
      %get3A_55 = vector.load %arg5[%get3A_53, %get3A_54] : memref<256x10xf32, #tpu.memory_space<vmem>>, vector<256x10xf32>
      %dot_general3A_56 = arith.constant dense<0.000000e+00> : vector<1x10xf32>
      %dot_general3A_57 = tpu.matmul %mul3A_52, %get3A_55, %dot_general3A_56 {dimension_numbers = #tpu.dot_dimension_numbers<[1], [0], [0], [1], [0, 0, 1, 1], [], []>, transpose_lhs_hint = false} : vector<1x256xf32>, vector<256x10xf32>, vector<1x10xf32> -> vector<1x10xf32>
      %get3A_58 = arith.constant 0 : index
      %get3A_59 = arith.constant 0 : index
      %get3A_60 = vector.load %arg6[%get3A_58, %get3A_59] : memref<1x10xf32, #tpu.memory_space<vmem>>, vector<1x10xf32>
      %add3A_61 = arith.addf %dot_general3A_57, %get3A_60 : vector<1x10xf32>
      %swap3A = arith.constant 0 : index
      %swap3A_62 = arith.constant 0 : index
      %swap3A_63 = vector.load %arg7[%swap3A, %swap3A_62] : memref<1x10xf32, #tpu.memory_space<vmem>>, vector<1x10xf32>
      tpu.vector_store %arg7[%swap3A, %swap3A_62], %add3A_61 {strides = array<i32>} : memref<1x10xf32, #tpu.memory_space<vmem>>, vector<1x10xf32>,
    } else {
    }
    return
  }
  func.func @transform_0(%arg0: i32) -> (i32, i32, i32) {
    %c0_i32 = arith.constant 0 : i32
    %c0_i32_0 = arith.constant 0 : i32
    %c0_i32_1 = arith.constant 0 : i32
    return %c0_i32, %arg0, %c0_i32_0 : i32, i32, i32
  }
  func.func @transform_1(%arg0: i32) -> (i32, i32, i32) {
    %c0_i32 = arith.constant 0 : i32
    %c0_i32_0 = arith.constant 0 : i32
    %c0_i32_1 = arith.constant 0 : i32
    return %c0_i32, %arg0, %c0_i32_0 : i32, i32, i32
  }
  func.func @transform_2(%arg0: i32) -> (i32, i32) {
    %c0_i32 = arith.constant 0 : i32
    %c0_i32_0 = arith.constant 0 : i32
    %c0_i32_1 = arith.constant 0 : i32
    return %c0_i32, %c0_i32_0 : i32, i32
  }
  func.func @transform_3(%arg0: i32) -> (i32, i32) {
    %c0_i32 = arith.constant 0 : i32
    %c0_i32_0 = arith.constant 0 : i32
    %c0_i32_1 = arith.constant 0 : i32
    return %c0_i32, %c0_i32_0 : i32, i32
  }
  func.func @transform_4(%arg0: i32) -> (i32, i32) {
    %c0_i32 = arith.constant 0 : i32
    %c0_i32_0 = arith.constant 0 : i32
    %c0_i32_1 = arith.constant 0 : i32
    return %c0_i32, %c0_i32_0 : i32, i32
  }
  func.func @transform_5(%arg0: i32) -> (i32, i32) {
    %c0_i32 = arith.constant 0 : i32
    %c0_i32_0 = arith.constant 0 : i32
    %c0_i32_1 = arith.constant 0 : i32
    return %c0_i32, %c0_i32_0 : i32, i32
  }
  func.func @transform_6(%arg0: i32) -> (i32, i32) {
    %c0_i32 = arith.constant 0 : i32
    %c0_i32_0 = arith.constant 0 : i32
    %c0_i32_1 = arith.constant 0 : i32
    return %c0_i32, %c0_i32_0 : i32, i32
  }
}

</mosaic_0001>

<sc_bundles>
// kernel: kernel.12.cloned.1.call-start
scs
__scs_entry_jumppad:
0x0: {  	(pc) =	sbr.rel $0x88, $3  }
0x1: {  	(tag) =	ssettag $0x0;
	lr =	simm.s32 $0x1  }
0x2: {  	[smem:$0x3F99] =	sst lr;
	_ =	strace $0xD0000000  }
0x3: {  	_ = 	snop  }
0x4: {  	_ = 	snop  }
0x5: {  	_ = 	snop  }
0x6: {  	_ = 	snop  }
0x7: {  	_ = 	snop  }
__scs_overlays_trampoline_lowered:
0x8: {  	[smem:$0x3FA8] =	sst s0  }
0x9: {  	[smem:$0x3FA9] =	sst s1  }
0xa: {  	[smem:$0x3FAA] =	sst s2  }
0xb: {  	[smem:$0x3FAB] =	sst s3  }
0xc: {  	[smem:$0x3FAC] =	sst s4  }
0xd: {  	[smem:$0x3FAD] =	sst s5  }
0xe: {  	[smem:$0x3FAE] =	sst s6  }
0xf: {  	[smem:$0x3FAF] =	sst s7  }
0x10: {  	[smem:$0x3FB0] =	sst s8  }
0x11: {  	[smem:$0x3FB1] =	sst s9;
	s0 =	simm.s32 @!p0 $0x0  }
0x12: {  	s1 =	sld [smem:$0x3F97];
	s0 =	simm.s32 @p0 $0x1  }
0x13: {  	[smem:$0x3FB2] =	sst s0;
	s0 =	simm.s32 @!p1 $0x0  }
0x14: {  	s2 =	sld [smem:$0x3F96];
	s0 =	simm.s32 @p1 $0x1  }
0x15: {  	[smem:$0x3FB3] =	sst s0;
	s0 =	simm.s32 @!p2 $0x0  }
0x16: {  	s3 =	sld [smem:$0x3FDB];
	s0 =	simm.s32 @p2 $0x1  }
0x17: {  	s4 =	simm.s32 $0x1BF5;
	[smem:$0x3FB5] =	sst s0  }
0x18: {  	s0 =	sld [smem:$0x3F98];
	_ =	swait.ge [sflag:s4], $0x0  }
0x19: {  	s7 =	sld [smem:$0x3F99]  }
0x1a: {  	s8 =	sadd.s32 $0xFFFFE003, lr  }
0x1b: {  	s9 =	sadd.s32 $0xFFFFFEF7, lr;
	s5 =	simm.s32 $0xFFFFFFFF;
	p2 =	slt.u32 s8, $0xFFFFF086  }
0x1c: {  	p1 =	slt.u32 s9, $0xF7A;
	s5 =	simm.s32 @!p2 $0x0  }
0x1d: {  	s5 =	simm.s32 @p1 $0x1;
	p0 =	seq.s32 s7, s2  }
0x1e: {  	s7 =	smul.u32 @!p0 $0xF7A, s2;
	p2 =	seq.s32 @!p0 s5, $0x0  }
0x1f: {  	s9 =	smul.u32 $0xF7A, s1;
	s8 =	simm.s32 @!p0 $0x1BF5;
	p2 =	por !p2, p0  }
0x20: {  	[sflag:s8] =	ssyncset.s32 @!p0 $0xFFFFF086;
	s6 =	sadd.s32 @!p0 s3, s7;
	s7 =	simm.s32 @!p0 $0x108  }
0x21: {  	s3 =	sadd.s32 s3, s9;
	s6 =	sadd.s32 @!p0 $0x88, s6;
	s7 =	simm.s32 @p2 $0x1082  }
0x22: {  	[simem:s7], [sflag:s8] =	dma.local @!p0 [hbm:s6], $0xF7A  }
0x23: {  	s9 =	sor.u32 $0xD0000000, s2;
	s6 =	simm.s32 $0x108;
	_ =	swait.ge @!p0 [sflag:s8], $0x0  }
0x24: {  	s3 =	sadd.s32 $0x88, s3;
	s6 =	simm.s32 @!p1 $0x1082;
	[sflag:s4] =	ssyncset.s32 $0xFFFFF086  }
0x25: {  	[simem:s6], [sflag:s4] =	dma.local [hbm:s3], $0xF7A  }
0x26: {  	[smem:$0x3F99] =	sst s1;
	(tag) =	ssettag s2;
	_ =	strace s9  }
0x27: {  	s1 =	sld [smem:$0x3FA9]  }
0x28: {  	s2 =	sld [smem:$0x3FAA]  }
0x29: {  	s4 =	sld [smem:$0x3FAC]  }
0x2a: {  	p0 =	seq.s32 s5, $0x0;
	s5 =	sld [smem:$0x3FAD]  }
0x2b: {  	s6 =	sld [smem:$0x3FAE]  }
0x2c: {  	s7 =	sld [smem:$0x3FAF]  }
0x2d: {  	s3 =	simm.s32 $0x108;
	s8 =	sld [smem:$0x3FB0]  }
0x2e: {  	s3 =	simm.s32 @!p0 $0x1082;
	s9 =	sld [smem:$0x3FB1]  }
0x2f: {  	lr =	sadd.s32 s0, s3;
	s0 =	sld [smem:$0x3FA8]  }
0x30: {  	s3 =	sld [smem:$0x3FAB]  }
0x31: {  	[smem:$0x3FB4] =	sst s10  }
0x32: {  	s10 =	sld [smem:$0x3FB2];
	_ =	sdelay $0x3  }
0x33: {  	p0 =	seq.s32 s10, $0x1;
	s10 =	sld [smem:$0x3FB4];
	_ =	sdelay $0x3  }
0x34: {  	[smem:$0x3FB4] =	sst s10  }
0x35: {  	s10 =	sld [smem:$0x3FB3];
	_ =	sdelay $0x3  }
0x36: {  	p1 =	seq.s32 s10, $0x1;
	s10 =	sld [smem:$0x3FB4];
	_ =	sdelay $0x3  }
0x37: {  	[smem:$0x3FB4] =	sst s10  }
0x38: {  	s10 =	sld [smem:$0x3FB5]  }
0x39: {  	_ = 	snop;
	(pc) =	sbr.ind lr, $3  }
0x3a: {  	_ = 	snop  }
0x3b: {  	_ = 	snop  }
0x3c: {  	p2 =	seq.s32 s10, $0x1;
	s10 =	sld [smem:$0x3FB4]  }
0x3d: {  	_ =	shalt  }
0x3e: {  	_ =	shalt  }
0x3f: {  	_ =	shalt  }
0x40: {  	_ =	shalt  }
0x41: {  	_ =	shalt  }
0x42: {  	_ =	shalt  }
0x43: {  	_ =	shalt  }
0x44: {  	_ =	shalt  }
0x45: {  	_ =	shalt  }
0x46: {  	_ =	shalt  }
0x47: {  	_ =	shalt  }
0x48: {  	_ =	shalt  }
0x49: {  	_ =	shalt  }
0x4a: {  	_ =	shalt  }
0x4b: {  	_ =	shalt  }
0x4c: {  	_ =	shalt  }
0x4d: {  	_ =	shalt  }
0x4e: {  	_ =	shalt  }
0x4f: {  	_ =	shalt  }
0x50: {  	_ =	shalt  }
0x51: {  	_ =	shalt  }
0x52: {  	_ =	shalt  }
0x53: {  	_ =	shalt  }
0x54: {  	_ =	shalt  }
0x55: {  	_ =	shalt  }
0x56: {  	_ =	shalt  }
0x57: {  	_ =	shalt  }
0x58: {  	_ =	shalt  }
0x59: {  	_ =	shalt  }
0x5a: {  	_ =	shalt  }
0x5b: {  	_ =	shalt  }
0x5c: {  	_ =	shalt  }
0x5d: {  	_ =	shalt  }
0x5e: {  	_ =	shalt  }
0x5f: {  	_ =	shalt  }
0x60: {  	_ =	shalt  }
0x61: {  	_ =	shalt  }
0x62: {  	_ =	shalt  }
0x63: {  	_ =	shalt  }
0x64: {  	_ =	shalt  }
0x65: {  	_ =	shalt  }
0x66: {  	_ =	shalt  }
0x67: {  	_ =	shalt  }
0x68: {  	_ =	shalt  }
0x69: {  	_ =	shalt  }
0x6a: {  	_ =	shalt  }
0x6b: {  	_ =	shalt  }
0x6c: {  	_ =	shalt  }
0x6d: {  	_ =	shalt  }
0x6e: {  	_ =	shalt  }
0x6f: {  	_ =	shalt  }
0x70: {  	_ =	shalt  }
0x71: {  	_ =	shalt  }
0x72: {  	_ =	shalt  }
0x73: {  	_ =	shalt  }
0x74: {  	_ =	shalt  }
0x75: {  	_ =	shalt  }
0x76: {  	_ =	shalt  }
0x77: {  	_ =	shalt  }
0x78: {  	_ =	shalt  }
0x79: {  	_ =	shalt  }
0x7a: {  	_ =	shalt  }
0x7b: {  	_ =	shalt  }
0x7c: {  	_ =	shalt  }
0x7d: {  	_ =	shalt  }
0x7e: {  	_ =	shalt  }
0x7f: {  	_ =	shalt  }
0x80: {  	_ =	shalt  }
0x81: {  	_ =	shalt  }
0x82: {  	_ =	shalt  }
0x83: {  	_ =	shalt  }
0x84: {  	_ =	shalt  }
0x85: {  	_ =	shalt  }
0x86: {  	_ =	shalt  }
0x87: {  	_ =	shalt  }
.Lfunc_end0:
.L_simem_size_0:
called_computation.1_lowered:
.L_overlay_start_0:
0x88: {  	s2 =	sld [smem:$0x3FD9]  }
0x89: {  	s3 =	sld [smem:$0x3FFE];
	_ =	sdelay $0x1  }
0x8a: {  	s1 =	srdreg.scid  }
0x8b: {  	s0 =	sand.u32 $0x1, s1  }
0x8c: {  	s16 =	sshll.u32 s0, $0xA;
	s2 =	sadd.s32 s3, s2  }
0x8d: {  	s2 =	sadd.s32 s2, s16  }
0x8e: {  	[smem:$0x3FC0] =	sst s2  }
0x8f: {  	_ = 	snop  }
0x90: {  	(tm) =	ssettm $0x1  }
0x91: {  	s17 =	sld [smem:$0x3FFB];
	_ =	sdelay $0x3  }
0x92: {  	_ =	strace s17  }
0x93: {  	s2 =	sld [smem:$0x3FFC];
	_ =	sdelay $0x3  }
0x94: {  	_ =	strace s2  }
0x95: {  	s2 =	sld [smem:$0x3FFD];
	_ =	sdelay $0x3  }
0x96: {  	_ =	strace s2  }
0x97: {  	_ =	strace $0x8FFFFFFF  }
0x98: {  	s18 =	sld [smem:$0x3FDB];
	_ =	sdelay $0x1  }
0x99: {  	s19 =	simm.s32 $_scs_section_size  }
0x9a: {  	s4 =	simm.s32 $_size__tile_overlayer_lowered;
	s5 =	simm.s32 $_tile_overlayer_lowered  }
0x9b: {  	s22 =	simm.s32 $0x1BFF;
	s21 =	sshll.u32 s5, $0x1;
	s2 =	sadd.s32 s19, s18  }
0x9c: {  	s6 =	simm.s32 $0x0;
	s20 =	sshll.u32 s4, $0x1;
	s4 =	sadd.s32 s21, s2  }
0x9d: {  	[timem:s6], [sflag:s22] =	dma.local [hbm:s4], s20  }
0x9e: {  	_ =	swait.ge [sflag:s22], s20  }
0x9f: {  	s3 =	ssub.s32 $0x0, s20;
	[sflag:s22] =	ssyncset.done $0x0  }
0xa0: {  	[sflag:s22] =	ssyncadd.s32 s3;
	_ =	sdelay $0x1  }
0xa1: {  	s23 =	simm.s32 $0x1B8B  }
0xa2: {  	_ =	swait.ge [sflag:s23], $0x1  }
0xa3: {  	[sflag:s23] =	ssyncset.done $0x0  }
0xa4: {  	s25 =	simm.s32 $0x1B8E;
	s24 =	sld [smem:$0x3FFE];
	[sflag:s23] =	ssyncadd.s32 $0xFFFFFFFF  }
0xa5: {  	s26 =	simm.s32 $execute0_lowered;
	[smem:$0x3FD2] =	sst s25  }
0xa6: {  	s4 =	sshll.u32 s26, $0x1;
	_ =	strace $0x80000049;
	[dreg:$0x1] =	wrdreg $0xFFFFFFFF  }
0xa7: {  	s28 =	simm.s32 $_size_execute0_lowered;
	s2 =	sadd.s32 s2, s4;
	[dreg:$0x0] =	wrdreg $0x0  }
0xa8: {  	s4 =	sshll.u32 s28, $0x1;
	[dreg:$0x2] =	wrdreg s2  }
0xa9: {  	[dreg:$0x3] =	wrdreg s4  }
0xaa: {  	[dreg:$0x4] =	wrdreg $0xC0  }
0xab: {  	_ =	task [dreg:s6], $0x5FFFF  }
0xac: {  	[dreg:$0x1] =	wrdreg $0xFFFFFFFF  }
0xad: {  	[dreg:$0x0] =	wrdreg $0x60  }
0xae: {  	[dreg:$0x2] =	wrdreg s24  }
0xaf: {  	[dreg:$0x3] =	wrdreg $0x58000  }
0xb0: {  	[dreg:$0x4] =	wrdreg $0x9  }
0xb1: {  	_ =	task.clear_ibuf [dreg:s6], $0x5FFFF;
	_ =	strace $0x90000049  }
0xb2: {  	s29 =	simm.s32 $0x9;
	_ =	strace $0x8000004B  }
0xb3: {  	_ =	swait.ge [sflag:s29], $0x1  }
0xb4: {  	[sflag:s29] =	ssyncadd.s32 $0xFFFFFFFF  }
0xb5: {  	_ =	strace $0x9000004B  }
0xb6: {  	_ =	sfence  }
0xb7: {  	s30 =	sld [smem:$0x0];
	_ =	sdelay $0x2  }
0xb8: {  	s31 =	sshll.u32 s1, $0xD;
	s1 =	sshrl.u32 s1, $0x2  }
0xb9: {  	s3 =	sand.u32 $0x4000, s31;
	s1 =	sadd.s32 s1, s30  }
0xba: {  	s0 =	sor.u32 s3, s0;
	s1 =	sshll.u32 s1, $0x11  }
0xbb: {  	s0 =	sor.u32 s1, s0  }
0xbc: {  	s0 =	sadd.s32 $0x8F2B, s0  }
0xbd: {  	[sflag:s0] =	ssyncadd.remote.s32 $0x1  }
0xbe: {  	_ =	sfence.sel $0xFFFF  }
0xbf: {  	[dreg:$0x0] =	wrdreg $0xFFFFFFFF;
	(pc) =	sbr.abs _section_cstart, $3  }
0xc0: {  	[dreg:$0x1] =	wrdreg $0xFFFFFFFF  }
0xc1: {  	_ =	task.clear_ibuf [dreg:s6], $0x2FFFF;
	_ =	strace $0x9FFFFFFF  }
0xc2: {  	(tm) =	ssettm $0x7FFFFFFF  }
0xc3: {  	_ =	shalt  }
tec
execute0_lowered:
.L_overlay_start_1:
0x0: {  	(tag) =	ssettag $0x1  }
0x1: {  	s0 =	rddreg [dreg:$0x0];
	s1 =	srdreg.scid  }
0x2: {  	s2 =	rddreg [dreg:$0x1];
	s9 =	stileid.u32  }
0x3: {  	s3 =	simm.s32 $0x0;
	s28 =	simm.s32 $0x1;
	s29 =	simm.s32 $0x50  }
0x4: {  	s30 =	simm.s32 $0x400;
	s31 =	simm.s32 $0x2;
	s12 =	simm.s32 $0x4  }
0x5: {  	s13 =	simm.s32 $0x380;
	s15 =	simm.s32 $0x0;
	s5 =	smul.u32 $0x13C00, s9  }
0x6: {  	s1 =	sand.u32 $0x1, s1;
	[smem:$0x7FF] =	sst s3;
	s17 =	smul.u32 $0x4F000, s9  }
0x7: {  	s9 =	sshll.u32 s9, $0xE;
	s4 =	smul.u32 $0x13C000, s1;
	s8 =	ssub.s32 $0x2, s1  }
0x8: {  	_ =	strace $0x8000004A;
	s1 =	sshll.u32 s1, $0x12;
	s10 =	sshrl.u32 s8, $0x1  }
0x9: {  	s11 =	sshrl.u32 s17, $0x2;
	s6 =	sadd.s32 s5, s4;
	s4 =	sadd.s32 $0x2000, s0  }
0xa: {  	s5 =	sadd.s32 $0x6BE00, s0;
	s18 =	ssub.s32 s8, s10;
	s8 =	sadd.s32 s11, s2  }
0xb: {  	s11 =	simm.s32 $0x6;
	s7 =	sshrl.u32 s6, $0x3;
	s6 =	sadd.s32 $0x5BE00, s0  }
0xc: {  	s26 =	smax.u32 s18, $0x1;
	s0 =	sadd.s32 s7, s0;
	s7 =	sor.u32 s9, s1  }
0xd: {  	[dreg:$0xc] =	wrdreg s26;
	s26 =	simm.s32 $0x300;
	s9 =	sshrl.u32 s7, $0x3  }
0xe: {  	s1 =	simm.s32 $0x5;
	s0 =	sadd.s32 $0x7BE00, s0;
	s19 =	sadd.s32 s5, s9  }
0xf: {  	s20 =	sadd.s32 s6, s9;
	s21 =	sor.u32 $0x10, s9;
	[dreg:$0xb] =	wrdreg s0  }
0x10: {  	s23 =	sor.u32 $0x20, s9;
	s9 =	sor.u32 $0x30, s9;
	[dreg:$0x3] =	wrdreg s19  }
0x11: {  	s0 =	simm.s32 $0x2C00;
	[dreg:$0x4] =	wrdreg s20;
	s22 =	sadd.s32 s5, s21  }
0x12: {  	s10 =	sadd.s32 s6, s21;
	s24 =	sadd.s32 s5, s23;
	[dreg:$0x5] =	wrdreg s22  }
0x13: {  	s25 =	sadd.s32 s5, s9;
	s9 =	sadd.s32 s6, s9;
	[dreg:$0x6] =	wrdreg s10  }
.Ltmp0:
0x14: {  	s19 =	simm.s32 $0x5400;
	[dreg:$0x7] =	wrdreg s24;
	(pc) =	sbr.rel .LBB2_1-.Ltmp0, $4  }
0x15: {  	s20 =	simm.s32 $0x7;
	s21 =	simm.s32 $0x80;
	[dreg:$0x9] =	wrdreg s25  }
0x16: {  	s10 =	sadd.s32 s6, s23;
	[dreg:$0xa] =	wrdreg s9;
	s22 =	simm.s32 $0x100  }
0x17: {  	s23 =	simm.s32 $0x180;
	s24 =	simm.s32 $0x200;
	s25 =	simm.s32 $0x280  }
0x18: {  	v0 =	vimm.f32 $0.0e+00;
	s9 =	simm.s32 $0x8;
	[dreg:$0x8] =	wrdreg s10;
	s10 =	simm.s32 $0x3  }
.LBB2_8:
0x19: {  	_ =	swait.ge [sflag:s1], $0x2800  }
0x1a: {  	[sflag:s1] =	ssyncset.done $0x0  }
0x1b: {  	[sflag:s1] =	ssyncadd.s32 $0xFFFFD800  }
0x1c: {  	[spmem:s2] =	stream.indirect.scatter.add.f32 [tilespmem:s30], [sflag:$0x8], $0x80, s21, s29, $0xb8;
	[tilespmem:$0x19400] =	vst v63  }
0x1d: {  	_ =	swait.ge [sflag:s9], $0x2800  }
0x1e: {  	[sflag:s9] =	ssyncset.done $0x0  }
0x1f: {  	s14 =	stileid.u32;
	[sflag:s9] =	ssyncadd.s32 $0xFFFFD800  }
0x20: {  	s14 =	sshll.u32 s14, $0x6;
	[bflag:$0x0] =	sbarrier.arrive $0xFFFF  }
0x21: {  	s15 =	sshrl.u32 s8, $0x3;
	s14 =	sor.u32 $0x1C08, s14;
	s16 =	rddreg [dreg:$0xb]  }
0x22: {  	[hbm:s16], [sflag:s14] =	dma.local [spmem:s15], $0x2780  }
0x23: {  	_ =	swait.ge [sflag:s9], $0x2780  }
0x24: {  	s17 =	rddreg [dreg:$0xd]  }
0x25: {  	s18 =	rddreg [dreg:$0xc];
	s15 =	sadd.s32 $0x1, s17  }
0x26: {  	p0 =	sne.s32 s15, s18  }
.Ltmp1:
0x27: {  	_ = 	snop;
	(pc) =	sbr.rel @!p0 .LBB2_9-.Ltmp1, $3  }
0x28: {  	_ =	sdelay $0x1  }
0x29: {  	[sflag:s9] =	ssyncset.done $0x0  }
0x2a: {  	[sflag:s9] =	ssyncadd.s32 $0xFFFFD880  }
.LBB2_1:
0x2b: {  	[tilespmem:$0x5400] =	vst v0  }
0x2c: {  	[tilespmem:$0x5410] =	vst v0  }
0x2d: {  	[tilespmem:$0x5420] =	vst v0  }
0x2e: {  	[tilespmem:$0x5430] =	vst v0  }
0x2f: {  	[tilespmem:$0x5440] =	vst v0  }
0x30: {  	[tilespmem:$0x5450] =	vst v0  }
0x31: {  	[tilespmem:$0x5460] =	vst v0  }
0x32: {  	[tilespmem:$0x5470] =	vst v0  }
0x33: {  	[tilespmem:$0x5480] =	vst v0  }
0x34: {  	[tilespmem:$0x5490] =	vst v0  }
0x35: {  	[tilespmem:$0x54A0] =	vst v0  }
0x36: {  	[tilespmem:$0x54B0] =	vst v0  }
0x37: {  	[tilespmem:$0x54C0] =	vst v0  }
0x38: {  	[tilespmem:$0x54D0] =	vst v0  }
0x39: {  	[tilespmem:$0x54E0] =	vst v0  }
0x3a: {  	[tilespmem:$0x54F0] =	vst v0  }
0x3b: {  	[tilespmem:$0x5500] =	vst v0  }
0x3c: {  	[tilespmem:$0x5510] =	vst v0  }
0x3d: {  	[tilespmem:$0x5520] =	vst v0  }
0x3e: {  	[tilespmem:$0x5530] =	vst v0  }
0x3f: {  	[tilespmem:$0x5540] =	vst v0  }
0x40: {  	[tilespmem:$0x5550] =	vst v0  }
0x41: {  	[tilespmem:$0x5560] =	vst v0  }
0x42: {  	[tilespmem:$0x5570] =	vst v0  }
0x43: {  	[tilespmem:$0x5580] =	vst v0  }
0x44: {  	[tilespmem:$0x5590] =	vst v0  }
0x45: {  	[tilespmem:$0x55A0] =	vst v0  }
0x46: {  	[tilespmem:$0x55B0] =	vst v0  }
0x47: {  	[tilespmem:$0x55C0] =	vst v0  }
0x48: {  	[tilespmem:$0x55D0] =	vst v0  }
0x49: {  	[tilespmem:$0x55E0] =	vst v0  }
0x4a: {  	[tilespmem:$0x55F0] =	vst v0  }
0x4b: {  	[tilespmem:$0x5600] =	vst v0  }
0x4c: {  	[tilespmem:$0x5610] =	vst v0  }
0x4d: {  	[tilespmem:$0x5620] =	vst v0  }
0x4e: {  	[tilespmem:$0x5630] =	vst v0  }
0x4f: {  	[tilespmem:$0x5640] =	vst v0  }
0x50: {  	[tilespmem:$0x5650] =	vst v0  }
0x51: {  	[tilespmem:$0x5660] =	vst v0  }
0x52: {  	[tilespmem:$0x5670] =	vst v0  }
0x53: {  	[tilespmem:$0x5680] =	vst v0  }
0x54: {  	[tilespmem:$0x5690] =	vst v0  }
0x55: {  	[tilespmem:$0x56A0] =	vst v0  }
0x56: {  	[tilespmem:$0x56B0] =	vst v0  }
0x57: {  	[tilespmem:$0x56C0] =	vst v0  }
0x58: {  	[tilespmem:$0x56D0] =	vst v0  }
0x59: {  	[tilespmem:$0x56E0] =	vst v0  }
0x5a: {  	[tilespmem:$0x56F0] =	vst v0  }
0x5b: {  	[tilespmem:$0x5700] =	vst v0  }
0x5c: {  	[tilespmem:$0x5710] =	vst v0  }
0x5d: {  	[tilespmem:$0x5720] =	vst v0  }
0x5e: {  	[tilespmem:$0x5730] =	vst v0  }
0x5f: {  	[tilespmem:$0x5740] =	vst v0  }
0x60: {  	[tilespmem:$0x5750] =	vst v0  }
0x61: {  	[tilespmem:$0x5760] =	vst v0  }
0x62: {  	[tilespmem:$0x5770] =	vst v0  }
0x63: {  	[tilespmem:$0x5780] =	vst v0  }
0x64: {  	[tilespmem:$0x5790] =	vst v0  }
0x65: {  	[tilespmem:$0x57A0] =	vst v0  }
0x66: {  	[tilespmem:$0x57B0] =	vst v0  }
0x67: {  	[tilespmem:$0x57C0] =	vst v0  }
0x68: {  	[tilespmem:$0x57D0] =	vst v0  }
0x69: {  	[tilespmem:$0x57E0] =	vst v0  }
0x6a: {  	[dreg:$0xd] =	wrdreg s15;
	[tilespmem:$0x57F0] =	vst v0;
	s15 =	simm.s32 $0x0  }
.LBB2_2:
0x6b: {  	p0 =	sne.s32 s15, $0x4E000  }
.Ltmp2:
0x6c: {  	_ = 	snop;
	(pc) =	sbr.rel @p0 .LBB2_2-.Ltmp2, $4  }
0x6d: {  	_ = 	snop  }
0x6e: {  	s16 =	sshra.s32 s15, $0x2  }
0x6f: {  	s15 =	sadd.s32 $0x1000, s15;
	s16 =	sadd.s32 s16, s8  }
0x70: {  	[spmem:s16] =	stream.linear.scatter [tilespmem:s19], [sflag:$0x7], $0x400, $0x38;
	[tilespmem:$0x19400] =	vst v63  }
0x71: {  	_ =	swait.ge [sflag:s20], $0x400  }
0x72: {  	s15 =	simm.s32 $0x4E;
	[sflag:s20] =	ssyncset.done $0x0  }
.LBB2_4:
0x73: {  	p0 =	sne.s32 s15, $0x1;
	s15 =	sadd.s32 $0xFFFFFFFF, s15;
	[sflag:s20] =	ssyncadd.s32 $0xFFFFFC00  }
.Ltmp3:
0x74: {  	(pc) =	sbr.rel @p0 .LBB2_4-.Ltmp3, $3  }
0x75: {  	_ =	sdelay $0x1  }
0x76: {  	_ =	swait.ge [sflag:s20], $0x400  }
0x77: {  	[sflag:s20] =	ssyncset.done $0x0  }
0x78: {  	[sflag:s20] =	ssyncadd.s32 $0xFFFFFC00  }
0x79: {  	[bflag:$0x0] =	sbarrier.arrive $0xFFFF  }
0x7a: {  	s14 =	rddreg [dreg:$0x3]  }
0x7b: {  	[tilespmem:s3], [sflag:$0x1] =	stream.linear.gather [hbm4b:s14+s3], $0x80, $0x38;
	[tilespmem:$0x19400] =	vst v63  }
0x7c: {  	s16 =	rddreg [dreg:$0x4]  }
0x7d: {  	[tilespmem:s21], [sflag:$0x1] =	stream.linear.gather [hbm4b:s16+s3], $0x80, $0x38;
	[tilespmem:$0x19400] =	vst v63  }
0x7e: {  	s17 =	rddreg [dreg:$0x5]  }
0x7f: {  	[tilespmem:s22], [sflag:$0x2] =	stream.linear.gather [hbm4b:s17+s3], $0x80, $0x38;
	[tilespmem:$0x19400] =	vst v63  }
0x80: {  	s18 =	rddreg [dreg:$0x6]  }
0x81: {  	[tilespmem:s23], [sflag:$0x2] =	stream.linear.gather [hbm4b:s18+s3], $0x80, $0x38;
	[tilespmem:$0x19400] =	vst v63  }
0x82: {  	s15 =	rddreg [dreg:$0x7]  }
0x83: {  	[tilespmem:s24], [sflag:$0x3] =	stream.linear.gather [hbm4b:s15+s3], $0x80, $0x38;
	[tilespmem:$0x19400] =	vst v63  }
0x84: {  	s16 =	rddreg [dreg:$0x8]  }
0x85: {  	[tilespmem:s25], [sflag:$0x3] =	stream.linear.gather [hbm4b:s16+s3], $0x80, $0x38;
	[tilespmem:$0x19400] =	vst v63  }
0x86: {  	s17 =	rddreg [dreg:$0x9]  }
0x87: {  	[tilespmem:s26], [sflag:$0x4] =	stream.linear.gather [hbm4b:s17+s3], $0x80, $0x38;
	[tilespmem:$0x19400] =	vst v63  }
0x88: {  	s18 =	rddreg [dreg:$0xa];
	s15 =	simm.s32 $0x380  }
0x89: {  	[tilespmem:s15], [sflag:$0x4] =	stream.linear.gather [hbm4b:s18+s3], $0x80, $0x38;
	[tilespmem:$0x19400] =	vst v63  }
0x8a: {  	_ =	swait.ge [sflag:s28], $0x80  }
0x8b: {  	[sflag:s28] =	ssyncset.done $0x0  }
0x8c: {  	[sflag:s28] =	ssyncadd.s32 $0xFFFFFF80  }
0x8d: {  	_ =	swait.ge [sflag:s28], $0x80  }
0x8e: {  	[sflag:s28] =	ssyncset.done $0x0  }
0x8f: {  	[sflag:s28] =	ssyncadd.s32 $0xFFFFFF80  }
0x90: {  	[tilespmem:s30], [sflag:$0x5] =	stream.indirect.gather [hbm4b:s4+s29], $0x80, s3, s29, $0xb8;
	[tilespmem:$0x19400] =	vst v63  }
.LBB2_6:
0x91: {  	_ =	swait.ge [sflag:s31], $0x80  }
0x92: {  	[sflag:s31] =	ssyncset.done $0x0  }
0x93: {  	[sflag:s31] =	ssyncadd.s32 $0xFFFFFF80  }
0x94: {  	_ =	swait.ge [sflag:s31], $0x80  }
0x95: {  	[sflag:s31] =	ssyncset.done $0x0  }
0x96: {  	[sflag:s31] =	ssyncadd.s32 $0xFFFFFF80  }
0x97: {  	[tilespmem:s0], [sflag:$0x6] =	stream.indirect.gather [hbm4b:s4+s29], $0x80, s22, s29, $0xb8;
	[tilespmem:$0x19400] =	vst v63  }
0x98: {  	s16 =	sadd.s32 $0xFFFFFE80, s15;
	_ =	swait.ge [sflag:s1], $0x2800  }
0x99: {  	s17 =	sand.u32 $0x7C00, s16;
	[sflag:s1] =	ssyncset.done $0x0  }
0x9a: {  	s16 =	sand.u32 $0x200, s16;
	s17 =	sadd.s32 s7, s17;
	[sflag:s1] =	ssyncadd.s32 $0xFFFFD800  }
0x9b: {  	[spmem:s2] =	stream.indirect.scatter.add.f32 [tilespmem:s30], [sflag:$0x8], $0x80, s21, s29, $0xb8;
	[tilespmem:$0x19400] =	vst v63  }
0x9c: {  	s16 =	sor.u32 s16, s17;
	_ =	swait.ge [sflag:s9], $0x2800  }
0x9d: {  	s16 =	sshrl.u32 s16, $0x3;
	[sflag:s9] =	ssyncset.done $0x0  }
0x9e: {  	s18 =	sadd.s32 s5, s16;
	[sflag:s9] =	ssyncadd.s32 $0xFFFFD800  }
0x9f: {  	[tilespmem:s3], [sflag:$0x1] =	stream.linear.gather [hbm4b:s18+s3], $0x80, $0x38;
	[tilespmem:$0x19400] =	vst v63  }
0xa0: {  	s16 =	sadd.s32 s6, s16  }
0xa1: {  	[tilespmem:s21], [sflag:$0x1] =	stream.linear.gather [hbm4b:s16+s3], $0x80, $0x38;
	[tilespmem:$0x19400] =	vst v63  }
0xa2: {  	_ =	swait.ge [sflag:s10], $0x80  }
0xa3: {  	[sflag:s10] =	ssyncset.done $0x0  }
0xa4: {  	[sflag:s10] =	ssyncadd.s32 $0xFFFFFF80  }
0xa5: {  	_ =	swait.ge [sflag:s10], $0x80  }
0xa6: {  	[sflag:s10] =	ssyncset.done $0x0  }
0xa7: {  	p0 =	seq.s32 s15, $0x3F80;
	[sflag:s10] =	ssyncadd.s32 $0xFFFFFF80  }
0xa8: {  	[tilespmem:s30], [sflag:$0x5] =	stream.indirect.gather [hbm4b:s4+s29], $0x80, s24, s29, $0xb8;
	[tilespmem:$0x19400] =	vst v63  }
0xa9: {  	s16 =	sadd.s32 @!p0 $0xFFFFFF00, s15;
	_ =	swait.ge [sflag:s11], $0x2800  }
0xaa: {  	s17 =	sand.u32 @!p0 $0x7C00, s16;
	[sflag:s11] =	ssyncset.done $0x0  }
0xab: {  	s16 =	sand.u32 @!p0 $0x280, s16;
	s17 =	sadd.s32 @!p0 s7, s17;
	[sflag:s11] =	ssyncadd.s32 $0xFFFFD800  }
0xac: {  	[spmem:s2] =	stream.indirect.scatter.add.f32 [tilespmem:s0], [sflag:$0x8], $0x80, s23, s29, $0xb8;
	[tilespmem:$0x19400] =	vst v63  }
0xad: {  	s16 =	sor.u32 @!p0 s16, s17;
	_ =	swait.ge [sflag:s9], $0x2800  }
0xae: {  	s14 =	simm.s32 @!p0 $0x100;
	s16 =	sshrl.u32 @!p0 s16, $0x3;
	[sflag:s9] =	ssyncset.done $0x0  }
0xaf: {  	s18 =	simm.s32 @!p0 $0x0;
	s17 =	sadd.s32 @!p0 s5, s16;
	[sflag:s9] =	ssyncadd.s32 $0xFFFFD800  }
0xb0: {  	[tilespmem:s14], [sflag:$0x2] =	stream.linear.gather @!p0 [hbm4b:s17+s18], $0x80, $0x38;
	[tilespmem:$0x19400] =	vst v63  }
0xb1: {  	s14 =	sadd.s32 @!p0 s6, s16;
	s16 =	simm.s32 @!p0 $0x180  }
0xb2: {  	[tilespmem:s16], [sflag:$0x2] =	stream.linear.gather @!p0 [hbm4b:s14+s18], $0x80, $0x38;
	[tilespmem:$0x19400] =	vst v63  }
0xb3: {  	_ =	swait.ge [sflag:s12], $0x80  }
0xb4: {  	[sflag:s12] =	ssyncset.done $0x0  }
0xb5: {  	[sflag:s12] =	ssyncadd.s32 $0xFFFFFF80  }
0xb6: {  	_ =	swait.ge [sflag:s12], $0x80  }
0xb7: {  	[sflag:s12] =	ssyncset.done $0x0  }
0xb8: {  	[sflag:s12] =	ssyncadd.s32 $0xFFFFFF80  }
0xb9: {  	[tilespmem:s0], [sflag:$0x6] =	stream.indirect.gather [hbm4b:s4+s29], $0x80, s26, s29, $0xb8;
	[tilespmem:$0x19400] =	vst v63  }
0xba: {  	s14 =	sadd.s32 @!p0 $0xFFFFFF80, s15;
	_ =	swait.ge [sflag:s1], $0x2800  }
0xbb: {  	s16 =	sand.u32 @!p0 $0x7C00, s14;
	[sflag:s1] =	ssyncset.done $0x0  }
0xbc: {  	s14 =	sand.u32 @!p0 $0x300, s14;
	s16 =	sadd.s32 @!p0 s7, s16;
	[sflag:s1] =	ssyncadd.s32 $0xFFFFD800  }
0xbd: {  	[spmem:s2] =	stream.indirect.scatter.add.f32 [tilespmem:s30], [sflag:$0x8], $0x80, s25, s29, $0xb8;
	[tilespmem:$0x19400] =	vst v63  }
0xbe: {  	s14 =	sor.u32 @!p0 s14, s16;
	_ =	swait.ge [sflag:s9], $0x2800  }
0xbf: {  	s14 =	sshrl.u32 @!p0 s14, $0x3;
	[sflag:s9] =	ssyncset.done $0x0  }
0xc0: {  	s17 =	simm.s32 @!p0 $0x200;
	s16 =	sadd.s32 @!p0 s5, s14;
	[sflag:s9] =	ssyncadd.s32 $0xFFFFD800  }
0xc1: {  	[tilespmem:s17], [sflag:$0x3] =	stream.linear.gather @!p0 [hbm4b:s16+s18], $0x80, $0x38;
	[tilespmem:$0x19400] =	vst v63  }
0xc2: {  	s14 =	sadd.s32 @!p0 s6, s14;
	s16 =	simm.s32 @!p0 $0x280  }
0xc3: {  	[tilespmem:s16], [sflag:$0x3] =	stream.linear.gather @!p0 [hbm4b:s14+s18], $0x80, $0x38;
	[tilespmem:$0x19400] =	vst v63  }
0xc4: {  	_ =	swait.ge [sflag:s28], $0x80  }
0xc5: {  	[sflag:s28] =	ssyncset.done $0x0  }
0xc6: {  	[sflag:s28] =	ssyncadd.s32 $0xFFFFFF80  }
0xc7: {  	_ =	swait.ge [sflag:s28], $0x80  }
0xc8: {  	[sflag:s28] =	ssyncset.done $0x0  }
0xc9: {  	[sflag:s28] =	ssyncadd.s32 $0xFFFFFF80  }
0xca: {  	[tilespmem:s30], [sflag:$0x5] =	stream.indirect.gather [hbm4b:s4+s29], $0x80, s3, s29, $0xb8;
	[tilespmem:$0x19400] =	vst v63  }
0xcb: {  	_ =	swait.ge [sflag:s11], $0x2800  }
0xcc: {  	[sflag:s11] =	ssyncset.done $0x0  }
.Ltmp4:
0xcd: {  	[sflag:s11] =	ssyncadd.s32 $0xFFFFD800;
	(pc) =	sbr.rel @p0 .LBB2_8-.Ltmp4, $4  }
0xce: {  	[spmem:s2] =	stream.indirect.scatter.add.f32 [tilespmem:s0], [sflag:$0x8], $0x80, s13, s29, $0xb8;
	[tilespmem:$0x19400] =	vst v63  }
0xcf: {  	_ =	swait.ge [sflag:s9], $0x2800  }
0xd0: {  	[sflag:s9] =	ssyncset.done $0x0  }
0xd1: {  	[sflag:s9] =	ssyncadd.s32 $0xFFFFD800  }
0xd2: {  	s14 =	sand.u32 $0x7C00, s15  }
0xd3: {  	s16 =	sand.u32 $0x380, s15;
	s14 =	sadd.s32 s7, s14  }
0xd4: {  	s14 =	sor.u32 s16, s14  }
.Ltmp5:
0xd5: {  	s14 =	sshrl.u32 s14, $0x3;
	(pc) =	sbr.rel .LBB2_6-.Ltmp5, $4  }
0xd6: {  	s18 =	sadd.s32 s5, s14  }
0xd7: {  	[tilespmem:s26], [sflag:$0x4] =	stream.linear.gather [hbm4b:s18+s3], $0x80, $0x38;
	[tilespmem:$0x19400] =	vst v63  }
0xd8: {  	s15 =	sadd.s32 $0x200, s15;
	s14 =	sadd.s32 s6, s14  }
0xd9: {  	[tilespmem:s13], [sflag:$0x4] =	stream.linear.gather [hbm4b:s14+s3], $0x80, $0x38;
	[tilespmem:$0x19400] =	vst v63  }
.LBB2_9:
0xda: {  	_ =	sfence.sel $0x180000  }
0xdb: {  	[bflag:$0x0] =	sbarrier.arrive $0xFFFF  }
0xdc: {  	_ =	strace $0x9000004A  }
0xdd: {  	s0 =	stileid.u32;
	[bflag:$0x2] =	sbarrier.arrive $0xFFFF  }
0xde: {  	p0 =	sne.s32 s0, $0x0;
	s0 =	rddreg [dreg:$0x2]  }
0xdf: {  	s0 =	sadd.s32 @!p0 $0x100000, s0  }
0xe0: {  	[sflag:s0] =	ssyncadd.tile.s32 @!p0 $0x1;
	_ =	shalt  }
.Lfunc_end2:
_tile_overlayer_lowered:
.L_overlay_start_2:
0xe1: {  	(tag) =	ssettag $0x2  }
0xe2: {  	s0 =	rddreg [dreg:$0x0];
	s2 =	stileid.u32  }
0xe3: {  	s1 =	rddreg [dreg:$0x1];
	p0 =	sne.s32 s2, $0x0  }
0xe4: {  	s3 =	rddreg [dreg:$0x2];
	[bflag:$0x3] =	sbarrier.arrive $0xFFFF;
	s2 =	simm.s32 @!p0 $0x1C08  }
0xe5: {  	[timem:s3], [sflag:s2] =	dma.local @!p0 [hbm:s0], s1  }
0xe6: {  	s0 =	simm.s32 @!p0 $0x8  }
0xe7: {  	_ =	swait.ge @!p0 [sflag:s0], s1  }
0xe8: {  	s1 =	ssub.s32 @!p0 $0x0, s1;
	[sflag:s0] =	ssyncset.done @!p0 $0x0  }
0xe9: {  	[sflag:s0] =	ssyncadd.s32 @!p0 s1  }
0xea: {  	[bflag:$0x3] =	sbarrier.arrive $0xFFFF  }
0xeb: {  	_ =	shalt  }

// kernel: kernel.15.cloned.1.call-start
scs
__scs_entry_jumppad:
0x0: {  	(pc) =	sbr.rel $0x88, $3  }
0x1: {  	(tag) =	ssettag $0x0;
	lr =	simm.s32 $0x1  }
0x2: {  	[smem:$0x3F99] =	sst lr;
	_ =	strace $0xD0000000  }
0x3: {  	_ = 	snop  }
0x4: {  	_ = 	snop  }
0x5: {  	_ = 	snop  }
0x6: {  	_ = 	snop  }
0x7: {  	_ = 	snop  }
__scs_overlays_trampoline_lowered:
0x8: {  	[smem:$0x3FA8] =	sst s0  }
0x9: {  	[smem:$0x3FA9] =	sst s1  }
0xa: {  	[smem:$0x3FAA] =	sst s2  }
0xb: {  	[smem:$0x3FAB] =	sst s3  }
0xc: {  	[smem:$0x3FAC] =	sst s4  }
0xd: {  	[smem:$0x3FAD] =	sst s5  }
0xe: {  	[smem:$0x3FAE] =	sst s6  }
0xf: {  	[smem:$0x3FAF] =	sst s7  }
0x10: {  	[smem:$0x3FB0] =	sst s8  }
0x11: {  	[smem:$0x3FB1] =	sst s9;
	s0 =	simm.s32 @!p0 $0x0  }
0x12: {  	s1 =	sld [smem:$0x3F97];
	s0 =	simm.s32 @p0 $0x1  }
0x13: {  	[smem:$0x3FB2] =	sst s0;
	s0 =	simm.s32 @!p1 $0x0  }
0x14: {  	s2 =	sld [smem:$0x3F96];
	s0 =	simm.s32 @p1 $0x1  }
0x15: {  	[smem:$0x3FB3] =	sst s0;
	s0 =	simm.s32 @!p2 $0x0  }
0x16: {  	s3 =	sld [smem:$0x3FDB];
	s0 =	simm.s32 @p2 $0x1  }
0x17: {  	s4 =	simm.s32 $0x1BF5;
	[smem:$0x3FB5] =	sst s0  }
0x18: {  	s0 =	sld [smem:$0x3F98];
	_ =	swait.ge [sflag:s4], $0x0  }
0x19: {  	s7 =	sld [smem:$0x3F99]  }
0x1a: {  	s8 =	sadd.s32 $0xFFFFE003, lr  }
0x1b: {  	s9 =	sadd.s32 $0xFFFFFEF7, lr;
	s5 =	simm.s32 $0xFFFFFFFF;
	p2 =	slt.u32 s8, $0xFFFFF086  }
0x1c: {  	p1 =	slt.u32 s9, $0xF7A;
	s5 =	simm.s32 @!p2 $0x0  }
0x1d: {  	s5 =	simm.s32 @p1 $0x1;
	p0 =	seq.s32 s7, s2  }
0x1e: {  	s7 =	smul.u32 @!p0 $0xF7A, s2;
	p2 =	seq.s32 @!p0 s5, $0x0  }
0x1f: {  	s9 =	smul.u32 $0xF7A, s1;
	s8 =	simm.s32 @!p0 $0x1BF5;
	p2 =	por !p2, p0  }
0x20: {  	[sflag:s8] =	ssyncset.s32 @!p0 $0xFFFFF086;
	s6 =	sadd.s32 @!p0 s3, s7;
	s7 =	simm.s32 @!p0 $0x108  }
0x21: {  	s3 =	sadd.s32 s3, s9;
	s6 =	sadd.s32 @!p0 $0x88, s6;
	s7 =	simm.s32 @p2 $0x1082  }
0x22: {  	[simem:s7], [sflag:s8] =	dma.local @!p0 [hbm:s6], $0xF7A  }
0x23: {  	s9 =	sor.u32 $0xD0000000, s2;
	s6 =	simm.s32 $0x108;
	_ =	swait.ge @!p0 [sflag:s8], $0x0  }
0x24: {  	s3 =	sadd.s32 $0x88, s3;
	s6 =	simm.s32 @!p1 $0x1082;
	[sflag:s4] =	ssyncset.s32 $0xFFFFF086  }
0x25: {  	[simem:s6], [sflag:s4] =	dma.local [hbm:s3], $0xF7A  }
0x26: {  	[smem:$0x3F99] =	sst s1;
	(tag) =	ssettag s2;
	_ =	strace s9  }
0x27: {  	s1 =	sld [smem:$0x3FA9]  }
0x28: {  	s2 =	sld [smem:$0x3FAA]  }
0x29: {  	s4 =	sld [smem:$0x3FAC]  }
0x2a: {  	p0 =	seq.s32 s5, $0x0;
	s5 =	sld [smem:$0x3FAD]  }
0x2b: {  	s6 =	sld [smem:$0x3FAE]  }
0x2c: {  	s7 =	sld [smem:$0x3FAF]  }
0x2d: {  	s3 =	simm.s32 $0x108;
	s8 =	sld [smem:$0x3FB0]  }
0x2e: {  	s3 =	simm.s32 @!p0 $0x1082;
	s9 =	sld [smem:$0x3FB1]  }
0x2f: {  	lr =	sadd.s32 s0, s3;
	s0 =	sld [smem:$0x3FA8]  }
0x30: {  	s3 =	sld [smem:$0x3FAB]  }
0x31: {  	[smem:$0x3FB4] =	sst s10  }
0x32: {  	s10 =	sld [smem:$0x3FB2];
	_ =	sdelay $0x3  }
0x33: {  	p0 =	seq.s32 s10, $0x1;
	s10 =	sld [smem:$0x3FB4];
	_ =	sdelay $0x3  }
0x34: {  	[smem:$0x3FB4] =	sst s10  }
0x35: {  	s10 =	sld [smem:$0x3FB3];
	_ =	sdelay $0x3  }
0x36: {  	p1 =	seq.s32 s10, $0x1;
	s10 =	sld [smem:$0x3FB4];
	_ =	sdelay $0x3  }
0x37: {  	[smem:$0x3FB4] =	sst s10  }
0x38: {  	s10 =	sld [smem:$0x3FB5]  }
0x39: {  	_ = 	snop;
	(pc) =	sbr.ind lr, $3  }
0x3a: {  	_ = 	snop  }
0x3b: {  	_ = 	snop  }
0x3c: {  	p2 =	seq.s32 s10, $0x1;
	s10 =	sld [smem:$0x3FB4]  }
0x3d: {  	_ =	shalt  }
0x3e: {  	_ =	shalt  }
0x3f: {  	_ =	shalt  }
0x40: {  	_ =	shalt  }
0x41: {  	_ =	shalt  }
0x42: {  	_ =	shalt  }
0x43: {  	_ =	shalt  }
0x44: {  	_ =	shalt  }
0x45: {  	_ =	shalt  }
0x46: {  	_ =	shalt  }
0x47: {  	_ =	shalt  }
0x48: {  	_ =	shalt  }
0x49: {  	_ =	shalt  }
0x4a: {  	_ =	shalt  }
0x4b: {  	_ =	shalt  }
0x4c: {  	_ =	shalt  }
0x4d: {  	_ =	shalt  }
0x4e: {  	_ =	shalt  }
0x4f: {  	_ =	shalt  }
0x50: {  	_ =	shalt  }
0x51: {  	_ =	shalt  }
0x52: {  	_ =	shalt  }
0x53: {  	_ =	shalt  }
0x54: {  	_ =	shalt  }
0x55: {  	_ =	shalt  }
0x56: {  	_ =	shalt  }
0x57: {  	_ =	shalt  }
0x58: {  	_ =	shalt  }
0x59: {  	_ =	shalt  }
0x5a: {  	_ =	shalt  }
0x5b: {  	_ =	shalt  }
0x5c: {  	_ =	shalt  }
0x5d: {  	_ =	shalt  }
0x5e: {  	_ =	shalt  }
0x5f: {  	_ =	shalt  }
0x60: {  	_ =	shalt  }
0x61: {  	_ =	shalt  }
0x62: {  	_ =	shalt  }
0x63: {  	_ =	shalt  }
0x64: {  	_ =	shalt  }
0x65: {  	_ =	shalt  }
0x66: {  	_ =	shalt  }
0x67: {  	_ =	shalt  }
0x68: {  	_ =	shalt  }
0x69: {  	_ =	shalt  }
0x6a: {  	_ =	shalt  }
0x6b: {  	_ =	shalt  }
0x6c: {  	_ =	shalt  }
0x6d: {  	_ =	shalt  }
0x6e: {  	_ =	shalt  }
0x6f: {  	_ =	shalt  }
0x70: {  	_ =	shalt  }
0x71: {  	_ =	shalt  }
0x72: {  	_ =	shalt  }
0x73: {  	_ =	shalt  }
0x74: {  	_ =	shalt  }
0x75: {  	_ =	shalt  }
0x76: {  	_ =	shalt  }
0x77: {  	_ =	shalt  }
0x78: {  	_ =	shalt  }
0x79: {  	_ =	shalt  }
0x7a: {  	_ =	shalt  }
0x7b: {  	_ =	shalt  }
0x7c: {  	_ =	shalt  }
0x7d: {  	_ =	shalt  }
0x7e: {  	_ =	shalt  }
0x7f: {  	_ =	shalt  }
0x80: {  	_ =	shalt  }
0x81: {  	_ =	shalt  }
0x82: {  	_ =	shalt  }
0x83: {  	_ =	shalt  }
0x84: {  	_ =	shalt  }
0x85: {  	_ =	shalt  }
0x86: {  	_ =	shalt  }
0x87: {  	_ =	shalt  }
.Lfunc_end0:
.L_simem_size_0:
called_computation.2_lowered:
.L_overlay_start_0:
0x88: {  	s2 =	sld [smem:$0x3FD9]  }
0x89: {  	s3 =	sld [smem:$0x3FFE];
	_ =	sdelay $0x1  }
0x8a: {  	s1 =	srdreg.scid  }
0x8b: {  	s0 =	sand.u32 $0x1, s1  }
0x8c: {  	s16 =	sshll.u32 s0, $0xA;
	s2 =	sadd.s32 s3, s2  }
0x8d: {  	s2 =	sadd.s32 s2, s16  }
0x8e: {  	[smem:$0x3FC0] =	sst s2  }
0x8f: {  	_ = 	snop  }
0x90: {  	(tm) =	ssettm $0x1  }
0x91: {  	s17 =	sld [smem:$0x3FFB];
	_ =	sdelay $0x3  }
0x92: {  	_ =	strace s17  }
0x93: {  	s2 =	sld [smem:$0x3FFC];
	_ =	sdelay $0x3  }
0x94: {  	_ =	strace s2  }
0x95: {  	s2 =	sld [smem:$0x3FFD];
	_ =	sdelay $0x3  }
0x96: {  	_ =	strace s2  }
0x97: {  	_ =	strace $0x8FFFFFFF  }
0x98: {  	s18 =	sld [smem:$0x3FDB];
	_ =	sdelay $0x1  }
0x99: {  	s19 =	simm.s32 $_scs_section_size  }
0x9a: {  	s4 =	simm.s32 $_size__tile_overlayer_lowered;
	s5 =	simm.s32 $_tile_overlayer_lowered  }
0x9b: {  	s22 =	simm.s32 $0x1BFF;
	s21 =	sshll.u32 s5, $0x1;
	s2 =	sadd.s32 s19, s18  }
0x9c: {  	s6 =	simm.s32 $0x0;
	s20 =	sshll.u32 s4, $0x1;
	s4 =	sadd.s32 s21, s2  }
0x9d: {  	[timem:s6], [sflag:s22] =	dma.local [hbm:s4], s20  }
0x9e: {  	_ =	swait.ge [sflag:s22], s20  }
0x9f: {  	s3 =	ssub.s32 $0x0, s20;
	[sflag:s22] =	ssyncset.done $0x0  }
0xa0: {  	[sflag:s22] =	ssyncadd.s32 s3;
	_ =	sdelay $0x1  }
0xa1: {  	s23 =	simm.s32 $0x1B8B  }
0xa2: {  	_ =	swait.ge [sflag:s23], $0x1  }
0xa3: {  	[sflag:s23] =	ssyncset.done $0x0  }
0xa4: {  	s25 =	simm.s32 $0x1B8E;
	s24 =	sld [smem:$0x3FFE];
	[sflag:s23] =	ssyncadd.s32 $0xFFFFFFFF  }
0xa5: {  	s26 =	simm.s32 $execute0_lowered;
	[smem:$0x3FD2] =	sst s25  }
0xa6: {  	s4 =	sshll.u32 s26, $0x1;
	_ =	strace $0x8000004C;
	[dreg:$0x1] =	wrdreg $0xFFFFFFFF  }
0xa7: {  	s28 =	simm.s32 $_size_execute0_lowered;
	s2 =	sadd.s32 s2, s4;
	[dreg:$0x0] =	wrdreg $0x0  }
0xa8: {  	s4 =	sshll.u32 s28, $0x1;
	[dreg:$0x2] =	wrdreg s2  }
0xa9: {  	[dreg:$0x3] =	wrdreg s4  }
0xaa: {  	[dreg:$0x4] =	wrdreg $0xC0  }
0xab: {  	_ =	task [dreg:s6], $0x5FFFF  }
0xac: {  	[dreg:$0x1] =	wrdreg $0xFFFFFFFF  }
0xad: {  	[dreg:$0x0] =	wrdreg $0x60  }
0xae: {  	[dreg:$0x2] =	wrdreg s24  }
0xaf: {  	[dreg:$0x3] =	wrdreg $0x58000  }
0xb0: {  	[dreg:$0x4] =	wrdreg $0x9  }
0xb1: {  	_ =	task.clear_ibuf [dreg:s6], $0x5FFFF;
	_ =	strace $0x9000004C  }
0xb2: {  	s29 =	simm.s32 $0x9;
	_ =	strace $0x8000004E  }
0xb3: {  	_ =	swait.ge [sflag:s29], $0x1  }
0xb4: {  	[sflag:s29] =	ssyncadd.s32 $0xFFFFFFFF  }
0xb5: {  	_ =	strace $0x9000004E  }
0xb6: {  	_ =	sfence  }
0xb7: {  	s30 =	sld [smem:$0x0];
	_ =	sdelay $0x2  }
0xb8: {  	s31 =	sshll.u32 s1, $0xD;
	s1 =	sshrl.u32 s1, $0x2  }
0xb9: {  	s3 =	sand.u32 $0x4000, s31;
	s1 =	sadd.s32 s1, s30  }
0xba: {  	s0 =	sor.u32 s3, s0;
	s1 =	sshll.u32 s1, $0x11  }
0xbb: {  	s0 =	sor.u32 s1, s0  }
0xbc: {  	s0 =	sadd.s32 $0x8F2B, s0  }
0xbd: {  	[sflag:s0] =	ssyncadd.remote.s32 $0x1  }
0xbe: {  	_ =	sfence.sel $0xFFFF  }
0xbf: {  	[dreg:$0x0] =	wrdreg $0xFFFFFFFF;
	(pc) =	sbr.abs _section_cstart, $3  }
0xc0: {  	[dreg:$0x1] =	wrdreg $0xFFFFFFFF  }
0xc1: {  	_ =	task.clear_ibuf [dreg:s6], $0x2FFFF;
	_ =	strace $0x9FFFFFFF  }
0xc2: {  	(tm) =	ssettm $0x7FFFFFFF  }
0xc3: {  	_ =	shalt  }
tec
execute0_lowered:
.L_overlay_start_1:
0x0: {  	(tag) =	ssettag $0x1  }
0x1: {  	s0 =	rddreg [dreg:$0x0];
	s1 =	srdreg.scid  }
0x2: {  	s2 =	rddreg [dreg:$0x1];
	s9 =	stileid.u32  }
0x3: {  	s3 =	simm.s32 $0x0;
	s28 =	simm.s32 $0x1;
	s29 =	simm.s32 $0x50  }
0x4: {  	s30 =	simm.s32 $0x400;
	s31 =	simm.s32 $0x2;
	s12 =	simm.s32 $0x4  }
0x5: {  	s13 =	simm.s32 $0x380;
	s15 =	simm.s32 $0x0;
	s5 =	smul.u32 $0x13C00, s9  }
0x6: {  	s1 =	sand.u32 $0x1, s1;
	[smem:$0x7FF] =	sst s3;
	s17 =	smul.u32 $0x4F000, s9  }
0x7: {  	s9 =	sshll.u32 s9, $0xE;
	s4 =	smul.u32 $0x13C000, s1;
	s8 =	ssub.s32 $0x2, s1  }
0x8: {  	_ =	strace $0x8000004D;
	s1 =	sshll.u32 s1, $0x12;
	s10 =	sshrl.u32 s8, $0x1  }
0x9: {  	s11 =	sshrl.u32 s17, $0x2;
	s6 =	sadd.s32 s5, s4;
	s4 =	sadd.s32 $0x2000, s0  }
0xa: {  	s5 =	sadd.s32 $0x6BE00, s0;
	s18 =	ssub.s32 s8, s10;
	s8 =	sadd.s32 s11, s2  }
0xb: {  	s11 =	simm.s32 $0x6;
	s7 =	sshrl.u32 s6, $0x3;
	s6 =	sadd.s32 $0x5BE00, s0  }
0xc: {  	s26 =	smax.u32 s18, $0x1;
	s0 =	sadd.s32 s7, s0;
	s7 =	sor.u32 s9, s1  }
0xd: {  	[dreg:$0xc] =	wrdreg s26;
	s26 =	simm.s32 $0x300;
	s9 =	sshrl.u32 s7, $0x3  }
0xe: {  	s1 =	simm.s32 $0x5;
	s0 =	sadd.s32 $0x7BE00, s0;
	s19 =	sadd.s32 s5, s9  }
0xf: {  	s20 =	sadd.s32 s6, s9;
	s21 =	sor.u32 $0x10, s9;
	[dreg:$0xb] =	wrdreg s0  }
0x10: {  	s23 =	sor.u32 $0x20, s9;
	s9 =	sor.u32 $0x30, s9;
	[dreg:$0x3] =	wrdreg s19  }
0x11: {  	s0 =	simm.s32 $0x2C00;
	[dreg:$0x4] =	wrdreg s20;
	s22 =	sadd.s32 s5, s21  }
0x12: {  	s10 =	sadd.s32 s6, s21;
	s24 =	sadd.s32 s5, s23;
	[dreg:$0x5] =	wrdreg s22  }
0x13: {  	s25 =	sadd.s32 s5, s9;
	s9 =	sadd.s32 s6, s9;
	[dreg:$0x6] =	wrdreg s10  }
.Ltmp0:
0x14: {  	s19 =	simm.s32 $0x5400;
	[dreg:$0x7] =	wrdreg s24;
	(pc) =	sbr.rel .LBB2_1-.Ltmp0, $4  }
0x15: {  	s20 =	simm.s32 $0x7;
	s21 =	simm.s32 $0x80;
	[dreg:$0x9] =	wrdreg s25  }
0x16: {  	s10 =	sadd.s32 s6, s23;
	[dreg:$0xa] =	wrdreg s9;
	s22 =	simm.s32 $0x100  }
0x17: {  	s23 =	simm.s32 $0x180;
	s24 =	simm.s32 $0x200;
	s25 =	simm.s32 $0x280  }
0x18: {  	v0 =	vimm.f32 $0.0e+00;
	s9 =	simm.s32 $0x8;
	[dreg:$0x8] =	wrdreg s10;
	s10 =	simm.s32 $0x3  }
.LBB2_8:
0x19: {  	_ =	swait.ge [sflag:s1], $0x2800  }
0x1a: {  	[sflag:s1] =	ssyncset.done $0x0  }
0x1b: {  	[sflag:s1] =	ssyncadd.s32 $0xFFFFD800  }
0x1c: {  	[spmem:s2] =	stream.indirect.scatter.add.f32 [tilespmem:s30], [sflag:$0x8], $0x80, s21, s29, $0xb8;
	[tilespmem:$0x19400] =	vst v63  }
0x1d: {  	_ =	swait.ge [sflag:s9], $0x2800  }
0x1e: {  	[sflag:s9] =	ssyncset.done $0x0  }
0x1f: {  	s14 =	stileid.u32;
	[sflag:s9] =	ssyncadd.s32 $0xFFFFD800  }
0x20: {  	s14 =	sshll.u32 s14, $0x6;
	[bflag:$0x0] =	sbarrier.arrive $0xFFFF  }
0x21: {  	s15 =	sshrl.u32 s8, $0x3;
	s14 =	sor.u32 $0x1C08, s14;
	s16 =	rddreg [dreg:$0xb]  }
0x22: {  	[hbm:s16], [sflag:s14] =	dma.local [spmem:s15], $0x2780  }
0x23: {  	_ =	swait.ge [sflag:s9], $0x2780  }
0x24: {  	s17 =	rddreg [dreg:$0xd]  }
0x25: {  	s18 =	rddreg [dreg:$0xc];
	s15 =	sadd.s32 $0x1, s17  }
0x26: {  	p0 =	sne.s32 s15, s18  }
.Ltmp1:
0x27: {  	_ = 	snop;
	(pc) =	sbr.rel @!p0 .LBB2_9-.Ltmp1, $3  }
0x28: {  	_ =	sdelay $0x1  }
0x29: {  	[sflag:s9] =	ssyncset.done $0x0  }
0x2a: {  	[sflag:s9] =	ssyncadd.s32 $0xFFFFD880  }
.LBB2_1:
0x2b: {  	[tilespmem:$0x5400] =	vst v0  }
0x2c: {  	[tilespmem:$0x5410] =	vst v0  }
0x2d: {  	[tilespmem:$0x5420] =	vst v0  }
0x2e: {  	[tilespmem:$0x5430] =	vst v0  }
0x2f: {  	[tilespmem:$0x5440] =	vst v0  }
0x30: {  	[tilespmem:$0x5450] =	vst v0  }
0x31: {  	[tilespmem:$0x5460] =	vst v0  }
0x32: {  	[tilespmem:$0x5470] =	vst v0  }
0x33: {  	[tilespmem:$0x5480] =	vst v0  }
0x34: {  	[tilespmem:$0x5490] =	vst v0  }
0x35: {  	[tilespmem:$0x54A0] =	vst v0  }
0x36: {  	[tilespmem:$0x54B0] =	vst v0  }
0x37: {  	[tilespmem:$0x54C0] =	vst v0  }
0x38: {  	[tilespmem:$0x54D0] =	vst v0  }
0x39: {  	[tilespmem:$0x54E0] =	vst v0  }
0x3a: {  	[tilespmem:$0x54F0] =	vst v0  }
0x3b: {  	[tilespmem:$0x5500] =	vst v0  }
0x3c: {  	[tilespmem:$0x5510] =	vst v0  }
0x3d: {  	[tilespmem:$0x5520] =	vst v0  }
0x3e: {  	[tilespmem:$0x5530] =	vst v0  }
0x3f: {  	[tilespmem:$0x5540] =	vst v0  }
0x40: {  	[tilespmem:$0x5550] =	vst v0  }
0x41: {  	[tilespmem:$0x5560] =	vst v0  }
0x42: {  	[tilespmem:$0x5570] =	vst v0  }
0x43: {  	[tilespmem:$0x5580] =	vst v0  }
0x44: {  	[tilespmem:$0x5590] =	vst v0  }
0x45: {  	[tilespmem:$0x55A0] =	vst v0  }
0x46: {  	[tilespmem:$0x55B0] =	vst v0  }
0x47: {  	[tilespmem:$0x55C0] =	vst v0  }
0x48: {  	[tilespmem:$0x55D0] =	vst v0  }
0x49: {  	[tilespmem:$0x55E0] =	vst v0  }
0x4a: {  	[tilespmem:$0x55F0] =	vst v0  }
0x4b: {  	[tilespmem:$0x5600] =	vst v0  }
0x4c: {  	[tilespmem:$0x5610] =	vst v0  }
0x4d: {  	[tilespmem:$0x5620] =	vst v0  }
0x4e: {  	[tilespmem:$0x5630] =	vst v0  }
0x4f: {  	[tilespmem:$0x5640] =	vst v0  }
0x50: {  	[tilespmem:$0x5650] =	vst v0  }
0x51: {  	[tilespmem:$0x5660] =	vst v0  }
0x52: {  	[tilespmem:$0x5670] =	vst v0  }
0x53: {  	[tilespmem:$0x5680] =	vst v0  }
0x54: {  	[tilespmem:$0x5690] =	vst v0  }
0x55: {  	[tilespmem:$0x56A0] =	vst v0  }
0x56: {  	[tilespmem:$0x56B0] =	vst v0  }
0x57: {  	[tilespmem:$0x56C0] =	vst v0  }
0x58: {  	[tilespmem:$0x56D0] =	vst v0  }
0x59: {  	[tilespmem:$0x56E0] =	vst v0  }
0x5a: {  	[tilespmem:$0x56F0] =	vst v0  }
0x5b: {  	[tilespmem:$0x5700] =	vst v0  }
0x5c: {  	[tilespmem:$0x5710] =	vst v0  }
0x5d: {  	[tilespmem:$0x5720] =	vst v0  }
0x5e: {  	[tilespmem:$0x5730] =	vst v0  }
0x5f: {  	[tilespmem:$0x5740] =	vst v0  }
0x60: {  	[tilespmem:$0x5750] =	vst v0  }
0x61: {  	[tilespmem:$0x5760] =	vst v0  }
0x62: {  	[tilespmem:$0x5770] =	vst v0  }
0x63: {  	[tilespmem:$0x5780] =	vst v0  }
0x64: {  	[tilespmem:$0x5790] =	vst v0  }
0x65: {  	[tilespmem:$0x57A0] =	vst v0  }
0x66: {  	[tilespmem:$0x57B0] =	vst v0  }
0x67: {  	[tilespmem:$0x57C0] =	vst v0  }
0x68: {  	[tilespmem:$0x57D0] =	vst v0  }
0x69: {  	[tilespmem:$0x57E0] =	vst v0  }
0x6a: {  	[dreg:$0xd] =	wrdreg s15;
	[tilespmem:$0x57F0] =	vst v0;
	s15 =	simm.s32 $0x0  }
.LBB2_2:
0x6b: {  	p0 =	sne.s32 s15, $0x4E000  }
.Ltmp2:
0x6c: {  	_ = 	snop;
	(pc) =	sbr.rel @p0 .LBB2_2-.Ltmp2, $4  }
0x6d: {  	_ = 	snop  }
0x6e: {  	s16 =	sshra.s32 s15, $0x2  }
0x6f: {  	s15 =	sadd.s32 $0x1000, s15;
	s16 =	sadd.s32 s16, s8  }
0x70: {  	[spmem:s16] =	stream.linear.scatter [tilespmem:s19], [sflag:$0x7], $0x400, $0x38;
	[tilespmem:$0x19400] =	vst v63  }
0x71: {  	_ =	swait.ge [sflag:s20], $0x400  }
0x72: {  	s15 =	simm.s32 $0x4E;
	[sflag:s20] =	ssyncset.done $0x0  }
.LBB2_4:
0x73: {  	p0 =	sne.s32 s15, $0x1;
	s15 =	sadd.s32 $0xFFFFFFFF, s15;
	[sflag:s20] =	ssyncadd.s32 $0xFFFFFC00  }
.Ltmp3:
0x74: {  	(pc) =	sbr.rel @p0 .LBB2_4-.Ltmp3, $3  }
0x75: {  	_ =	sdelay $0x1  }
0x76: {  	_ =	swait.ge [sflag:s20], $0x400  }
0x77: {  	[sflag:s20] =	ssyncset.done $0x0  }
0x78: {  	[sflag:s20] =	ssyncadd.s32 $0xFFFFFC00  }
0x79: {  	[bflag:$0x0] =	sbarrier.arrive $0xFFFF  }
0x7a: {  	s14 =	rddreg [dreg:$0x3]  }
0x7b: {  	[tilespmem:s3], [sflag:$0x1] =	stream.linear.gather [hbm4b:s14+s3], $0x80, $0x38;
	[tilespmem:$0x19400] =	vst v63  }
0x7c: {  	s16 =	rddreg [dreg:$0x4]  }
0x7d: {  	[tilespmem:s21], [sflag:$0x1] =	stream.linear.gather [hbm4b:s16+s3], $0x80, $0x38;
	[tilespmem:$0x19400] =	vst v63  }
0x7e: {  	s17 =	rddreg [dreg:$0x5]  }
0x7f: {  	[tilespmem:s22], [sflag:$0x2] =	stream.linear.gather [hbm4b:s17+s3], $0x80, $0x38;
	[tilespmem:$0x19400] =	vst v63  }
0x80: {  	s18 =	rddreg [dreg:$0x6]  }
0x81: {  	[tilespmem:s23], [sflag:$0x2] =	stream.linear.gather [hbm4b:s18+s3], $0x80, $0x38;
	[tilespmem:$0x19400] =	vst v63  }
0x82: {  	s15 =	rddreg [dreg:$0x7]  }
0x83: {  	[tilespmem:s24], [sflag:$0x3] =	stream.linear.gather [hbm4b:s15+s3], $0x80, $0x38;
	[tilespmem:$0x19400] =	vst v63  }
0x84: {  	s16 =	rddreg [dreg:$0x8]  }
0x85: {  	[tilespmem:s25], [sflag:$0x3] =	stream.linear.gather [hbm4b:s16+s3], $0x80, $0x38;
	[tilespmem:$0x19400] =	vst v63  }
0x86: {  	s17 =	rddreg [dreg:$0x9]  }
0x87: {  	[tilespmem:s26], [sflag:$0x4] =	stream.linear.gather [hbm4b:s17+s3], $0x80, $0x38;
	[tilespmem:$0x19400] =	vst v63  }
0x88: {  	s18 =	rddreg [dreg:$0xa];
	s15 =	simm.s32 $0x380  }
0x89: {  	[tilespmem:s15], [sflag:$0x4] =	stream.linear.gather [hbm4b:s18+s3], $0x80, $0x38;
	[tilespmem:$0x19400] =	vst v63  }
0x8a: {  	_ =	swait.ge [sflag:s28], $0x80  }
0x8b: {  	[sflag:s28] =	ssyncset.done $0x0  }
0x8c: {  	[sflag:s28] =	ssyncadd.s32 $0xFFFFFF80  }
0x8d: {  	_ =	swait.ge [sflag:s28], $0x80  }
0x8e: {  	[sflag:s28] =	ssyncset.done $0x0  }
0x8f: {  	[sflag:s28] =	ssyncadd.s32 $0xFFFFFF80  }
0x90: {  	[tilespmem:s30], [sflag:$0x5] =	stream.indirect.gather [hbm4b:s4+s29], $0x80, s3, s29, $0xb8;
	[tilespmem:$0x19400] =	vst v63  }
.LBB2_6:
0x91: {  	_ =	swait.ge [sflag:s31], $0x80  }
0x92: {  	[sflag:s31] =	ssyncset.done $0x0  }
0x93: {  	[sflag:s31] =	ssyncadd.s32 $0xFFFFFF80  }
0x94: {  	_ =	swait.ge [sflag:s31], $0x80  }
0x95: {  	[sflag:s31] =	ssyncset.done $0x0  }
0x96: {  	[sflag:s31] =	ssyncadd.s32 $0xFFFFFF80  }
0x97: {  	[tilespmem:s0], [sflag:$0x6] =	stream.indirect.gather [hbm4b:s4+s29], $0x80, s22, s29, $0xb8;
	[tilespmem:$0x19400] =	vst v63  }
0x98: {  	s16 =	sadd.s32 $0xFFFFFE80, s15;
	_ =	swait.ge [sflag:s1], $0x2800  }
0x99: {  	s17 =	sand.u32 $0x7C00, s16;
	[sflag:s1] =	ssyncset.done $0x0  }
0x9a: {  	s16 =	sand.u32 $0x200, s16;
	s17 =	sadd.s32 s7, s17;
	[sflag:s1] =	ssyncadd.s32 $0xFFFFD800  }
0x9b: {  	[spmem:s2] =	stream.indirect.scatter.add.f32 [tilespmem:s30], [sflag:$0x8], $0x80, s21, s29, $0xb8;
	[tilespmem:$0x19400] =	vst v63  }
0x9c: {  	s16 =	sor.u32 s16, s17;
	_ =	swait.ge [sflag:s9], $0x2800  }
0x9d: {  	s16 =	sshrl.u32 s16, $0x3;
	[sflag:s9] =	ssyncset.done $0x0  }
0x9e: {  	s18 =	sadd.s32 s5, s16;
	[sflag:s9] =	ssyncadd.s32 $0xFFFFD800  }
0x9f: {  	[tilespmem:s3], [sflag:$0x1] =	stream.linear.gather [hbm4b:s18+s3], $0x80, $0x38;
	[tilespmem:$0x19400] =	vst v63  }
0xa0: {  	s16 =	sadd.s32 s6, s16  }
0xa1: {  	[tilespmem:s21], [sflag:$0x1] =	stream.linear.gather [hbm4b:s16+s3], $0x80, $0x38;
	[tilespmem:$0x19400] =	vst v63  }
0xa2: {  	_ =	swait.ge [sflag:s10], $0x80  }
0xa3: {  	[sflag:s10] =	ssyncset.done $0x0  }
0xa4: {  	[sflag:s10] =	ssyncadd.s32 $0xFFFFFF80  }
0xa5: {  	_ =	swait.ge [sflag:s10], $0x80  }
0xa6: {  	[sflag:s10] =	ssyncset.done $0x0  }
0xa7: {  	p0 =	seq.s32 s15, $0x3F80;
	[sflag:s10] =	ssyncadd.s32 $0xFFFFFF80  }
0xa8: {  	[tilespmem:s30], [sflag:$0x5] =	stream.indirect.gather [hbm4b:s4+s29], $0x80, s24, s29, $0xb8;
	[tilespmem:$0x19400] =	vst v63  }
0xa9: {  	s16 =	sadd.s32 @!p0 $0xFFFFFF00, s15;
	_ =	swait.ge [sflag:s11], $0x2800  }
0xaa: {  	s17 =	sand.u32 @!p0 $0x7C00, s16;
	[sflag:s11] =	ssyncset.done $0x0  }
0xab: {  	s16 =	sand.u32 @!p0 $0x280, s16;
	s17 =	sadd.s32 @!p0 s7, s17;
	[sflag:s11] =	ssyncadd.s32 $0xFFFFD800  }
0xac: {  	[spmem:s2] =	stream.indirect.scatter.add.f32 [tilespmem:s0], [sflag:$0x8], $0x80, s23, s29, $0xb8;
	[tilespmem:$0x19400] =	vst v63  }
0xad: {  	s16 =	sor.u32 @!p0 s16, s17;
	_ =	swait.ge [sflag:s9], $0x2800  }
0xae: {  	s14 =	simm.s32 @!p0 $0x100;
	s16 =	sshrl.u32 @!p0 s16, $0x3;
	[sflag:s9] =	ssyncset.done $0x0  }
0xaf: {  	s18 =	simm.s32 @!p0 $0x0;
	s17 =	sadd.s32 @!p0 s5, s16;
	[sflag:s9] =	ssyncadd.s32 $0xFFFFD800  }
0xb0: {  	[tilespmem:s14], [sflag:$0x2] =	stream.linear.gather @!p0 [hbm4b:s17+s18], $0x80, $0x38;
	[tilespmem:$0x19400] =	vst v63  }
0xb1: {  	s14 =	sadd.s32 @!p0 s6, s16;
	s16 =	simm.s32 @!p0 $0x180  }
0xb2: {  	[tilespmem:s16], [sflag:$0x2] =	stream.linear.gather @!p0 [hbm4b:s14+s18], $0x80, $0x38;
	[tilespmem:$0x19400] =	vst v63  }
0xb3: {  	_ =	swait.ge [sflag:s12], $0x80  }
0xb4: {  	[sflag:s12] =	ssyncset.done $0x0  }
0xb5: {  	[sflag:s12] =	ssyncadd.s32 $0xFFFFFF80  }
0xb6: {  	_ =	swait.ge [sflag:s12], $0x80  }
0xb7: {  	[sflag:s12] =	ssyncset.done $0x0  }
0xb8: {  	[sflag:s12] =	ssyncadd.s32 $0xFFFFFF80  }
0xb9: {  	[tilespmem:s0], [sflag:$0x6] =	stream.indirect.gather [hbm4b:s4+s29], $0x80, s26, s29, $0xb8;
	[tilespmem:$0x19400] =	vst v63  }
0xba: {  	s14 =	sadd.s32 @!p0 $0xFFFFFF80, s15;
	_ =	swait.ge [sflag:s1], $0x2800  }
0xbb: {  	s16 =	sand.u32 @!p0 $0x7C00, s14;
	[sflag:s1] =	ssyncset.done $0x0  }
0xbc: {  	s14 =	sand.u32 @!p0 $0x300, s14;
	s16 =	sadd.s32 @!p0 s7, s16;
	[sflag:s1] =	ssyncadd.s32 $0xFFFFD800  }
0xbd: {  	[spmem:s2] =	stream.indirect.scatter.add.f32 [tilespmem:s30], [sflag:$0x8], $0x80, s25, s29, $0xb8;
	[tilespmem:$0x19400] =	vst v63  }
0xbe: {  	s14 =	sor.u32 @!p0 s14, s16;
	_ =	swait.ge [sflag:s9], $0x2800  }
0xbf: {  	s14 =	sshrl.u32 @!p0 s14, $0x3;
	[sflag:s9] =	ssyncset.done $0x0  }
0xc0: {  	s17 =	simm.s32 @!p0 $0x200;
	s16 =	sadd.s32 @!p0 s5, s14;
	[sflag:s9] =	ssyncadd.s32 $0xFFFFD800  }
0xc1: {  	[tilespmem:s17], [sflag:$0x3] =	stream.linear.gather @!p0 [hbm4b:s16+s18], $0x80, $0x38;
	[tilespmem:$0x19400] =	vst v63  }
0xc2: {  	s14 =	sadd.s32 @!p0 s6, s14;
	s16 =	simm.s32 @!p0 $0x280  }
0xc3: {  	[tilespmem:s16], [sflag:$0x3] =	stream.linear.gather @!p0 [hbm4b:s14+s18], $0x80, $0x38;
	[tilespmem:$0x19400] =	vst v63  }
0xc4: {  	_ =	swait.ge [sflag:s28], $0x80  }
0xc5: {  	[sflag:s28] =	ssyncset.done $0x0  }
0xc6: {  	[sflag:s28] =	ssyncadd.s32 $0xFFFFFF80  }
0xc7: {  	_ =	swait.ge [sflag:s28], $0x80  }
0xc8: {  	[sflag:s28] =	ssyncset.done $0x0  }
0xc9: {  	[sflag:s28] =	ssyncadd.s32 $0xFFFFFF80  }
0xca: {  	[tilespmem:s30], [sflag:$0x5] =	stream.indirect.gather [hbm4b:s4+s29], $0x80, s3, s29, $0xb8;
	[tilespmem:$0x19400] =	vst v63  }
0xcb: {  	_ =	swait.ge [sflag:s11], $0x2800  }
0xcc: {  	[sflag:s11] =	ssyncset.done $0x0  }
.Ltmp4:
0xcd: {  	[sflag:s11] =	ssyncadd.s32 $0xFFFFD800;
	(pc) =	sbr.rel @p0 .LBB2_8-.Ltmp4, $4  }
0xce: {  	[spmem:s2] =	stream.indirect.scatter.add.f32 [tilespmem:s0], [sflag:$0x8], $0x80, s13, s29, $0xb8;
	[tilespmem:$0x19400] =	vst v63  }
0xcf: {  	_ =	swait.ge [sflag:s9], $0x2800  }
0xd0: {  	[sflag:s9] =	ssyncset.done $0x0  }
0xd1: {  	[sflag:s9] =	ssyncadd.s32 $0xFFFFD800  }
0xd2: {  	s14 =	sand.u32 $0x7C00, s15  }
0xd3: {  	s16 =	sand.u32 $0x380, s15;
	s14 =	sadd.s32 s7, s14  }
0xd4: {  	s14 =	sor.u32 s16, s14  }
.Ltmp5:
0xd5: {  	s14 =	sshrl.u32 s14, $0x3;
	(pc) =	sbr.rel .LBB2_6-.Ltmp5, $4  }
0xd6: {  	s18 =	sadd.s32 s5, s14  }
0xd7: {  	[tilespmem:s26], [sflag:$0x4] =	stream.linear.gather [hbm4b:s18+s3], $0x80, $0x38;
	[tilespmem:$0x19400] =	vst v63  }
0xd8: {  	s15 =	sadd.s32 $0x200, s15;
	s14 =	sadd.s32 s6, s14  }
0xd9: {  	[tilespmem:s13], [sflag:$0x4] =	stream.linear.gather [hbm4b:s14+s3], $0x80, $0x38;
	[tilespmem:$0x19400] =	vst v63  }
.LBB2_9:
0xda: {  	_ =	sfence.sel $0x180000  }
0xdb: {  	[bflag:$0x0] =	sbarrier.arrive $0xFFFF  }
0xdc: {  	_ =	strace $0x9000004D  }
0xdd: {  	s0 =	stileid.u32;
	[bflag:$0x2] =	sbarrier.arrive $0xFFFF  }
0xde: {  	p0 =	sne.s32 s0, $0x0;
	s0 =	rddreg [dreg:$0x2]  }
0xdf: {  	s0 =	sadd.s32 @!p0 $0x100000, s0  }
0xe0: {  	[sflag:s0] =	ssyncadd.tile.s32 @!p0 $0x1;
	_ =	shalt  }
.Lfunc_end2:
_tile_overlayer_lowered:
.L_overlay_start_2:
0xe1: {  	(tag) =	ssettag $0x2  }
0xe2: {  	s0 =	rddreg [dreg:$0x0];
	s2 =	stileid.u32  }
0xe3: {  	s1 =	rddreg [dreg:$0x1];
	p0 =	sne.s32 s2, $0x0  }
0xe4: {  	s3 =	rddreg [dreg:$0x2];
	[bflag:$0x3] =	sbarrier.arrive $0xFFFF;
	s2 =	simm.s32 @!p0 $0x1C08  }
0xe5: {  	[timem:s3], [sflag:s2] =	dma.local @!p0 [hbm:s0], s1  }
0xe6: {  	s0 =	simm.s32 @!p0 $0x8  }
0xe7: {  	_ =	swait.ge @!p0 [sflag:s0], s1  }
0xe8: {  	s1 =	ssub.s32 @!p0 $0x0, s1;
	[sflag:s0] =	ssyncset.done @!p0 $0x0  }
0xe9: {  	[sflag:s0] =	ssyncadd.s32 @!p0 s1  }
0xea: {  	[bflag:$0x3] =	sbarrier.arrive $0xFFFF  }
0xeb: {  	_ =	shalt  }

// kernel: kernel.9.cloned.1.call-start
scs
__scs_entry_jumppad:
0x0: {  	(pc) =	sbr.rel $0x88, $3  }
0x1: {  	(tag) =	ssettag $0x0;
	lr =	simm.s32 $0x1  }
0x2: {  	[smem:$0x3F99] =	sst lr;
	_ =	strace $0xD0000000  }
0x3: {  	_ = 	snop  }
0x4: {  	_ = 	snop  }
0x5: {  	_ = 	snop  }
0x6: {  	_ = 	snop  }
0x7: {  	_ = 	snop  }
__scs_overlays_trampoline_lowered:
0x8: {  	[smem:$0x3FA8] =	sst s0  }
0x9: {  	[smem:$0x3FA9] =	sst s1  }
0xa: {  	[smem:$0x3FAA] =	sst s2  }
0xb: {  	[smem:$0x3FAB] =	sst s3  }
0xc: {  	[smem:$0x3FAC] =	sst s4  }
0xd: {  	[smem:$0x3FAD] =	sst s5  }
0xe: {  	[smem:$0x3FAE] =	sst s6  }
0xf: {  	[smem:$0x3FAF] =	sst s7  }
0x10: {  	[smem:$0x3FB0] =	sst s8  }
0x11: {  	[smem:$0x3FB1] =	sst s9;
	s0 =	simm.s32 @!p0 $0x0  }
0x12: {  	s1 =	sld [smem:$0x3F97];
	s0 =	simm.s32 @p0 $0x1  }
0x13: {  	[smem:$0x3FB2] =	sst s0;
	s0 =	simm.s32 @!p1 $0x0  }
0x14: {  	s2 =	sld [smem:$0x3F96];
	s0 =	simm.s32 @p1 $0x1  }
0x15: {  	[smem:$0x3FB3] =	sst s0;
	s0 =	simm.s32 @!p2 $0x0  }
0x16: {  	s3 =	sld [smem:$0x3FDB];
	s0 =	simm.s32 @p2 $0x1  }
0x17: {  	s4 =	simm.s32 $0x1BF5;
	[smem:$0x3FB5] =	sst s0  }
0x18: {  	s0 =	sld [smem:$0x3F98];
	_ =	swait.ge [sflag:s4], $0x0  }
0x19: {  	s7 =	sld [smem:$0x3F99]  }
0x1a: {  	s8 =	sadd.s32 $0xFFFFE003, lr  }
0x1b: {  	s9 =	sadd.s32 $0xFFFFFEF7, lr;
	s5 =	simm.s32 $0xFFFFFFFF;
	p2 =	slt.u32 s8, $0xFFFFF086  }
0x1c: {  	p1 =	slt.u32 s9, $0xF7A;
	s5 =	simm.s32 @!p2 $0x0  }
0x1d: {  	s5 =	simm.s32 @p1 $0x1;
	p0 =	seq.s32 s7, s2  }
0x1e: {  	s7 =	smul.u32 @!p0 $0xF7A, s2;
	p2 =	seq.s32 @!p0 s5, $0x0  }
0x1f: {  	s9 =	smul.u32 $0xF7A, s1;
	s8 =	simm.s32 @!p0 $0x1BF5;
	p2 =	por !p2, p0  }
0x20: {  	[sflag:s8] =	ssyncset.s32 @!p0 $0xFFFFF086;
	s6 =	sadd.s32 @!p0 s3, s7;
	s7 =	simm.s32 @!p0 $0x108  }
0x21: {  	s3 =	sadd.s32 s3, s9;
	s6 =	sadd.s32 @!p0 $0x88, s6;
	s7 =	simm.s32 @p2 $0x1082  }
0x22: {  	[simem:s7], [sflag:s8] =	dma.local @!p0 [hbm:s6], $0xF7A  }
0x23: {  	s9 =	sor.u32 $0xD0000000, s2;
	s6 =	simm.s32 $0x108;
	_ =	swait.ge @!p0 [sflag:s8], $0x0  }
0x24: {  	s3 =	sadd.s32 $0x88, s3;
	s6 =	simm.s32 @!p1 $0x1082;
	[sflag:s4] =	ssyncset.s32 $0xFFFFF086  }
0x25: {  	[simem:s6], [sflag:s4] =	dma.local [hbm:s3], $0xF7A  }
0x26: {  	[smem:$0x3F99] =	sst s1;
	(tag) =	ssettag s2;
	_ =	strace s9  }
0x27: {  	s1 =	sld [smem:$0x3FA9]  }
0x28: {  	s2 =	sld [smem:$0x3FAA]  }
0x29: {  	s4 =	sld [smem:$0x3FAC]  }
0x2a: {  	p0 =	seq.s32 s5, $0x0;
	s5 =	sld [smem:$0x3FAD]  }
0x2b: {  	s6 =	sld [smem:$0x3FAE]  }
0x2c: {  	s7 =	sld [smem:$0x3FAF]  }
0x2d: {  	s3 =	simm.s32 $0x108;
	s8 =	sld [smem:$0x3FB0]  }
0x2e: {  	s3 =	simm.s32 @!p0 $0x1082;
	s9 =	sld [smem:$0x3FB1]  }
0x2f: {  	lr =	sadd.s32 s0, s3;
	s0 =	sld [smem:$0x3FA8]  }
0x30: {  	s3 =	sld [smem:$0x3FAB]  }
0x31: {  	[smem:$0x3FB4] =	sst s10  }
0x32: {  	s10 =	sld [smem:$0x3FB2];
	_ =	sdelay $0x3  }
0x33: {  	p0 =	seq.s32 s10, $0x1;
	s10 =	sld [smem:$0x3FB4];
	_ =	sdelay $0x3  }
0x34: {  	[smem:$0x3FB4] =	sst s10  }
0x35: {  	s10 =	sld [smem:$0x3FB3];
	_ =	sdelay $0x3  }
0x36: {  	p1 =	seq.s32 s10, $0x1;
	s10 =	sld [smem:$0x3FB4];
	_ =	sdelay $0x3  }
0x37: {  	[smem:$0x3FB4] =	sst s10  }
0x38: {  	s10 =	sld [smem:$0x3FB5]  }
0x39: {  	_ = 	snop;
	(pc) =	sbr.ind lr, $3  }
0x3a: {  	_ = 	snop  }
0x3b: {  	_ = 	snop  }
0x3c: {  	p2 =	seq.s32 s10, $0x1;
	s10 =	sld [smem:$0x3FB4]  }
0x3d: {  	_ =	shalt  }
0x3e: {  	_ =	shalt  }
0x3f: {  	_ =	shalt  }
0x40: {  	_ =	shalt  }
0x41: {  	_ =	shalt  }
0x42: {  	_ =	shalt  }
0x43: {  	_ =	shalt  }
0x44: {  	_ =	shalt  }
0x45: {  	_ =	shalt  }
0x46: {  	_ =	shalt  }
0x47: {  	_ =	shalt  }
0x48: {  	_ =	shalt  }
0x49: {  	_ =	shalt  }
0x4a: {  	_ =	shalt  }
0x4b: {  	_ =	shalt  }
0x4c: {  	_ =	shalt  }
0x4d: {  	_ =	shalt  }
0x4e: {  	_ =	shalt  }
0x4f: {  	_ =	shalt  }
0x50: {  	_ =	shalt  }
0x51: {  	_ =	shalt  }
0x52: {  	_ =	shalt  }
0x53: {  	_ =	shalt  }
0x54: {  	_ =	shalt  }
0x55: {  	_ =	shalt  }
0x56: {  	_ =	shalt  }
0x57: {  	_ =	shalt  }
0x58: {  	_ =	shalt  }
0x59: {  	_ =	shalt  }
0x5a: {  	_ =	shalt  }
0x5b: {  	_ =	shalt  }
0x5c: {  	_ =	shalt  }
0x5d: {  	_ =	shalt  }
0x5e: {  	_ =	shalt  }
0x5f: {  	_ =	shalt  }
0x60: {  	_ =	shalt  }
0x61: {  	_ =	shalt  }
0x62: {  	_ =	shalt  }
0x63: {  	_ =	shalt  }
0x64: {  	_ =	shalt  }
0x65: {  	_ =	shalt  }
0x66: {  	_ =	shalt  }
0x67: {  	_ =	shalt  }
0x68: {  	_ =	shalt  }
0x69: {  	_ =	shalt  }
0x6a: {  	_ =	shalt  }
0x6b: {  	_ =	shalt  }
0x6c: {  	_ =	shalt  }
0x6d: {  	_ =	shalt  }
0x6e: {  	_ =	shalt  }
0x6f: {  	_ =	shalt  }
0x70: {  	_ =	shalt  }
0x71: {  	_ =	shalt  }
0x72: {  	_ =	shalt  }
0x73: {  	_ =	shalt  }
0x74: {  	_ =	shalt  }
0x75: {  	_ =	shalt  }
0x76: {  	_ =	shalt  }
0x77: {  	_ =	shalt  }
0x78: {  	_ =	shalt  }
0x79: {  	_ =	shalt  }
0x7a: {  	_ =	shalt  }
0x7b: {  	_ =	shalt  }
0x7c: {  	_ =	shalt  }
0x7d: {  	_ =	shalt  }
0x7e: {  	_ =	shalt  }
0x7f: {  	_ =	shalt  }
0x80: {  	_ =	shalt  }
0x81: {  	_ =	shalt  }
0x82: {  	_ =	shalt  }
0x83: {  	_ =	shalt  }
0x84: {  	_ =	shalt  }
0x85: {  	_ =	shalt  }
0x86: {  	_ =	shalt  }
0x87: {  	_ =	shalt  }
.Lfunc_end0:
.L_simem_size_0:
called_computation_lowered:
.L_overlay_start_0:
0x88: {  	s2 =	sld [smem:$0x3FD9]  }
0x89: {  	s3 =	sld [smem:$0x3FFE];
	_ =	sdelay $0x1  }
0x8a: {  	s1 =	srdreg.scid  }
0x8b: {  	s0 =	sand.u32 $0x1, s1  }
0x8c: {  	s16 =	sshll.u32 s0, $0xA;
	s2 =	sadd.s32 s3, s2  }
0x8d: {  	s2 =	sadd.s32 s2, s16  }
0x8e: {  	[smem:$0x3FC0] =	sst s2  }
0x8f: {  	_ = 	snop  }
0x90: {  	(tm) =	ssettm $0x1  }
0x91: {  	s17 =	sld [smem:$0x3FFB];
	_ =	sdelay $0x3  }
0x92: {  	_ =	strace s17  }
0x93: {  	s2 =	sld [smem:$0x3FFC];
	_ =	sdelay $0x3  }
0x94: {  	_ =	strace s2  }
0x95: {  	s2 =	sld [smem:$0x3FFD];
	_ =	sdelay $0x3  }
0x96: {  	_ =	strace s2  }
0x97: {  	_ =	strace $0x8FFFFFFF  }
0x98: {  	s18 =	sld [smem:$0x3FDB];
	_ =	sdelay $0x1  }
0x99: {  	s19 =	simm.s32 $_scs_section_size  }
0x9a: {  	s4 =	simm.s32 $_size__tile_overlayer_lowered;
	s5 =	simm.s32 $_tile_overlayer_lowered  }
0x9b: {  	s22 =	simm.s32 $0x1BFF;
	s21 =	sshll.u32 s5, $0x1;
	s2 =	sadd.s32 s19, s18  }
0x9c: {  	s6 =	simm.s32 $0x0;
	s20 =	sshll.u32 s4, $0x1;
	s4 =	sadd.s32 s21, s2  }
0x9d: {  	[timem:s6], [sflag:s22] =	dma.local [hbm:s4], s20  }
0x9e: {  	_ =	swait.ge [sflag:s22], s20  }
0x9f: {  	s3 =	ssub.s32 $0x0, s20;
	[sflag:s22] =	ssyncset.done $0x0  }
0xa0: {  	[sflag:s22] =	ssyncadd.s32 s3;
	_ =	sdelay $0x1  }
0xa1: {  	s23 =	simm.s32 $0x1B8B  }
0xa2: {  	_ =	swait.ge [sflag:s23], $0x1  }
0xa3: {  	[sflag:s23] =	ssyncset.done $0x0  }
0xa4: {  	s25 =	simm.s32 $0x1B8E;
	s24 =	sld [smem:$0x3FFE];
	[sflag:s23] =	ssyncadd.s32 $0xFFFFFFFF  }
0xa5: {  	s26 =	simm.s32 $execute0_lowered;
	[smem:$0x3FD2] =	sst s25  }
0xa6: {  	s4 =	sshll.u32 s26, $0x1;
	_ =	strace $0x80000046;
	[dreg:$0x1] =	wrdreg $0xFFFFFFFF  }
0xa7: {  	s28 =	simm.s32 $_size_execute0_lowered;
	s2 =	sadd.s32 s2, s4;
	[dreg:$0x0] =	wrdreg $0x0  }
0xa8: {  	s4 =	sshll.u32 s28, $0x1;
	[dreg:$0x2] =	wrdreg s2  }
0xa9: {  	[dreg:$0x3] =	wrdreg s4  }
0xaa: {  	[dreg:$0x4] =	wrdreg $0xC0  }
0xab: {  	_ =	task [dreg:s6], $0x5FFFF  }
0xac: {  	[dreg:$0x1] =	wrdreg $0xFFFFFFFF  }
0xad: {  	[dreg:$0x0] =	wrdreg $0x60  }
0xae: {  	[dreg:$0x2] =	wrdreg s24  }
0xaf: {  	[dreg:$0x3] =	wrdreg $0x2E000  }
0xb0: {  	[dreg:$0x4] =	wrdreg $0x9  }
0xb1: {  	_ =	task.clear_ibuf [dreg:s6], $0x5FFFF;
	_ =	strace $0x90000046  }
0xb2: {  	s29 =	simm.s32 $0x9;
	_ =	strace $0x80000048  }
0xb3: {  	_ =	swait.ge [sflag:s29], $0x1  }
0xb4: {  	[sflag:s29] =	ssyncadd.s32 $0xFFFFFFFF  }
0xb5: {  	_ =	strace $0x90000048  }
0xb6: {  	_ =	sfence  }
0xb7: {  	s30 =	sld [smem:$0x0];
	_ =	sdelay $0x2  }
0xb8: {  	s31 =	sshll.u32 s1, $0xD;
	s1 =	sshrl.u32 s1, $0x2  }
0xb9: {  	s3 =	sand.u32 $0x4000, s31;
	s1 =	sadd.s32 s1, s30  }
0xba: {  	s0 =	sor.u32 s3, s0;
	s1 =	sshll.u32 s1, $0x11  }
0xbb: {  	s0 =	sor.u32 s1, s0  }
0xbc: {  	s0 =	sadd.s32 $0x8F2B, s0  }
0xbd: {  	[sflag:s0] =	ssyncadd.remote.s32 $0x1  }
0xbe: {  	_ =	sfence.sel $0xFFFF  }
0xbf: {  	[dreg:$0x0] =	wrdreg $0xFFFFFFFF;
	(pc) =	sbr.abs _section_cstart, $3  }
0xc0: {  	[dreg:$0x1] =	wrdreg $0xFFFFFFFF  }
0xc1: {  	_ =	task.clear_ibuf [dreg:s6], $0x2FFFF;
	_ =	strace $0x9FFFFFFF  }
0xc2: {  	(tm) =	ssettm $0x7FFFFFFF  }
0xc3: {  	_ =	shalt  }
tec
execute0_lowered:
.L_overlay_start_1:
0x0: {  	(tag) =	ssettag $0x1  }
0x1: {  	s0 =	rddreg [dreg:$0x0]  }
0x2: {  	s1 =	rddreg [dreg:$0x1];
	s2 =	srdreg.scid  }
0x3: {  	s3 =	simm.s32 $0x0;
	s10 =	stileid.u32;
	s17 =	simm.s32 $0x2A00  }
0x4: {  	s18 =	simm.s32 $0x6;
	s19 =	simm.s32 $0x80;
	s28 =	simm.s32 $0x5  }
0x5: {  	s29 =	simm.s32 $0x4;
	s30 =	simm.s32 $0x7;
	s6 =	smul.u32 $0x14000, s10  }
0x6: {  	s31 =	simm.s32 $0x0;
	s2 =	sand.u32 $0x1, s2;
	s9 =	smul.u32 $0x50000, s10  }
0x7: {  	[smem:$0x7FF] =	sst s3;
	s4 =	sadd.s32 $0x2000, s0;
	s24 =	smul.u32 $0x2710, s10  }
0x8: {  	s5 =	smul.u32 $0x140000, s2;
	s7 =	sshll.u32 s2, $0x4;
	_ =	strace $0x80000047  }
0x9: {  	s20 =	ssub.s32 $0x2, s2;
	s2 =	smul.u32 $0x27100, s2;
	s7 =	sor.u32 s10, s7  }
0xa: {  	s8 =	sshrl.u32 s20, $0x1;
	s22 =	sshrl.u32 s9, $0x2;
	s5 =	sadd.s32 s6, s5  }
0xb: {  	s7 =	smul.u32 $0x2710, s7;
	s12 =	ssub.s32 s20, s8;
	s6 =	sadd.s32 s22, s1  }
0xc: {  	s26 =	sadd.s32 s24, s2;
	s20 =	simm.s32 $0x1;
	s22 =	simm.s32 $0x200  }
0xd: {  	s24 =	simm.s32 $0x2;
	s5 =	sshrl.u32 s5, $0x3;
	s12 =	smax.u32 s12, $0x1  }
0xe: {  	s2 =	sadd.s32 $0x230, s26;
	s13 =	sadd.s32 $0x190, s26;
	s16 =	sadd.s32 $0x140, s26  }
0xf: {  	s0 =	sadd.s32 s5, s0;
	s21 =	sshrl.u32 s7, $0x3;
	s7 =	sadd.s32 $0x1E0, s26  }
0x10: {  	s2 =	sshrl.u32 s2, $0x3;
	s15 =	sshrl.u32 s13, $0x3;
	s26 =	simm.s32 $0x3  }
0x11: {  	s5 =	sadd.s32 s4, s21;
	s11 =	sadd.s32 $0xBE00, s0;
	s7 =	sshrl.u32 s7, $0x3  }
0x12: {  	s13 =	sadd.s32 s2, s4;
	s15 =	sadd.s32 s15, s4;
	s21 =	simm.s32 $0x50  }
0x13: {  	s23 =	sadd.s32 $0xA, s5;
	s25 =	sadd.s32 $0x14, s5;
	s9 =	sadd.s32 $0x1E, s5  }
0x14: {  	s10 =	sadd.s32 $0x4D8, s5;
	s14 =	sadd.s32 s7, s4;
	[dreg:$0x3] =	wrdreg s23  }
0x15: {  	v0 =	vimm.f32 $1.000000000e+00;
	v1 =	vimm.f32 $0.0e+00;
	[dreg:$0x4] =	wrdreg s25;
	s23 =	simm.s32 $0x100;
	s25 =	simm.s32 $0x180  }
.LBB2_1:
0x16: {  	s0 =	simm.s32 $0x70;
	s2 =	simm.s32 $0x3C0  }
.LBB2_2:
0x17: {  	p0 =	sne.s32 s2, $0x9FC0;
	[tilespmem:s0+$0x200] =	vst v0  }
0x18: {  	[tilespmem:s0+$0x190] =	vst v0  }
0x19: {  	[tilespmem:s0+$0x1A0] =	vst v0  }
.Ltmp0:
0x1a: {  	[tilespmem:s0+$0x1B0] =	vst v0;
	(pc) =	sbr.rel @p0 .LBB2_2-.Ltmp0, $4  }
0x1b: {  	[tilespmem:s0+$0x1C0] =	vst v0  }
0x1c: {  	[tilespmem:s0+$0x1D0] =	vst v0  }
0x1d: {  	[tilespmem:s0+$0x1E0] =	vst v0  }
0x1e: {  	[tilespmem:s0+$0x1F0] =	vst v0;
	s0 =	sshra.s32 s2, $0x2;
	s2 =	sadd.s32 $0x200, s2  }
0x1f: {  	[tilespmem:s0+$0x200] =	vst v0  }
0x20: {  	[tilespmem:s0+$0x190] =	vst v0  }
0x21: {  	[tilespmem:s0+$0x1A0] =	vst v0  }
0x22: {  	[tilespmem:s0+$0x1B0] =	vst v0  }
0x23: {  	[tilespmem:s0+$0x1C0] =	vst v0  }
0x24: {  	[tilespmem:s0+$0x1D0] =	vst v0  }
0x25: {  	[tilespmem:s0+$0x1E0] =	vst v0  }
0x26: {  	[tilespmem:s0+$0x1F0] =	vst v0  }
0x27: {  	[tilespmem:$0x2A00] =	vst v1  }
0x28: {  	[tilespmem:$0x2A10] =	vst v1  }
0x29: {  	[tilespmem:$0x2A20] =	vst v1  }
0x2a: {  	[tilespmem:$0x2A30] =	vst v1  }
0x2b: {  	[tilespmem:$0x2A40] =	vst v1  }
0x2c: {  	[tilespmem:$0x2A50] =	vst v1  }
0x2d: {  	[tilespmem:$0x2A60] =	vst v1  }
0x2e: {  	[tilespmem:$0x2A70] =	vst v1  }
0x2f: {  	[tilespmem:$0x2A80] =	vst v1  }
0x30: {  	[tilespmem:$0x2A90] =	vst v1  }
0x31: {  	[tilespmem:$0x2AA0] =	vst v1  }
0x32: {  	[tilespmem:$0x2AB0] =	vst v1  }
0x33: {  	[tilespmem:$0x2AC0] =	vst v1  }
0x34: {  	[tilespmem:$0x2AD0] =	vst v1  }
0x35: {  	[tilespmem:$0x2AE0] =	vst v1  }
0x36: {  	[tilespmem:$0x2AF0] =	vst v1  }
0x37: {  	[tilespmem:$0x2B00] =	vst v1  }
0x38: {  	[tilespmem:$0x2B10] =	vst v1  }
0x39: {  	[tilespmem:$0x2B20] =	vst v1  }
0x3a: {  	[tilespmem:$0x2B30] =	vst v1  }
0x3b: {  	[tilespmem:$0x2B40] =	vst v1  }
0x3c: {  	[tilespmem:$0x2B50] =	vst v1  }
0x3d: {  	[tilespmem:$0x2B60] =	vst v1  }
0x3e: {  	[tilespmem:$0x2B70] =	vst v1  }
0x3f: {  	[tilespmem:$0x2B80] =	vst v1  }
0x40: {  	[tilespmem:$0x2B90] =	vst v1  }
0x41: {  	[tilespmem:$0x2BA0] =	vst v1  }
0x42: {  	[tilespmem:$0x2BB0] =	vst v1  }
0x43: {  	[tilespmem:$0x2BC0] =	vst v1  }
0x44: {  	[tilespmem:$0x2BD0] =	vst v1  }
0x45: {  	[tilespmem:$0x2BE0] =	vst v1  }
0x46: {  	[tilespmem:$0x2BF0] =	vst v1  }
0x47: {  	[tilespmem:$0x2C00] =	vst v1  }
0x48: {  	[tilespmem:$0x2C10] =	vst v1  }
0x49: {  	[tilespmem:$0x2C20] =	vst v1  }
0x4a: {  	[tilespmem:$0x2C30] =	vst v1  }
0x4b: {  	[tilespmem:$0x2C40] =	vst v1  }
0x4c: {  	[tilespmem:$0x2C50] =	vst v1  }
0x4d: {  	[tilespmem:$0x2C60] =	vst v1  }
0x4e: {  	[tilespmem:$0x2C70] =	vst v1  }
0x4f: {  	[tilespmem:$0x2C80] =	vst v1  }
0x50: {  	[tilespmem:$0x2C90] =	vst v1  }
0x51: {  	[tilespmem:$0x2CA0] =	vst v1  }
0x52: {  	[tilespmem:$0x2CB0] =	vst v1  }
0x53: {  	[tilespmem:$0x2CC0] =	vst v1  }
0x54: {  	[tilespmem:$0x2CD0] =	vst v1  }
0x55: {  	[tilespmem:$0x2CE0] =	vst v1  }
0x56: {  	[tilespmem:$0x2CF0] =	vst v1  }
0x57: {  	[tilespmem:$0x2D00] =	vst v1  }
0x58: {  	[tilespmem:$0x2D10] =	vst v1  }
0x59: {  	[tilespmem:$0x2D20] =	vst v1  }
0x5a: {  	[tilespmem:$0x2D30] =	vst v1  }
0x5b: {  	[tilespmem:$0x2D40] =	vst v1  }
0x5c: {  	[tilespmem:$0x2D50] =	vst v1  }
0x5d: {  	[tilespmem:$0x2D60] =	vst v1  }
0x5e: {  	[tilespmem:$0x2D70] =	vst v1  }
0x5f: {  	[tilespmem:$0x2D80] =	vst v1  }
0x60: {  	[tilespmem:$0x2D90] =	vst v1  }
0x61: {  	[tilespmem:$0x2DA0] =	vst v1  }
0x62: {  	[tilespmem:$0x2DB0] =	vst v1  }
0x63: {  	[tilespmem:$0x2DC0] =	vst v1  }
0x64: {  	[tilespmem:$0x2DD0] =	vst v1  }
0x65: {  	[tilespmem:$0x2DE0] =	vst v1  }
0x66: {  	s0 =	simm.s32 $0x0;
	[tilespmem:$0x2DF0] =	vst v1  }
.LBB2_4:
0x67: {  	p0 =	sne.s32 s0, $0x4F000  }
.Ltmp1:
0x68: {  	_ = 	snop;
	(pc) =	sbr.rel @p0 .LBB2_4-.Ltmp1, $4  }
0x69: {  	_ = 	snop  }
0x6a: {  	s2 =	sshra.s32 s0, $0x2  }
0x6b: {  	s0 =	sadd.s32 $0x1000, s0;
	s2 =	sadd.s32 s2, s6  }
0x6c: {  	[spmem:s2] =	stream.linear.scatter [tilespmem:s17], [sflag:$0x6], $0x400, $0x38;
	[tilespmem:$0x16E00] =	vst v63  }
0x6d: {  	_ =	swait.ge [sflag:s18], $0x400  }
0x6e: {  	s0 =	simm.s32 $0x4F;
	[sflag:s18] =	ssyncset.done $0x0  }
.LBB2_6:
0x6f: {  	p0 =	sne.s32 s0, $0x1;
	s0 =	sadd.s32 $0xFFFFFFFF, s0;
	[sflag:s18] =	ssyncadd.s32 $0xFFFFFC00  }
.Ltmp2:
0x70: {  	(pc) =	sbr.rel @p0 .LBB2_6-.Ltmp2, $3  }
0x71: {  	_ =	sdelay $0x1  }
0x72: {  	_ =	swait.ge [sflag:s18], $0x400  }
0x73: {  	[sflag:s18] =	ssyncset.done $0x0  }
0x74: {  	[sflag:s18] =	ssyncadd.s32 $0xFFFFFC00  }
0x75: {  	s0 =	simm.s32 $0x0;
	[bflag:$0x0] =	sbarrier.arrive $0xFFFF  }
0x76: {  	[tilespmem:s0], [sflag:$0x1] =	stream.linear.gather [hbm4b:s5+s0], $0x50, $0x38;
	[tilespmem:$0x16E00] =	vst v63  }
0x77: {  	s2 =	rddreg [dreg:$0x3]  }
0x78: {  	[tilespmem:s19], [sflag:$0x2] =	stream.linear.gather [hbm4b:s2+s0], $0x50, $0x38;
	[tilespmem:$0x16E00] =	vst v63  }
0x79: {  	_ =	swait.ge [sflag:s20], $0x50  }
0x7a: {  	[sflag:s20] =	ssyncset.done $0x0  }
0x7b: {  	[sflag:s20] =	ssyncadd.s32 $0xFFFFFFB0  }
0x7c: {  	[spmem:s1] =	stream.indirect.scatter.add.f32 [tilespmem:s22], [sflag:$0x5], $0x80, s0, s21, $0xb8;
	[tilespmem:$0x16E00] =	vst v63  }
0x7d: {  	s8 =	rddreg [dreg:$0x4]  }
0x7e: {  	[tilespmem:s23], [sflag:$0x3] =	stream.linear.gather [hbm4b:s8+s0], $0x50, $0x38;
	[tilespmem:$0x16E00] =	vst v63  }
0x7f: {  	_ =	swait.ge [sflag:s24], $0x50  }
0x80: {  	[sflag:s24] =	ssyncset.done $0x0  }
0x81: {  	[sflag:s24] =	ssyncadd.s32 $0xFFFFFFB0  }
0x82: {  	[spmem:s1] =	stream.indirect.scatter.add.f32 [tilespmem:s22], [sflag:$0x5], $0x80, s19, s21, $0xb8;
	[tilespmem:$0x16E00] =	vst v63  }
0x83: {  	_ = 	snop  }
0x84: {  	[tilespmem:s25], [sflag:$0x4] =	stream.linear.gather [hbm4b:s9+s0], $0x50, $0x38;
	[tilespmem:$0x16E00] =	vst v63  }
0x85: {  	_ =	swait.ge [sflag:s26], $0x50  }
0x86: {  	[sflag:s26] =	ssyncset.done $0x0  }
0x87: {  	[sflag:s26] =	ssyncadd.s32 $0xFFFFFFB0  }
0x88: {  	[spmem:s1] =	stream.indirect.scatter.add.f32 [tilespmem:s22], [sflag:$0x5], $0x80, s23, s21, $0xb8;
	[tilespmem:$0x16E00] =	vst v63  }
0x89: {  	_ =	swait.ge [sflag:s28], $0x2800  }
0x8a: {  	s2 =	sshrl.u32 s16, $0x3;
	[sflag:s28] =	ssyncset.done $0x0  }
0x8b: {  	s0 =	sadd.s32 s4, s2;
	[sflag:s28] =	ssyncadd.s32 $0xFFFFD800  }
0x8c: {  	[tilespmem:s3], [sflag:$0x1] =	stream.linear.gather [hbm4b:s0+s3], $0x50, $0x38;
	[tilespmem:$0x16E00] =	vst v63  }
0x8d: {  	_ =	swait.ge [sflag:s29], $0x50  }
0x8e: {  	[sflag:s29] =	ssyncset.done $0x0  }
0x8f: {  	[sflag:s29] =	ssyncadd.s32 $0xFFFFFFB0  }
0x90: {  	[spmem:s1] =	stream.indirect.scatter.add.f32 [tilespmem:s22], [sflag:$0x5], $0x80, s25, s21, $0xb8;
	[tilespmem:$0x16E00] =	vst v63  }
0x91: {  	_ =	swait.ge [sflag:s28], $0x2800  }
0x92: {  	[sflag:s28] =	ssyncset.done $0x0  }
0x93: {  	s7 =	sadd.s32 $0x0, s15;
	[sflag:s28] =	ssyncadd.s32 $0xFFFFD800  }
0x94: {  	[tilespmem:s19], [sflag:$0x2] =	stream.linear.gather [hbm4b:s7+s3], $0x50, $0x38;
	[tilespmem:$0x16E00] =	vst v63  }
0x95: {  	_ =	swait.ge [sflag:s20], $0x50  }
0x96: {  	[sflag:s20] =	ssyncset.done $0x0  }
0x97: {  	[sflag:s20] =	ssyncadd.s32 $0xFFFFFFB0  }
0x98: {  	[spmem:s1] =	stream.indirect.scatter.add.f32 [tilespmem:s22], [sflag:$0x5], $0x80, s3, s21, $0xb8;
	[tilespmem:$0x16E00] =	vst v63  }
0x99: {  	_ =	swait.ge [sflag:s28], $0x2800  }
0x9a: {  	[sflag:s28] =	ssyncset.done $0x0  }
0x9b: {  	s8 =	sadd.s32 $0x0, s14;
	[sflag:s28] =	ssyncadd.s32 $0xFFFFD800  }
0x9c: {  	[tilespmem:s23], [sflag:$0x3] =	stream.linear.gather [hbm4b:s8+s3], $0x50, $0x38;
	[tilespmem:$0x16E00] =	vst v63  }
0x9d: {  	_ =	swait.ge [sflag:s24], $0x50  }
0x9e: {  	[sflag:s24] =	ssyncset.done $0x0  }
0x9f: {  	[sflag:s24] =	ssyncadd.s32 $0xFFFFFFB0  }
0xa0: {  	[spmem:s1] =	stream.indirect.scatter.add.f32 [tilespmem:s22], [sflag:$0x5], $0x80, s19, s21, $0xb8;
	[tilespmem:$0x16E00] =	vst v63  }
0xa1: {  	_ =	swait.ge [sflag:s28], $0x2800  }
0xa2: {  	s2 =	sadd.s32 $0x140, s16;
	[sflag:s28] =	ssyncset.done $0x0  }
0xa3: {  	s0 =	simm.s32 $0x28;
	s7 =	sadd.s32 $0x0, s13;
	[sflag:s28] =	ssyncadd.s32 $0xFFFFD800  }
.LBB2_8:
0xa4: {  	[tilespmem:s25], [sflag:$0x4] =	stream.linear.gather [hbm4b:s7+s3], $0x50, $0x38;
	[tilespmem:$0x16E00] =	vst v63  }
0xa5: {  	s7 =	smov.u32 s0  }
0xa6: {  	p0 =	sne.s32 s0, $0x488;
	s0 =	sadd.s32 $0x28, s0;
	_ =	swait.ge [sflag:s26], $0x50  }
0xa7: {  	[sflag:s26] =	ssyncset.done $0x0  }
0xa8: {  	[sflag:s26] =	ssyncadd.s32 $0xFFFFFFB0  }
0xa9: {  	[spmem:s1] =	stream.indirect.scatter.add.f32 [tilespmem:s22], [sflag:$0x5], $0x80, s23, s21, $0xb8;
	[tilespmem:$0x16E00] =	vst v63  }
0xaa: {  	_ =	swait.ge [sflag:s28], $0x2800  }
0xab: {  	s8 =	sshrl.u32 s2, $0x3;
	[sflag:s28] =	ssyncset.done $0x0  }
0xac: {  	s8 =	sadd.s32 s4, s8;
	[sflag:s28] =	ssyncadd.s32 $0xFFFFD800  }
0xad: {  	[tilespmem:s3], [sflag:$0x1] =	stream.linear.gather [hbm4b:s8+s3], $0x50, $0x38;
	[tilespmem:$0x16E00] =	vst v63  }
0xae: {  	_ =	swait.ge [sflag:s29], $0x50  }
0xaf: {  	[sflag:s29] =	ssyncset.done $0x0  }
0xb0: {  	[sflag:s29] =	ssyncadd.s32 $0xFFFFFFB0  }
0xb1: {  	[spmem:s1] =	stream.indirect.scatter.add.f32 [tilespmem:s22], [sflag:$0x5], $0x80, s25, s21, $0xb8;
	[tilespmem:$0x16E00] =	vst v63  }
0xb2: {  	_ =	swait.ge [sflag:s28], $0x2800  }
0xb3: {  	[sflag:s28] =	ssyncset.done $0x0  }
0xb4: {  	s8 =	sadd.s32 s7, s15;
	[sflag:s28] =	ssyncadd.s32 $0xFFFFD800  }
0xb5: {  	[tilespmem:s19], [sflag:$0x2] =	stream.linear.gather [hbm4b:s8+s3], $0x50, $0x38;
	[tilespmem:$0x16E00] =	vst v63  }
0xb6: {  	_ =	swait.ge [sflag:s20], $0x50  }
0xb7: {  	[sflag:s20] =	ssyncset.done $0x0  }
0xb8: {  	[sflag:s20] =	ssyncadd.s32 $0xFFFFFFB0  }
0xb9: {  	[spmem:s1] =	stream.indirect.scatter.add.f32 [tilespmem:s22], [sflag:$0x5], $0x80, s3, s21, $0xb8;
	[tilespmem:$0x16E00] =	vst v63  }
0xba: {  	_ =	swait.ge [sflag:s28], $0x2800  }
0xbb: {  	[sflag:s28] =	ssyncset.done $0x0  }
0xbc: {  	s8 =	sadd.s32 s7, s14;
	[sflag:s28] =	ssyncadd.s32 $0xFFFFD800  }
0xbd: {  	[tilespmem:s23], [sflag:$0x3] =	stream.linear.gather [hbm4b:s8+s3], $0x50, $0x38;
	[tilespmem:$0x16E00] =	vst v63  }
0xbe: {  	_ =	swait.ge [sflag:s24], $0x50  }
0xbf: {  	[sflag:s24] =	ssyncset.done $0x0  }
.Ltmp3:
0xc0: {  	[sflag:s24] =	ssyncadd.s32 $0xFFFFFFB0;
	(pc) =	sbr.rel @p0 .LBB2_8-.Ltmp3, $4  }
0xc1: {  	[spmem:s1] =	stream.indirect.scatter.add.f32 [tilespmem:s22], [sflag:$0x5], $0x80, s19, s21, $0xb8;
	[tilespmem:$0x16E00] =	vst v63  }
0xc2: {  	_ =	swait.ge [sflag:s28], $0x2800  }
0xc3: {  	[sflag:s28] =	ssyncset.done $0x0  }
0xc4: {  	s2 =	sadd.s32 $0x140, s2;
	s7 =	sadd.s32 s7, s13;
	[sflag:s28] =	ssyncadd.s32 $0xFFFFD800  }
0xc5: {  	[tilespmem:s25], [sflag:$0x4] =	stream.linear.gather [hbm4b:s7+s3], $0x50, $0x38;
	[tilespmem:$0x16E00] =	vst v63  }
0xc6: {  	_ =	swait.ge [sflag:s26], $0x50  }
0xc7: {  	[sflag:s26] =	ssyncset.done $0x0  }
0xc8: {  	[sflag:s26] =	ssyncadd.s32 $0xFFFFFFB0  }
0xc9: {  	[spmem:s1] =	stream.indirect.scatter.add.f32 [tilespmem:s22], [sflag:$0x5], $0x80, s23, s21, $0xb8;
	[tilespmem:$0x16E00] =	vst v63  }
0xca: {  	_ =	swait.ge [sflag:s28], $0x2800  }
0xcb: {  	[sflag:s28] =	ssyncset.done $0x0  }
0xcc: {  	[sflag:s28] =	ssyncadd.s32 $0xFFFFD800  }
0xcd: {  	[tilespmem:s3], [sflag:$0x1] =	stream.linear.gather [hbm4b:s10+s3], $0x50, $0x38;
	[tilespmem:$0x16E00] =	vst v63  }
0xce: {  	_ =	swait.ge [sflag:s29], $0x50  }
0xcf: {  	[sflag:s29] =	ssyncset.done $0x0  }
0xd0: {  	[sflag:s29] =	ssyncadd.s32 $0xFFFFFFB0  }
0xd1: {  	[spmem:s1] =	stream.indirect.scatter.add.f32 [tilespmem:s22], [sflag:$0x5], $0x80, s25, s21, $0xb8;
	[tilespmem:$0x16E00] =	vst v63  }
0xd2: {  	_ =	swait.ge [sflag:s28], $0x2800  }
0xd3: {  	[sflag:s28] =	ssyncset.done $0x0  }
0xd4: {  	[sflag:s28] =	ssyncadd.s32 $0xFFFFD800  }
0xd5: {  	_ =	swait.ge [sflag:s20], $0x50  }
0xd6: {  	[sflag:s20] =	ssyncset.done $0x0  }
0xd7: {  	[sflag:s20] =	ssyncadd.s32 $0xFFFFFFB0  }
0xd8: {  	[spmem:s1] =	stream.indirect.scatter.add.f32 [tilespmem:s22], [sflag:$0x5], $0x80, s3, s21, $0xb8;
	[tilespmem:$0x16E00] =	vst v63  }
0xd9: {  	_ =	swait.ge [sflag:s28], $0x2800  }
0xda: {  	[sflag:s28] =	ssyncset.done $0x0  }
0xdb: {  	[sflag:s28] =	ssyncadd.s32 $0xFFFFD800  }
0xdc: {  	_ =	swait.ge [sflag:s28], $0x2800  }
0xdd: {  	[sflag:s28] =	ssyncset.done $0x0  }
0xde: {  	[sflag:s28] =	ssyncadd.s32 $0xFFFFD800  }
0xdf: {  	s0 =	stileid.u32;
	_ =	swait.ge [sflag:s28], $0x2800  }
0xe0: {  	s2 =	sshrl.u32 s6, $0x3;
	s31 =	sadd.s32 $0x1, s31;
	[sflag:s28] =	ssyncset.done $0x0  }
0xe1: {  	s0 =	sshll.u32 s0, $0x6;
	p0 =	sne.s32 s31, s12;
	[sflag:s28] =	ssyncadd.s32 $0xFFFFD800  }
.Ltmp4:
0xe2: {  	s0 =	sor.u32 $0x1C07, s0;
	[bflag:$0x0] =	sbarrier.arrive $0xFFFF;
	(pc) =	sbr.rel @p0 .LBB2_1-.Ltmp4, $4  }
0xe3: {  	[hbm:s11], [sflag:s0] =	dma.local [spmem:s2], $0x2800  }
0xe4: {  	_ =	swait.ge [sflag:s30], $0x2800  }
0xe5: {  	[sflag:s30] =	ssyncset.done $0x0  }
0xe6: {  	[sflag:s30] =	ssyncadd.s32 $0xFFFFD800  }
0xe7: {  	_ =	sfence.sel $0x180000  }
0xe8: {  	[bflag:$0x0] =	sbarrier.arrive $0xFFFF  }
0xe9: {  	_ =	strace $0x90000047  }
0xea: {  	s0 =	stileid.u32;
	[bflag:$0x2] =	sbarrier.arrive $0xFFFF  }
0xeb: {  	p0 =	sne.s32 s0, $0x0;
	s0 =	rddreg [dreg:$0x2]  }
0xec: {  	s0 =	sadd.s32 @!p0 $0x100000, s0  }
0xed: {  	[sflag:s0] =	ssyncadd.tile.s32 @!p0 $0x1;
	_ =	shalt  }
.Lfunc_end2:
_tile_overlayer_lowered:
.L_overlay_start_2:
0xee: {  	(tag) =	ssettag $0x2  }
0xef: {  	s0 =	rddreg [dreg:$0x0];
	s2 =	stileid.u32  }
0xf0: {  	s1 =	rddreg [dreg:$0x1];
	p0 =	sne.s32 s2, $0x0  }
0xf1: {  	s3 =	rddreg [dreg:$0x2];
	[bflag:$0x3] =	sbarrier.arrive $0xFFFF;
	s2 =	simm.s32 @!p0 $0x1C07  }
0xf2: {  	[timem:s3], [sflag:s2] =	dma.local @!p0 [hbm:s0], s1  }
0xf3: {  	s0 =	simm.s32 @!p0 $0x7  }
0xf4: {  	_ =	swait.ge @!p0 [sflag:s0], s1  }
0xf5: {  	s1 =	ssub.s32 @!p0 $0x0, s1;
	[sflag:s0] =	ssyncset.done @!p0 $0x0  }
0xf6: {  	[sflag:s0] =	ssyncadd.s32 @!p0 s1  }
0xf7: {  	[bflag:$0x3] =	sbarrier.arrive $0xFFFF  }
0xf8: {  	_ =	shalt  }

</sc_bundles>
